<compile_context>
chip_gen: v7x
topology: tpu7x:2x2x1
jax: 0.10.2.dev20260603
libtpu: 0.0.44.dev20260713+nightly
codegen_flags: <defaults>
</compile_context>

<pallas_src>
import jax
import jax.numpy as jnp
from jax import lax
from jax.experimental import pallas as pl
from jax.experimental.pallas import tpu as pltpu
from jax.experimental.pallas import tpu_sc as plsc

BATCH = 1024
SEQ = 200
D = 128
NC = 2
NS = 16
NW = NC * NS
ROWS = BATCH * SEQ
RPW = ROWS // NW
NP = RPW // SEQ
HALF = SEQ // 2
NBUF = 3


def _tpe_kernel(idx_hbm, tok_hbm, pos_hbm, out_hbm,
                idx_v, pos_v, b0, b1, b2,
                g00, g01, g10, g11, g20, g21, s0, s1, s2):
    bufs = (b0, b1, b2)
    gsems = ((g00, g01), (g10, g11), (g20, g21))
    ssems = (s0, s1, s2)
    wid = lax.axis_index("s") * NC + lax.axis_index("c")
    base = wid * RPW

    pltpu.sync_copy(idx_hbm.at[wid], idx_v)

    def gather_desc(p, bi, h):
        return pltpu.make_async_copy(
            tok_hbm.at[idx_v.at[2 * p + h]],
            bufs[bi].at[pl.ds(h * HALF, HALF)],
            gsems[bi][h])

    def store_desc(p, bi):
        return pltpu.make_async_copy(
            bufs[bi], out_hbm.at[pl.ds(base + p * SEQ, SEQ)], ssems[bi])

    def issue_gathers(p, bi):
        gather_desc(p, bi, 0).start()
        gather_desc(p, bi, 1).start()

    def add_half(bi, h):
        b = bufs[bi]

        def row_step(r, carry):
            row = h * HALF + r
            for j in range(D // 16):
                sl = pl.ds(j * 16, 16)
                plsc.addupdate(b.at[row, sl], pos_v[row, sl])
            return carry

        lax.fori_loop(0, HALF, row_step, 0)

    def process_pair(p, bi):
        gather_desc(p, bi, 0).wait()
        add_half(bi, 0)
        gather_desc(p, bi, 1).wait()
        add_half(bi, 1)
        store_desc(p, bi).start()

    issue_gathers(0, 0)
    issue_gathers(1, 1)
    issue_gathers(2, 2)
    pltpu.sync_copy(pos_hbm, pos_v)
    process_pair(0, 0)
    process_pair(1, 1)
    store_desc(0, 0).wait()
    issue_gathers(3, 0)
    process_pair(2, 2)

    def group_body(g, carry):
        for u in range(NBUF):
            p = NBUF * (g + 1) + u
            bi = u
            store_desc(p - 2, (u + 1) % NBUF).wait()
            issue_gathers(p + 1, (u + 1) % NBUF)
            process_pair(p, bi)
        return carry

    lax.fori_loop(0, NP // NBUF - 1, group_body, 0)

    store_desc(28, 1).wait()
    issue_gathers(31, 1)
    process_pair(30, 0)
    store_desc(29, 2).wait()
    process_pair(31, 1)
    store_desc(30, 0).wait()
    store_desc(31, 1).wait()


@jax.jit
def kernel(inputs, token_table, pos_table):
    idx = inputs.reshape(NW, 2 * NP, HALF).astype(jnp.int32)
    run = pl.kernel(
        _tpe_kernel,
        out_type=jax.ShapeDtypeStruct((ROWS, D), jnp.float32),
        mesh=plsc.VectorSubcoreMesh(core_axis_name="c", subcore_axis_name="s"),
        scratch_types=[
            pltpu.VMEM((2 * NP, HALF), jnp.int32),
            pltpu.VMEM((SEQ, D), jnp.float32),
            pltpu.VMEM((SEQ, D), jnp.float32),
            pltpu.VMEM((SEQ, D), jnp.float32),
            pltpu.VMEM((SEQ, D), jnp.float32),
            pltpu.SemaphoreType.DMA,
            pltpu.SemaphoreType.DMA,
            pltpu.SemaphoreType.DMA,
            pltpu.SemaphoreType.DMA,
            pltpu.SemaphoreType.DMA,
            pltpu.SemaphoreType.DMA,
            pltpu.SemaphoreType.DMA,
            pltpu.SemaphoreType.DMA,
            pltpu.SemaphoreType.DMA,
        ],
    )
    out = run(idx, token_table, pos_table)
    return out.reshape(BATCH, SEQ, D)

# --- scband reference (transcript-rebuilt; emitter-appended) ---
"""Pipeline reference for scband-token-and-position-embedding-15221364097210 (READ-ONLY COPY).

The authoritative reference and input builder live on the scoring server;
editing this copy changes nothing except your own understanding.
"""

import jax, jax.numpy as jnp
import numpy as np

VOCAB_SIZE = 100000
MXLEN = 200
LATENT_DIM = 128
BATCH = 1024
SEQ_LEN = 200


def setup_inputs(seed: int = 0) -> dict:
    key = jax.random.key(seed)
    k_idx, k_tok, k_pos = jax.random.split(key, 3)
    inputs = jax.random.randint(k_idx, (BATCH, SEQ_LEN), 0, VOCAB_SIZE, dtype=jnp.int64 if jax.config.jax_enable_x64 else jnp.int32)
    # Keras Embedding default initializer is uniform(-0.05, 0.05)
    token_table = jax.random.uniform(k_tok, (VOCAB_SIZE, LATENT_DIM), dtype=jnp.float32, minval=-0.05, maxval=0.05)
    pos_table = jax.random.uniform(k_pos, (MXLEN, LATENT_DIM), dtype=jnp.float32, minval=-0.05, maxval=0.05)
    return {"inputs": inputs, "token_table": token_table, "pos_table": pos_table}


def reference(inputs, token_table, pos_table):
    seq_length = inputs.shape[-1]
    positions = jnp.arange(0, seq_length)
    embedded_token = jnp.take(token_table, inputs, axis=0)
    embedded_pos = jnp.take(pos_table, positions, axis=0)
    return embedded_token + embedded_pos

if __name__ == "__main__":
    import jax
    _d = setup_inputs()
    print(jax.jit(kernel)(*tuple(_d.values())))

</pallas_src>

<mosaic_0001>
#map = affine_map<(d0, d1) -> (0, 0, 0)>
#map1 = affine_map<(d0, d1) -> (0, 0)>
module attributes {stable_mosaic.version = 14 : i64} {
  func.func @_tpe_kernel(%arg0: i32, %arg1: i32, %arg2: memref<32x64x100xi32, #tpu.memory_space<hbm>>, %arg3: memref<100000x128xf32, #tpu.memory_space<hbm>>, %arg4: memref<200x128xf32, #tpu.memory_space<hbm>>, %arg5: memref<204800x128xf32, #tpu.memory_space<hbm>>, %arg6: memref<64x100xi32, #tpu.memory_space<vmem>>, %arg7: memref<200x128xf32, #tpu.memory_space<vmem>>, %arg8: memref<200x128xf32, #tpu.memory_space<vmem>>, %arg9: memref<200x128xf32, #tpu.memory_space<vmem>>, %arg10: memref<200x128xf32, #tpu.memory_space<vmem>>, %arg11: memref<!tpu.dma_semaphore, #tpu.memory_space<semaphore_mem>>, %arg12: memref<!tpu.dma_semaphore, #tpu.memory_space<semaphore_mem>>, %arg13: memref<!tpu.dma_semaphore, #tpu.memory_space<semaphore_mem>>, %arg14: memref<!tpu.dma_semaphore, #tpu.memory_space<semaphore_mem>>, %arg15: memref<!tpu.dma_semaphore, #tpu.memory_space<semaphore_mem>>, %arg16: memref<!tpu.dma_semaphore, #tpu.memory_space<semaphore_mem>>, %arg17: memref<!tpu.dma_semaphore, #tpu.memory_space<semaphore_mem>>, %arg18: memref<!tpu.dma_semaphore, #tpu.memory_space<semaphore_mem>>, %arg19: memref<!tpu.dma_semaphore, #tpu.memory_space<semaphore_mem>>) attributes {dimension_semantics = [#tpu.dimension_semantics<core_parallel>, #tpu.dimension_semantics<subcore_parallel>], iteration_bounds = array<i64: 2, 16>, scalar_prefetch = 0 : i64, scratch_operands = 14 : i64, tpu.core_type = #tpu.core_type<sc_vector_subcore>, window_params = [{transform_indices = #map}, {transform_indices = #map1}, {transform_indices = #map1}, {transform_indices = #map1}]} {
    %mul3A = arith.constant 2 : i32
    %mul3A_0 = arith.muli %arg1, %mul3A : i32
    %add3A = arith.addi %mul3A_0, %arg0 : i32
    %mul3A_1 = arith.constant 6400 : i32
    %mul3A_2 = arith.muli %add3A, %mul3A_1 : i32
    "tpu.region"() ({
      %run_scoped3A = tpu.sem_alloc : memref<!tpu.dma_semaphore, #tpu.memory_space<semaphore_mem>>
      %dma_start3A_326 = arith.constant 0 : i32
      %dma_start3A_327 = arith.constant 0 : i32
      %dma_start3A_328 = tpu.memref_slice %arg2[%add3A, %dma_start3A_326, %dma_start3A_327] : memref<32x64x100xi32, #tpu.memory_space<hbm>> -> memref<1x64x100xi32, #tpu.memory_space<hbm>>
      %dma_start3A_329 = tpu.memref_squeeze %dma_start3A_328 : memref<1x64x100xi32, #tpu.memory_space<hbm>> -> memref<64x100xi32, #tpu.memory_space<hbm>>
      %dma_start3A_330 = arith.constant 0 : i32
      %dma_start3A_331 = arith.constant 0 : i32
      %dma_start3A_332 = tpu.memref_slice %arg2[%add3A, %dma_start3A_330, %dma_start3A_331] : memref<32x64x100xi32, #tpu.memory_space<hbm>> -> memref<1x64x100xi32, #tpu.memory_space<hbm>>
      %dma_start3A_333 = tpu.memref_squeeze %dma_start3A_332 : memref<1x64x100xi32, #tpu.memory_space<hbm>> -> memref<64x100xi32, #tpu.memory_space<hbm>>
      tpu.enqueue_dma source(%dma_start3A_333 : memref<64x100xi32, #tpu.memory_space<hbm>>) target(%arg6 : memref<64x100xi32, #tpu.memory_space<vmem>>) target_semaphore(%run_scoped3A : memref<!tpu.dma_semaphore, #tpu.memory_space<semaphore_mem>>)
      %dma_wait3A_334 = arith.constant 0 : i32
      %dma_wait3A_335 = arith.constant 0 : i32
      %dma_wait3A_336 = tpu.memref_slice %arg2[%add3A, %dma_wait3A_334, %dma_wait3A_335] : memref<32x64x100xi32, #tpu.memory_space<hbm>> -> memref<1x64x100xi32, #tpu.memory_space<hbm>>
      %dma_wait3A_337 = tpu.memref_squeeze %dma_wait3A_336 : memref<1x64x100xi32, #tpu.memory_space<hbm>> -> memref<64x100xi32, #tpu.memory_space<hbm>>
      %dma_wait3A_338 = arith.constant 0 : i32
      %dma_wait3A_339 = arith.constant 0 : i32
      %dma_wait3A_340 = tpu.memref_slice %arg2[%add3A, %dma_wait3A_338, %dma_wait3A_339] : memref<32x64x100xi32, #tpu.memory_space<hbm>> -> memref<1x64x100xi32, #tpu.memory_space<hbm>>
      %dma_wait3A_341 = tpu.memref_squeeze %dma_wait3A_340 : memref<1x64x100xi32, #tpu.memory_space<hbm>> -> memref<64x100xi32, #tpu.memory_space<hbm>>
      tpu.wait_dma2 semaphore(%run_scoped3A : memref<!tpu.dma_semaphore, #tpu.memory_space<semaphore_mem>>) src(%dma_wait3A_341 : memref<64x100xi32, #tpu.memory_space<hbm>>) dst(%arg6 : memref<64x100xi32, #tpu.memory_space<vmem>>)
      tpu.yield
    }) : () -> ()
    %dma_start3A = arith.constant 0 : i32
    %dma_start3A_3 = arith.constant 0 : i32
    %dma_start3A_4 = arith.constant 0 : i32
    %dma_start3A_5 = tpu.memref_slice %arg8[%dma_start3A_3, %dma_start3A_4] : memref<200x128xf32, #tpu.memory_space<vmem>> -> memref<100x128xf32, #tpu.memory_space<vmem>>
    %dma_start3A_6 = arith.constant 0 : i32
    %dma_start3A_7 = tpu.memref_slice %arg6[%dma_start3A, %dma_start3A_6] : memref<64x100xi32, #tpu.memory_space<vmem>> -> memref<1x100xi32, #tpu.memory_space<vmem>>
    %dma_start3A_8 = tpu.memref_squeeze %dma_start3A_7 : memref<1x100xi32, #tpu.memory_space<vmem>> -> memref<100xi32, #tpu.memory_space<vmem>>
    %dma_start3A_9 = arith.constant 0 : i32
    %dma_start3A_10 = arith.constant 0 : i32
    %dma_start3A_11 = tpu.memref_slice %arg3[%dma_start3A_9, %dma_start3A_10] : memref<100000x128xf32, #tpu.memory_space<hbm>> -> memref<100000x128xf32, #tpu.memory_space<hbm>>
    tpu.enqueue_indirect_dma source(%dma_start3A_11 : memref<100000x128xf32, #tpu.memory_space<hbm>>) target(%dma_start3A_5 : memref<100x128xf32, #tpu.memory_space<vmem>>) offsets(%dma_start3A_8 : memref<100xi32, #tpu.memory_space<vmem>>) semaphore(%arg11 : memref<!tpu.dma_semaphore, #tpu.memory_space<semaphore_mem>>)
    %dma_start3A_12 = arith.constant 1 : i32
    %dma_start3A_13 = arith.constant 100 : i32
    %dma_start3A_14 = arith.constant 0 : i32
    %dma_start3A_15 = tpu.memref_slice %arg8[%dma_start3A_13, %dma_start3A_14] : memref<200x128xf32, #tpu.memory_space<vmem>> -> memref<100x128xf32, #tpu.memory_space<vmem>>
    %dma_start3A_16 = arith.constant 0 : i32
    %dma_start3A_17 = tpu.memref_slice %arg6[%dma_start3A_12, %dma_start3A_16] : memref<64x100xi32, #tpu.memory_space<vmem>> -> memref<1x100xi32, #tpu.memory_space<vmem>>
    %dma_start3A_18 = tpu.memref_squeeze %dma_start3A_17 : memref<1x100xi32, #tpu.memory_space<vmem>> -> memref<100xi32, #tpu.memory_space<vmem>>
    %dma_start3A_19 = arith.constant 0 : i32
    %dma_start3A_20 = arith.constant 0 : i32
    %dma_start3A_21 = tpu.memref_slice %arg3[%dma_start3A_19, %dma_start3A_20] : memref<100000x128xf32, #tpu.memory_space<hbm>> -> memref<100000x128xf32, #tpu.memory_space<hbm>>
    tpu.enqueue_indirect_dma source(%dma_start3A_21 : memref<100000x128xf32, #tpu.memory_space<hbm>>) target(%dma_start3A_15 : memref<100x128xf32, #tpu.memory_space<vmem>>) offsets(%dma_start3A_18 : memref<100xi32, #tpu.memory_space<vmem>>) semaphore(%arg12 : memref<!tpu.dma_semaphore, #tpu.memory_space<semaphore_mem>>)
    %dma_start3A_22 = arith.constant 2 : i32
    %dma_start3A_23 = arith.constant 0 : i32
    %dma_start3A_24 = arith.constant 0 : i32
    %dma_start3A_25 = tpu.memref_slice %arg9[%dma_start3A_23, %dma_start3A_24] : memref<200x128xf32, #tpu.memory_space<vmem>> -> memref<100x128xf32, #tpu.memory_space<vmem>>
    %dma_start3A_26 = arith.constant 0 : i32
    %dma_start3A_27 = tpu.memref_slice %arg6[%dma_start3A_22, %dma_start3A_26] : memref<64x100xi32, #tpu.memory_space<vmem>> -> memref<1x100xi32, #tpu.memory_space<vmem>>
    %dma_start3A_28 = tpu.memref_squeeze %dma_start3A_27 : memref<1x100xi32, #tpu.memory_space<vmem>> -> memref<100xi32, #tpu.memory_space<vmem>>
    %dma_start3A_29 = arith.constant 0 : i32
    %dma_start3A_30 = arith.constant 0 : i32
    %dma_start3A_31 = tpu.memref_slice %arg3[%dma_start3A_29, %dma_start3A_30] : memref<100000x128xf32, #tpu.memory_space<hbm>> -> memref<100000x128xf32, #tpu.memory_space<hbm>>
    tpu.enqueue_indirect_dma source(%dma_start3A_31 : memref<100000x128xf32, #tpu.memory_space<hbm>>) target(%dma_start3A_25 : memref<100x128xf32, #tpu.memory_space<vmem>>) offsets(%dma_start3A_28 : memref<100xi32, #tpu.memory_space<vmem>>) semaphore(%arg13 : memref<!tpu.dma_semaphore, #tpu.memory_space<semaphore_mem>>)
    %dma_start3A_32 = arith.constant 3 : i32
    %dma_start3A_33 = arith.constant 100 : i32
    %dma_start3A_34 = arith.constant 0 : i32
    %dma_start3A_35 = tpu.memref_slice %arg9[%dma_start3A_33, %dma_start3A_34] : memref<200x128xf32, #tpu.memory_space<vmem>> -> memref<100x128xf32, #tpu.memory_space<vmem>>
    %dma_start3A_36 = arith.constant 0 : i32
    %dma_start3A_37 = tpu.memref_slice %arg6[%dma_start3A_32, %dma_start3A_36] : memref<64x100xi32, #tpu.memory_space<vmem>> -> memref<1x100xi32, #tpu.memory_space<vmem>>
    %dma_start3A_38 = tpu.memref_squeeze %dma_start3A_37 : memref<1x100xi32, #tpu.memory_space<vmem>> -> memref<100xi32, #tpu.memory_space<vmem>>
    %dma_start3A_39 = arith.constant 0 : i32
    %dma_start3A_40 = arith.constant 0 : i32
    %dma_start3A_41 = tpu.memref_slice %arg3[%dma_start3A_39, %dma_start3A_40] : memref<100000x128xf32, #tpu.memory_space<hbm>> -> memref<100000x128xf32, #tpu.memory_space<hbm>>
    tpu.enqueue_indirect_dma source(%dma_start3A_41 : memref<100000x128xf32, #tpu.memory_space<hbm>>) target(%dma_start3A_35 : memref<100x128xf32, #tpu.memory_space<vmem>>) offsets(%dma_start3A_38 : memref<100xi32, #tpu.memory_space<vmem>>) semaphore(%arg14 : memref<!tpu.dma_semaphore, #tpu.memory_space<semaphore_mem>>)
    %dma_start3A_42 = arith.constant 4 : i32
    %dma_start3A_43 = arith.constant 0 : i32
    %dma_start3A_44 = arith.constant 0 : i32
    %dma_start3A_45 = tpu.memref_slice %arg10[%dma_start3A_43, %dma_start3A_44] : memref<200x128xf32, #tpu.memory_space<vmem>> -> memref<100x128xf32, #tpu.memory_space<vmem>>
    %dma_start3A_46 = arith.constant 0 : i32
    %dma_start3A_47 = tpu.memref_slice %arg6[%dma_start3A_42, %dma_start3A_46] : memref<64x100xi32, #tpu.memory_space<vmem>> -> memref<1x100xi32, #tpu.memory_space<vmem>>
    %dma_start3A_48 = tpu.memref_squeeze %dma_start3A_47 : memref<1x100xi32, #tpu.memory_space<vmem>> -> memref<100xi32, #tpu.memory_space<vmem>>
    %dma_start3A_49 = arith.constant 0 : i32
    %dma_start3A_50 = arith.constant 0 : i32
    %dma_start3A_51 = tpu.memref_slice %arg3[%dma_start3A_49, %dma_start3A_50] : memref<100000x128xf32, #tpu.memory_space<hbm>> -> memref<100000x128xf32, #tpu.memory_space<hbm>>
    tpu.enqueue_indirect_dma source(%dma_start3A_51 : memref<100000x128xf32, #tpu.memory_space<hbm>>) target(%dma_start3A_45 : memref<100x128xf32, #tpu.memory_space<vmem>>) offsets(%dma_start3A_48 : memref<100xi32, #tpu.memory_space<vmem>>) semaphore(%arg15 : memref<!tpu.dma_semaphore, #tpu.memory_space<semaphore_mem>>)
    %dma_start3A_52 = arith.constant 5 : i32
    %dma_start3A_53 = arith.constant 100 : i32
    %dma_start3A_54 = arith.constant 0 : i32
    %dma_start3A_55 = tpu.memref_slice %arg10[%dma_start3A_53, %dma_start3A_54] : memref<200x128xf32, #tpu.memory_space<vmem>> -> memref<100x128xf32, #tpu.memory_space<vmem>>
    %dma_start3A_56 = arith.constant 0 : i32
    %dma_start3A_57 = tpu.memref_slice %arg6[%dma_start3A_52, %dma_start3A_56] : memref<64x100xi32, #tpu.memory_space<vmem>> -> memref<1x100xi32, #tpu.memory_space<vmem>>
    %dma_start3A_58 = tpu.memref_squeeze %dma_start3A_57 : memref<1x100xi32, #tpu.memory_space<vmem>> -> memref<100xi32, #tpu.memory_space<vmem>>
    %dma_start3A_59 = arith.constant 0 : i32
    %dma_start3A_60 = arith.constant 0 : i32
    %dma_start3A_61 = tpu.memref_slice %arg3[%dma_start3A_59, %dma_start3A_60] : memref<100000x128xf32, #tpu.memory_space<hbm>> -> memref<100000x128xf32, #tpu.memory_space<hbm>>
    tpu.enqueue_indirect_dma source(%dma_start3A_61 : memref<100000x128xf32, #tpu.memory_space<hbm>>) target(%dma_start3A_55 : memref<100x128xf32, #tpu.memory_space<vmem>>) offsets(%dma_start3A_58 : memref<100xi32, #tpu.memory_space<vmem>>) semaphore(%arg16 : memref<!tpu.dma_semaphore, #tpu.memory_space<semaphore_mem>>)
    "tpu.region"() ({
      %run_scoped3A = tpu.sem_alloc : memref<!tpu.dma_semaphore, #tpu.memory_space<semaphore_mem>>
      tpu.enqueue_dma source(%arg4 : memref<200x128xf32, #tpu.memory_space<hbm>>) target(%arg7 : memref<200x128xf32, #tpu.memory_space<vmem>>) target_semaphore(%run_scoped3A : memref<!tpu.dma_semaphore, #tpu.memory_space<semaphore_mem>>)
      tpu.wait_dma2 semaphore(%run_scoped3A : memref<!tpu.dma_semaphore, #tpu.memory_space<semaphore_mem>>) src(%arg4 : memref<200x128xf32, #tpu.memory_space<hbm>>) dst(%arg7 : memref<200x128xf32, #tpu.memory_space<vmem>>)
      tpu.yield
    }) : () -> ()
    %dma_wait3A = arith.constant 0 : i32
    %dma_wait3A_62 = arith.constant 0 : i32
    %dma_wait3A_63 = arith.constant 0 : i32
    %dma_wait3A_64 = tpu.memref_slice %arg8[%dma_wait3A_62, %dma_wait3A_63] : memref<200x128xf32, #tpu.memory_space<vmem>> -> memref<100x128xf32, #tpu.memory_space<vmem>>
    %dma_wait3A_65 = arith.constant 0 : i32
    %dma_wait3A_66 = tpu.memref_slice %arg6[%dma_wait3A, %dma_wait3A_65] : memref<64x100xi32, #tpu.memory_space<vmem>> -> memref<1x100xi32, #tpu.memory_space<vmem>>
    %dma_wait3A_67 = tpu.memref_squeeze %dma_wait3A_66 : memref<1x100xi32, #tpu.memory_space<vmem>> -> memref<100xi32, #tpu.memory_space<vmem>>
    %dma_wait3A_68 = arith.constant 0 : i32
    %dma_wait3A_69 = arith.constant 0 : i32
    %dma_wait3A_70 = tpu.memref_slice %arg3[%dma_wait3A_68, %dma_wait3A_69] : memref<100000x128xf32, #tpu.memory_space<hbm>> -> memref<100000x128xf32, #tpu.memory_space<hbm>>
    tpu.wait_indirect_dma semaphore(%arg11 : memref<!tpu.dma_semaphore, #tpu.memory_space<semaphore_mem>>) src(%dma_wait3A_70 : memref<100000x128xf32, #tpu.memory_space<hbm>>) dst(%dma_wait3A_64 : memref<100x128xf32, #tpu.memory_space<vmem>>)
    %scan3A = arith.constant 0 : i32
    %scan3A_71 = arith.constant 0 : i32
    %scan3A_72 = arith.constant 100 : i32
    %scan3A_73 = arith.addi %scan3A_71, %scan3A_72 : i32
    %scan3A_74 = arith.constant 1 : i32
    scf.for %scan3A_326 = %scan3A_71 to %scan3A_73 step %scan3A_74  : i32 {
      %add3A_327 = arith.constant 0 : i32
      %add3A_328 = arith.addi %add3A_327, %scan3A_326 : i32
      %get3A = arith.index_cast %add3A_328 : i32 to index
      %get3A_329 = arith.constant 0 : index
      %get3A_330 = tpu.vector_load %arg7[%get3A, %get3A_329] {strides = array<i32>} : memref<200x128xf32, #tpu.memory_space<vmem>>, vector<1x16xf32>,
      %get3A_331 = vector.shape_cast %get3A_330 : vector<1x16xf32> to vector<16xf32>
      %swap3A = arith.index_cast %add3A_328 : i32 to index
      %swap3A_332 = arith.constant 0 : index
      %swap3A_333 = tpu.vector_load %arg8[%swap3A, %swap3A_332] {strides = array<i32>} : memref<200x128xf32, #tpu.memory_space<vmem>>, vector<1x16xf32>,
      %swap3A_334 = vector.shape_cast %swap3A_333 : vector<1x16xf32> to vector<16xf32>
      %swap3A_335 = vector.shape_cast %get3A_331 : vector<16xf32> to vector<1x16xf32>
      tpu.vector_store %arg8[%swap3A, %swap3A_332], %swap3A_335 {add = true, strides = array<i32>} : memref<200x128xf32, #tpu.memory_space<vmem>>, vector<1x16xf32>,
      %get3A_336 = arith.index_cast %add3A_328 : i32 to index
      %get3A_337 = arith.constant 16 : index
      %get3A_338 = tpu.vector_load %arg7[%get3A_336, %get3A_337] {strides = array<i32>} : memref<200x128xf32, #tpu.memory_space<vmem>>, vector<1x16xf32>,
      %get3A_339 = vector.shape_cast %get3A_338 : vector<1x16xf32> to vector<16xf32>
      %swap3A_340 = arith.index_cast %add3A_328 : i32 to index
      %swap3A_341 = arith.constant 16 : index
      %swap3A_342 = tpu.vector_load %arg8[%swap3A_340, %swap3A_341] {strides = array<i32>} : memref<200x128xf32, #tpu.memory_space<vmem>>, vector<1x16xf32>,
      %swap3A_343 = vector.shape_cast %swap3A_342 : vector<1x16xf32> to vector<16xf32>
      %swap3A_344 = vector.shape_cast %get3A_339 : vector<16xf32> to vector<1x16xf32>
      tpu.vector_store %arg8[%swap3A_340, %swap3A_341], %swap3A_344 {add = true, strides = array<i32>} : memref<200x128xf32, #tpu.memory_space<vmem>>, vector<1x16xf32>,
      %get3A_345 = arith.index_cast %add3A_328 : i32 to index
      %get3A_346 = arith.constant 32 : index
      %get3A_347 = tpu.vector_load %arg7[%get3A_345, %get3A_346] {strides = array<i32>} : memref<200x128xf32, #tpu.memory_space<vmem>>, vector<1x16xf32>,
      %get3A_348 = vector.shape_cast %get3A_347 : vector<1x16xf32> to vector<16xf32>
      %swap3A_349 = arith.index_cast %add3A_328 : i32 to index
      %swap3A_350 = arith.constant 32 : index
      %swap3A_351 = tpu.vector_load %arg8[%swap3A_349, %swap3A_350] {strides = array<i32>} : memref<200x128xf32, #tpu.memory_space<vmem>>, vector<1x16xf32>,
      %swap3A_352 = vector.shape_cast %swap3A_351 : vector<1x16xf32> to vector<16xf32>
      %swap3A_353 = vector.shape_cast %get3A_348 : vector<16xf32> to vector<1x16xf32>
      tpu.vector_store %arg8[%swap3A_349, %swap3A_350], %swap3A_353 {add = true, strides = array<i32>} : memref<200x128xf32, #tpu.memory_space<vmem>>, vector<1x16xf32>,
      %get3A_354 = arith.index_cast %add3A_328 : i32 to index
      %get3A_355 = arith.constant 48 : index
      %get3A_356 = tpu.vector_load %arg7[%get3A_354, %get3A_355] {strides = array<i32>} : memref<200x128xf32, #tpu.memory_space<vmem>>, vector<1x16xf32>,
      %get3A_357 = vector.shape_cast %get3A_356 : vector<1x16xf32> to vector<16xf32>
      %swap3A_358 = arith.index_cast %add3A_328 : i32 to index
      %swap3A_359 = arith.constant 48 : index
      %swap3A_360 = tpu.vector_load %arg8[%swap3A_358, %swap3A_359] {strides = array<i32>} : memref<200x128xf32, #tpu.memory_space<vmem>>, vector<1x16xf32>,
      %swap3A_361 = vector.shape_cast %swap3A_360 : vector<1x16xf32> to vector<16xf32>
      %swap3A_362 = vector.shape_cast %get3A_357 : vector<16xf32> to vector<1x16xf32>
      tpu.vector_store %arg8[%swap3A_358, %swap3A_359], %swap3A_362 {add = true, strides = array<i32>} : memref<200x128xf32, #tpu.memory_space<vmem>>, vector<1x16xf32>,
      %get3A_363 = arith.index_cast %add3A_328 : i32 to index
      %get3A_364 = arith.constant 64 : index
      %get3A_365 = tpu.vector_load %arg7[%get3A_363, %get3A_364] {strides = array<i32>} : memref<200x128xf32, #tpu.memory_space<vmem>>, vector<1x16xf32>,
      %get3A_366 = vector.shape_cast %get3A_365 : vector<1x16xf32> to vector<16xf32>
      %swap3A_367 = arith.index_cast %add3A_328 : i32 to index
      %swap3A_368 = arith.constant 64 : index
      %swap3A_369 = tpu.vector_load %arg8[%swap3A_367, %swap3A_368] {strides = array<i32>} : memref<200x128xf32, #tpu.memory_space<vmem>>, vector<1x16xf32>,
      %swap3A_370 = vector.shape_cast %swap3A_369 : vector<1x16xf32> to vector<16xf32>
      %swap3A_371 = vector.shape_cast %get3A_366 : vector<16xf32> to vector<1x16xf32>
      tpu.vector_store %arg8[%swap3A_367, %swap3A_368], %swap3A_371 {add = true, strides = array<i32>} : memref<200x128xf32, #tpu.memory_space<vmem>>, vector<1x16xf32>,
      %get3A_372 = arith.index_cast %add3A_328 : i32 to index
      %get3A_373 = arith.constant 80 : index
      %get3A_374 = tpu.vector_load %arg7[%get3A_372, %get3A_373] {strides = array<i32>} : memref<200x128xf32, #tpu.memory_space<vmem>>, vector<1x16xf32>,
      %get3A_375 = vector.shape_cast %get3A_374 : vector<1x16xf32> to vector<16xf32>
      %swap3A_376 = arith.index_cast %add3A_328 : i32 to index
      %swap3A_377 = arith.constant 80 : index
      %swap3A_378 = tpu.vector_load %arg8[%swap3A_376, %swap3A_377] {strides = array<i32>} : memref<200x128xf32, #tpu.memory_space<vmem>>, vector<1x16xf32>,
      %swap3A_379 = vector.shape_cast %swap3A_378 : vector<1x16xf32> to vector<16xf32>
      %swap3A_380 = vector.shape_cast %get3A_375 : vector<16xf32> to vector<1x16xf32>
      tpu.vector_store %arg8[%swap3A_376, %swap3A_377], %swap3A_380 {add = true, strides = array<i32>} : memref<200x128xf32, #tpu.memory_space<vmem>>, vector<1x16xf32>,
      %get3A_381 = arith.index_cast %add3A_328 : i32 to index
      %get3A_382 = arith.constant 96 : index
      %get3A_383 = tpu.vector_load %arg7[%get3A_381, %get3A_382] {strides = array<i32>} : memref<200x128xf32, #tpu.memory_space<vmem>>, vector<1x16xf32>,
      %get3A_384 = vector.shape_cast %get3A_383 : vector<1x16xf32> to vector<16xf32>
      %swap3A_385 = arith.index_cast %add3A_328 : i32 to index
      %swap3A_386 = arith.constant 96 : index
      %swap3A_387 = tpu.vector_load %arg8[%swap3A_385, %swap3A_386] {strides = array<i32>} : memref<200x128xf32, #tpu.memory_space<vmem>>, vector<1x16xf32>,
      %swap3A_388 = vector.shape_cast %swap3A_387 : vector<1x16xf32> to vector<16xf32>
      %swap3A_389 = vector.shape_cast %get3A_384 : vector<16xf32> to vector<1x16xf32>
      tpu.vector_store %arg8[%swap3A_385, %swap3A_386], %swap3A_389 {add = true, strides = array<i32>} : memref<200x128xf32, #tpu.memory_space<vmem>>, vector<1x16xf32>,
      %get3A_390 = arith.index_cast %add3A_328 : i32 to index
      %get3A_391 = arith.constant 112 : index
      %get3A_392 = tpu.vector_load %arg7[%get3A_390, %get3A_391] {strides = array<i32>} : memref<200x128xf32, #tpu.memory_space<vmem>>, vector<1x16xf32>,
      %get3A_393 = vector.shape_cast %get3A_392 : vector<1x16xf32> to vector<16xf32>
      %swap3A_394 = arith.index_cast %add3A_328 : i32 to index
      %swap3A_395 = arith.constant 112 : index
      %swap3A_396 = tpu.vector_load %arg8[%swap3A_394, %swap3A_395] {strides = array<i32>} : memref<200x128xf32, #tpu.memory_space<vmem>>, vector<1x16xf32>,
      %swap3A_397 = vector.shape_cast %swap3A_396 : vector<1x16xf32> to vector<16xf32>
      %swap3A_398 = vector.shape_cast %get3A_393 : vector<16xf32> to vector<1x16xf32>
      tpu.vector_store %arg8[%swap3A_394, %swap3A_395], %swap3A_398 {add = true, strides = array<i32>} : memref<200x128xf32, #tpu.memory_space<vmem>>, vector<1x16xf32>,
    }
    %scan3A_75 = arith.constant 100 : i32
    %dma_wait3A_76 = arith.constant 1 : i32
    %dma_wait3A_77 = arith.constant 100 : i32
    %dma_wait3A_78 = arith.constant 0 : i32
    %dma_wait3A_79 = tpu.memref_slice %arg8[%dma_wait3A_77, %dma_wait3A_78] : memref<200x128xf32, #tpu.memory_space<vmem>> -> memref<100x128xf32, #tpu.memory_space<vmem>>
    %dma_wait3A_80 = arith.constant 0 : i32
    %dma_wait3A_81 = tpu.memref_slice %arg6[%dma_wait3A_76, %dma_wait3A_80] : memref<64x100xi32, #tpu.memory_space<vmem>> -> memref<1x100xi32, #tpu.memory_space<vmem>>
    %dma_wait3A_82 = tpu.memref_squeeze %dma_wait3A_81 : memref<1x100xi32, #tpu.memory_space<vmem>> -> memref<100xi32, #tpu.memory_space<vmem>>
    %dma_wait3A_83 = arith.constant 0 : i32
    %dma_wait3A_84 = arith.constant 0 : i32
    %dma_wait3A_85 = tpu.memref_slice %arg3[%dma_wait3A_83, %dma_wait3A_84] : memref<100000x128xf32, #tpu.memory_space<hbm>> -> memref<100000x128xf32, #tpu.memory_space<hbm>>
    tpu.wait_indirect_dma semaphore(%arg12 : memref<!tpu.dma_semaphore, #tpu.memory_space<semaphore_mem>>) src(%dma_wait3A_85 : memref<100000x128xf32, #tpu.memory_space<hbm>>) dst(%dma_wait3A_79 : memref<100x128xf32, #tpu.memory_space<vmem>>)
    %scan3A_86 = arith.constant 0 : i32
    %scan3A_87 = arith.constant 0 : i32
    %scan3A_88 = arith.constant 100 : i32
    %scan3A_89 = arith.addi %scan3A_87, %scan3A_88 : i32
    %scan3A_90 = arith.constant 1 : i32
    scf.for %scan3A_326 = %scan3A_87 to %scan3A_89 step %scan3A_90  : i32 {
      %add3A_327 = arith.constant 100 : i32
      %add3A_328 = arith.addi %add3A_327, %scan3A_326 : i32
      %get3A = arith.index_cast %add3A_328 : i32 to index
      %get3A_329 = arith.constant 0 : index
      %get3A_330 = tpu.vector_load %arg7[%get3A, %get3A_329] {strides = array<i32>} : memref<200x128xf32, #tpu.memory_space<vmem>>, vector<1x16xf32>,
      %get3A_331 = vector.shape_cast %get3A_330 : vector<1x16xf32> to vector<16xf32>
      %swap3A = arith.index_cast %add3A_328 : i32 to index
      %swap3A_332 = arith.constant 0 : index
      %swap3A_333 = tpu.vector_load %arg8[%swap3A, %swap3A_332] {strides = array<i32>} : memref<200x128xf32, #tpu.memory_space<vmem>>, vector<1x16xf32>,
      %swap3A_334 = vector.shape_cast %swap3A_333 : vector<1x16xf32> to vector<16xf32>
      %swap3A_335 = vector.shape_cast %get3A_331 : vector<16xf32> to vector<1x16xf32>
      tpu.vector_store %arg8[%swap3A, %swap3A_332], %swap3A_335 {add = true, strides = array<i32>} : memref<200x128xf32, #tpu.memory_space<vmem>>, vector<1x16xf32>,
      %get3A_336 = arith.index_cast %add3A_328 : i32 to index
      %get3A_337 = arith.constant 16 : index
      %get3A_338 = tpu.vector_load %arg7[%get3A_336, %get3A_337] {strides = array<i32>} : memref<200x128xf32, #tpu.memory_space<vmem>>, vector<1x16xf32>,
      %get3A_339 = vector.shape_cast %get3A_338 : vector<1x16xf32> to vector<16xf32>
      %swap3A_340 = arith.index_cast %add3A_328 : i32 to index
      %swap3A_341 = arith.constant 16 : index
      %swap3A_342 = tpu.vector_load %arg8[%swap3A_340, %swap3A_341] {strides = array<i32>} : memref<200x128xf32, #tpu.memory_space<vmem>>, vector<1x16xf32>,
      %swap3A_343 = vector.shape_cast %swap3A_342 : vector<1x16xf32> to vector<16xf32>
      %swap3A_344 = vector.shape_cast %get3A_339 : vector<16xf32> to vector<1x16xf32>
      tpu.vector_store %arg8[%swap3A_340, %swap3A_341], %swap3A_344 {add = true, strides = array<i32>} : memref<200x128xf32, #tpu.memory_space<vmem>>, vector<1x16xf32>,
      %get3A_345 = arith.index_cast %add3A_328 : i32 to index
      %get3A_346 = arith.constant 32 : index
      %get3A_347 = tpu.vector_load %arg7[%get3A_345, %get3A_346] {strides = array<i32>} : memref<200x128xf32, #tpu.memory_space<vmem>>, vector<1x16xf32>,
      %get3A_348 = vector.shape_cast %get3A_347 : vector<1x16xf32> to vector<16xf32>
      %swap3A_349 = arith.index_cast %add3A_328 : i32 to index
      %swap3A_350 = arith.constant 32 : index
      %swap3A_351 = tpu.vector_load %arg8[%swap3A_349, %swap3A_350] {strides = array<i32>} : memref<200x128xf32, #tpu.memory_space<vmem>>, vector<1x16xf32>,
      %swap3A_352 = vector.shape_cast %swap3A_351 : vector<1x16xf32> to vector<16xf32>
      %swap3A_353 = vector.shape_cast %get3A_348 : vector<16xf32> to vector<1x16xf32>
      tpu.vector_store %arg8[%swap3A_349, %swap3A_350], %swap3A_353 {add = true, strides = array<i32>} : memref<200x128xf32, #tpu.memory_space<vmem>>, vector<1x16xf32>,
      %get3A_354 = arith.index_cast %add3A_328 : i32 to index
      %get3A_355 = arith.constant 48 : index
      %get3A_356 = tpu.vector_load %arg7[%get3A_354, %get3A_355] {strides = array<i32>} : memref<200x128xf32, #tpu.memory_space<vmem>>, vector<1x16xf32>,
      %get3A_357 = vector.shape_cast %get3A_356 : vector<1x16xf32> to vector<16xf32>
      %swap3A_358 = arith.index_cast %add3A_328 : i32 to index
      %swap3A_359 = arith.constant 48 : index
      %swap3A_360 = tpu.vector_load %arg8[%swap3A_358, %swap3A_359] {strides = array<i32>} : memref<200x128xf32, #tpu.memory_space<vmem>>, vector<1x16xf32>,
      %swap3A_361 = vector.shape_cast %swap3A_360 : vector<1x16xf32> to vector<16xf32>
      %swap3A_362 = vector.shape_cast %get3A_357 : vector<16xf32> to vector<1x16xf32>
      tpu.vector_store %arg8[%swap3A_358, %swap3A_359], %swap3A_362 {add = true, strides = array<i32>} : memref<200x128xf32, #tpu.memory_space<vmem>>, vector<1x16xf32>,
      %get3A_363 = arith.index_cast %add3A_328 : i32 to index
      %get3A_364 = arith.constant 64 : index
      %get3A_365 = tpu.vector_load %arg7[%get3A_363, %get3A_364] {strides = array<i32>} : memref<200x128xf32, #tpu.memory_space<vmem>>, vector<1x16xf32>,
      %get3A_366 = vector.shape_cast %get3A_365 : vector<1x16xf32> to vector<16xf32>
      %swap3A_367 = arith.index_cast %add3A_328 : i32 to index
      %swap3A_368 = arith.constant 64 : index
      %swap3A_369 = tpu.vector_load %arg8[%swap3A_367, %swap3A_368] {strides = array<i32>} : memref<200x128xf32, #tpu.memory_space<vmem>>, vector<1x16xf32>,
      %swap3A_370 = vector.shape_cast %swap3A_369 : vector<1x16xf32> to vector<16xf32>
      %swap3A_371 = vector.shape_cast %get3A_366 : vector<16xf32> to vector<1x16xf32>
      tpu.vector_store %arg8[%swap3A_367, %swap3A_368], %swap3A_371 {add = true, strides = array<i32>} : memref<200x128xf32, #tpu.memory_space<vmem>>, vector<1x16xf32>,
      %get3A_372 = arith.index_cast %add3A_328 : i32 to index
      %get3A_373 = arith.constant 80 : index
      %get3A_374 = tpu.vector_load %arg7[%get3A_372, %get3A_373] {strides = array<i32>} : memref<200x128xf32, #tpu.memory_space<vmem>>, vector<1x16xf32>,
      %get3A_375 = vector.shape_cast %get3A_374 : vector<1x16xf32> to vector<16xf32>
      %swap3A_376 = arith.index_cast %add3A_328 : i32 to index
      %swap3A_377 = arith.constant 80 : index
      %swap3A_378 = tpu.vector_load %arg8[%swap3A_376, %swap3A_377] {strides = array<i32>} : memref<200x128xf32, #tpu.memory_space<vmem>>, vector<1x16xf32>,
      %swap3A_379 = vector.shape_cast %swap3A_378 : vector<1x16xf32> to vector<16xf32>
      %swap3A_380 = vector.shape_cast %get3A_375 : vector<16xf32> to vector<1x16xf32>
      tpu.vector_store %arg8[%swap3A_376, %swap3A_377], %swap3A_380 {add = true, strides = array<i32>} : memref<200x128xf32, #tpu.memory_space<vmem>>, vector<1x16xf32>,
      %get3A_381 = arith.index_cast %add3A_328 : i32 to index
      %get3A_382 = arith.constant 96 : index
      %get3A_383 = tpu.vector_load %arg7[%get3A_381, %get3A_382] {strides = array<i32>} : memref<200x128xf32, #tpu.memory_space<vmem>>, vector<1x16xf32>,
      %get3A_384 = vector.shape_cast %get3A_383 : vector<1x16xf32> to vector<16xf32>
      %swap3A_385 = arith.index_cast %add3A_328 : i32 to index
      %swap3A_386 = arith.constant 96 : index
      %swap3A_387 = tpu.vector_load %arg8[%swap3A_385, %swap3A_386] {strides = array<i32>} : memref<200x128xf32, #tpu.memory_space<vmem>>, vector<1x16xf32>,
      %swap3A_388 = vector.shape_cast %swap3A_387 : vector<1x16xf32> to vector<16xf32>
      %swap3A_389 = vector.shape_cast %get3A_384 : vector<16xf32> to vector<1x16xf32>
      tpu.vector_store %arg8[%swap3A_385, %swap3A_386], %swap3A_389 {add = true, strides = array<i32>} : memref<200x128xf32, #tpu.memory_space<vmem>>, vector<1x16xf32>,
      %get3A_390 = arith.index_cast %add3A_328 : i32 to index
      %get3A_391 = arith.constant 112 : index
      %get3A_392 = tpu.vector_load %arg7[%get3A_390, %get3A_391] {strides = array<i32>} : memref<200x128xf32, #tpu.memory_space<vmem>>, vector<1x16xf32>,
      %get3A_393 = vector.shape_cast %get3A_392 : vector<1x16xf32> to vector<16xf32>
      %swap3A_394 = arith.index_cast %add3A_328 : i32 to index
      %swap3A_395 = arith.constant 112 : index
      %swap3A_396 = tpu.vector_load %arg8[%swap3A_394, %swap3A_395] {strides = array<i32>} : memref<200x128xf32, #tpu.memory_space<vmem>>, vector<1x16xf32>,
      %swap3A_397 = vector.shape_cast %swap3A_396 : vector<1x16xf32> to vector<16xf32>
      %swap3A_398 = vector.shape_cast %get3A_393 : vector<16xf32> to vector<1x16xf32>
      tpu.vector_store %arg8[%swap3A_394, %swap3A_395], %swap3A_398 {add = true, strides = array<i32>} : memref<200x128xf32, #tpu.memory_space<vmem>>, vector<1x16xf32>,
    }
    %scan3A_91 = arith.constant 100 : i32
    %add3A_92 = arith.constant 0 : i32
    %add3A_93 = arith.addi %mul3A_2, %add3A_92 : i32
    %dma_start3A_94 = arith.constant 0 : i32
    %dma_start3A_95 = tpu.memref_slice %arg5[%add3A_93, %dma_start3A_94] : memref<204800x128xf32, #tpu.memory_space<hbm>> -> memref<200x128xf32, #tpu.memory_space<hbm>>
    %dma_start3A_96 = arith.constant 0 : i32
    %dma_start3A_97 = tpu.memref_slice %arg5[%add3A_93, %dma_start3A_96] : memref<204800x128xf32, #tpu.memory_space<hbm>> -> memref<200x128xf32, #tpu.memory_space<hbm>>
    tpu.enqueue_dma source(%arg8 : memref<200x128xf32, #tpu.memory_space<vmem>>) target(%dma_start3A_97 : memref<200x128xf32, #tpu.memory_space<hbm>>) target_semaphore(%arg17 : memref<!tpu.dma_semaphore, #tpu.memory_space<semaphore_mem>>)
    %dma_wait3A_98 = arith.constant 2 : i32
    %dma_wait3A_99 = arith.constant 0 : i32
    %dma_wait3A_100 = arith.constant 0 : i32
    %dma_wait3A_101 = tpu.memref_slice %arg9[%dma_wait3A_99, %dma_wait3A_100] : memref<200x128xf32, #tpu.memory_space<vmem>> -> memref<100x128xf32, #tpu.memory_space<vmem>>
    %dma_wait3A_102 = arith.constant 0 : i32
    %dma_wait3A_103 = tpu.memref_slice %arg6[%dma_wait3A_98, %dma_wait3A_102] : memref<64x100xi32, #tpu.memory_space<vmem>> -> memref<1x100xi32, #tpu.memory_space<vmem>>
    %dma_wait3A_104 = tpu.memref_squeeze %dma_wait3A_103 : memref<1x100xi32, #tpu.memory_space<vmem>> -> memref<100xi32, #tpu.memory_space<vmem>>
    %dma_wait3A_105 = arith.constant 0 : i32
    %dma_wait3A_106 = arith.constant 0 : i32
    %dma_wait3A_107 = tpu.memref_slice %arg3[%dma_wait3A_105, %dma_wait3A_106] : memref<100000x128xf32, #tpu.memory_space<hbm>> -> memref<100000x128xf32, #tpu.memory_space<hbm>>
    tpu.wait_indirect_dma semaphore(%arg13 : memref<!tpu.dma_semaphore, #tpu.memory_space<semaphore_mem>>) src(%dma_wait3A_107 : memref<100000x128xf32, #tpu.memory_space<hbm>>) dst(%dma_wait3A_101 : memref<100x128xf32, #tpu.memory_space<vmem>>)
    %scan3A_108 = arith.constant 0 : i32
    %scan3A_109 = arith.constant 0 : i32
    %scan3A_110 = arith.constant 100 : i32
    %scan3A_111 = arith.addi %scan3A_109, %scan3A_110 : i32
    %scan3A_112 = arith.constant 1 : i32
    scf.for %scan3A_326 = %scan3A_109 to %scan3A_111 step %scan3A_112  : i32 {
      %add3A_327 = arith.constant 0 : i32
      %add3A_328 = arith.addi %add3A_327, %scan3A_326 : i32
      %get3A = arith.index_cast %add3A_328 : i32 to index
      %get3A_329 = arith.constant 0 : index
      %get3A_330 = tpu.vector_load %arg7[%get3A, %get3A_329] {strides = array<i32>} : memref<200x128xf32, #tpu.memory_space<vmem>>, vector<1x16xf32>,
      %get3A_331 = vector.shape_cast %get3A_330 : vector<1x16xf32> to vector<16xf32>
      %swap3A = arith.index_cast %add3A_328 : i32 to index
      %swap3A_332 = arith.constant 0 : index
      %swap3A_333 = tpu.vector_load %arg9[%swap3A, %swap3A_332] {strides = array<i32>} : memref<200x128xf32, #tpu.memory_space<vmem>>, vector<1x16xf32>,
      %swap3A_334 = vector.shape_cast %swap3A_333 : vector<1x16xf32> to vector<16xf32>
      %swap3A_335 = vector.shape_cast %get3A_331 : vector<16xf32> to vector<1x16xf32>
      tpu.vector_store %arg9[%swap3A, %swap3A_332], %swap3A_335 {add = true, strides = array<i32>} : memref<200x128xf32, #tpu.memory_space<vmem>>, vector<1x16xf32>,
      %get3A_336 = arith.index_cast %add3A_328 : i32 to index
      %get3A_337 = arith.constant 16 : index
      %get3A_338 = tpu.vector_load %arg7[%get3A_336, %get3A_337] {strides = array<i32>} : memref<200x128xf32, #tpu.memory_space<vmem>>, vector<1x16xf32>,
      %get3A_339 = vector.shape_cast %get3A_338 : vector<1x16xf32> to vector<16xf32>
      %swap3A_340 = arith.index_cast %add3A_328 : i32 to index
      %swap3A_341 = arith.constant 16 : index
      %swap3A_342 = tpu.vector_load %arg9[%swap3A_340, %swap3A_341] {strides = array<i32>} : memref<200x128xf32, #tpu.memory_space<vmem>>, vector<1x16xf32>,
      %swap3A_343 = vector.shape_cast %swap3A_342 : vector<1x16xf32> to vector<16xf32>
      %swap3A_344 = vector.shape_cast %get3A_339 : vector<16xf32> to vector<1x16xf32>
      tpu.vector_store %arg9[%swap3A_340, %swap3A_341], %swap3A_344 {add = true, strides = array<i32>} : memref<200x128xf32, #tpu.memory_space<vmem>>, vector<1x16xf32>,
      %get3A_345 = arith.index_cast %add3A_328 : i32 to index
      %get3A_346 = arith.constant 32 : index
      %get3A_347 = tpu.vector_load %arg7[%get3A_345, %get3A_346] {strides = array<i32>} : memref<200x128xf32, #tpu.memory_space<vmem>>, vector<1x16xf32>,
      %get3A_348 = vector.shape_cast %get3A_347 : vector<1x16xf32> to vector<16xf32>
      %swap3A_349 = arith.index_cast %add3A_328 : i32 to index
      %swap3A_350 = arith.constant 32 : index
      %swap3A_351 = tpu.vector_load %arg9[%swap3A_349, %swap3A_350] {strides = array<i32>} : memref<200x128xf32, #tpu.memory_space<vmem>>, vector<1x16xf32>,
      %swap3A_352 = vector.shape_cast %swap3A_351 : vector<1x16xf32> to vector<16xf32>
      %swap3A_353 = vector.shape_cast %get3A_348 : vector<16xf32> to vector<1x16xf32>
      tpu.vector_store %arg9[%swap3A_349, %swap3A_350], %swap3A_353 {add = true, strides = array<i32>} : memref<200x128xf32, #tpu.memory_space<vmem>>, vector<1x16xf32>,
      %get3A_354 = arith.index_cast %add3A_328 : i32 to index
      %get3A_355 = arith.constant 48 : index
      %get3A_356 = tpu.vector_load %arg7[%get3A_354, %get3A_355] {strides = array<i32>} : memref<200x128xf32, #tpu.memory_space<vmem>>, vector<1x16xf32>,
      %get3A_357 = vector.shape_cast %get3A_356 : vector<1x16xf32> to vector<16xf32>
      %swap3A_358 = arith.index_cast %add3A_328 : i32 to index
      %swap3A_359 = arith.constant 48 : index
      %swap3A_360 = tpu.vector_load %arg9[%swap3A_358, %swap3A_359] {strides = array<i32>} : memref<200x128xf32, #tpu.memory_space<vmem>>, vector<1x16xf32>,
      %swap3A_361 = vector.shape_cast %swap3A_360 : vector<1x16xf32> to vector<16xf32>
      %swap3A_362 = vector.shape_cast %get3A_357 : vector<16xf32> to vector<1x16xf32>
      tpu.vector_store %arg9[%swap3A_358, %swap3A_359], %swap3A_362 {add = true, strides = array<i32>} : memref<200x128xf32, #tpu.memory_space<vmem>>, vector<1x16xf32>,
      %get3A_363 = arith.index_cast %add3A_328 : i32 to index
      %get3A_364 = arith.constant 64 : index
      %get3A_365 = tpu.vector_load %arg7[%get3A_363, %get3A_364] {strides = array<i32>} : memref<200x128xf32, #tpu.memory_space<vmem>>, vector<1x16xf32>,
      %get3A_366 = vector.shape_cast %get3A_365 : vector<1x16xf32> to vector<16xf32>
      %swap3A_367 = arith.index_cast %add3A_328 : i32 to index
      %swap3A_368 = arith.constant 64 : index
      %swap3A_369 = tpu.vector_load %arg9[%swap3A_367, %swap3A_368] {strides = array<i32>} : memref<200x128xf32, #tpu.memory_space<vmem>>, vector<1x16xf32>,
      %swap3A_370 = vector.shape_cast %swap3A_369 : vector<1x16xf32> to vector<16xf32>
      %swap3A_371 = vector.shape_cast %get3A_366 : vector<16xf32> to vector<1x16xf32>
      tpu.vector_store %arg9[%swap3A_367, %swap3A_368], %swap3A_371 {add = true, strides = array<i32>} : memref<200x128xf32, #tpu.memory_space<vmem>>, vector<1x16xf32>,
      %get3A_372 = arith.index_cast %add3A_328 : i32 to index
      %get3A_373 = arith.constant 80 : index
      %get3A_374 = tpu.vector_load %arg7[%get3A_372, %get3A_373] {strides = array<i32>} : memref<200x128xf32, #tpu.memory_space<vmem>>, vector<1x16xf32>,
      %get3A_375 = vector.shape_cast %get3A_374 : vector<1x16xf32> to vector<16xf32>
      %swap3A_376 = arith.index_cast %add3A_328 : i32 to index
      %swap3A_377 = arith.constant 80 : index
      %swap3A_378 = tpu.vector_load %arg9[%swap3A_376, %swap3A_377] {strides = array<i32>} : memref<200x128xf32, #tpu.memory_space<vmem>>, vector<1x16xf32>,
      %swap3A_379 = vector.shape_cast %swap3A_378 : vector<1x16xf32> to vector<16xf32>
      %swap3A_380 = vector.shape_cast %get3A_375 : vector<16xf32> to vector<1x16xf32>
      tpu.vector_store %arg9[%swap3A_376, %swap3A_377], %swap3A_380 {add = true, strides = array<i32>} : memref<200x128xf32, #tpu.memory_space<vmem>>, vector<1x16xf32>,
      %get3A_381 = arith.index_cast %add3A_328 : i32 to index
      %get3A_382 = arith.constant 96 : index
      %get3A_383 = tpu.vector_load %arg7[%get3A_381, %get3A_382] {strides = array<i32>} : memref<200x128xf32, #tpu.memory_space<vmem>>, vector<1x16xf32>,
      %get3A_384 = vector.shape_cast %get3A_383 : vector<1x16xf32> to vector<16xf32>
      %swap3A_385 = arith.index_cast %add3A_328 : i32 to index
      %swap3A_386 = arith.constant 96 : index
      %swap3A_387 = tpu.vector_load %arg9[%swap3A_385, %swap3A_386] {strides = array<i32>} : memref<200x128xf32, #tpu.memory_space<vmem>>, vector<1x16xf32>,
      %swap3A_388 = vector.shape_cast %swap3A_387 : vector<1x16xf32> to vector<16xf32>
      %swap3A_389 = vector.shape_cast %get3A_384 : vector<16xf32> to vector<1x16xf32>
      tpu.vector_store %arg9[%swap3A_385, %swap3A_386], %swap3A_389 {add = true, strides = array<i32>} : memref<200x128xf32, #tpu.memory_space<vmem>>, vector<1x16xf32>,
      %get3A_390 = arith.index_cast %add3A_328 : i32 to index
      %get3A_391 = arith.constant 112 : index
      %get3A_392 = tpu.vector_load %arg7[%get3A_390, %get3A_391] {strides = array<i32>} : memref<200x128xf32, #tpu.memory_space<vmem>>, vector<1x16xf32>,
      %get3A_393 = vector.shape_cast %get3A_392 : vector<1x16xf32> to vector<16xf32>
      %swap3A_394 = arith.index_cast %add3A_328 : i32 to index
      %swap3A_395 = arith.constant 112 : index
      %swap3A_396 = tpu.vector_load %arg9[%swap3A_394, %swap3A_395] {strides = array<i32>} : memref<200x128xf32, #tpu.memory_space<vmem>>, vector<1x16xf32>,
      %swap3A_397 = vector.shape_cast %swap3A_396 : vector<1x16xf32> to vector<16xf32>
      %swap3A_398 = vector.shape_cast %get3A_393 : vector<16xf32> to vector<1x16xf32>
      tpu.vector_store %arg9[%swap3A_394, %swap3A_395], %swap3A_398 {add = true, strides = array<i32>} : memref<200x128xf32, #tpu.memory_space<vmem>>, vector<1x16xf32>,
    }
    %scan3A_113 = arith.constant 100 : i32
    %dma_wait3A_114 = arith.constant 3 : i32
    %dma_wait3A_115 = arith.constant 100 : i32
    %dma_wait3A_116 = arith.constant 0 : i32
    %dma_wait3A_117 = tpu.memref_slice %arg9[%dma_wait3A_115, %dma_wait3A_116] : memref<200x128xf32, #tpu.memory_space<vmem>> -> memref<100x128xf32, #tpu.memory_space<vmem>>
    %dma_wait3A_118 = arith.constant 0 : i32
    %dma_wait3A_119 = tpu.memref_slice %arg6[%dma_wait3A_114, %dma_wait3A_118] : memref<64x100xi32, #tpu.memory_space<vmem>> -> memref<1x100xi32, #tpu.memory_space<vmem>>
    %dma_wait3A_120 = tpu.memref_squeeze %dma_wait3A_119 : memref<1x100xi32, #tpu.memory_space<vmem>> -> memref<100xi32, #tpu.memory_space<vmem>>
    %dma_wait3A_121 = arith.constant 0 : i32
    %dma_wait3A_122 = arith.constant 0 : i32
    %dma_wait3A_123 = tpu.memref_slice %arg3[%dma_wait3A_121, %dma_wait3A_122] : memref<100000x128xf32, #tpu.memory_space<hbm>> -> memref<100000x128xf32, #tpu.memory_space<hbm>>
    tpu.wait_indirect_dma semaphore(%arg14 : memref<!tpu.dma_semaphore, #tpu.memory_space<semaphore_mem>>) src(%dma_wait3A_123 : memref<100000x128xf32, #tpu.memory_space<hbm>>) dst(%dma_wait3A_117 : memref<100x128xf32, #tpu.memory_space<vmem>>)
    %scan3A_124 = arith.constant 0 : i32
    %scan3A_125 = arith.constant 0 : i32
    %scan3A_126 = arith.constant 100 : i32
    %scan3A_127 = arith.addi %scan3A_125, %scan3A_126 : i32
    %scan3A_128 = arith.constant 1 : i32
    scf.for %scan3A_326 = %scan3A_125 to %scan3A_127 step %scan3A_128  : i32 {
      %add3A_327 = arith.constant 100 : i32
      %add3A_328 = arith.addi %add3A_327, %scan3A_326 : i32
      %get3A = arith.index_cast %add3A_328 : i32 to index
      %get3A_329 = arith.constant 0 : index
      %get3A_330 = tpu.vector_load %arg7[%get3A, %get3A_329] {strides = array<i32>} : memref<200x128xf32, #tpu.memory_space<vmem>>, vector<1x16xf32>,
      %get3A_331 = vector.shape_cast %get3A_330 : vector<1x16xf32> to vector<16xf32>
      %swap3A = arith.index_cast %add3A_328 : i32 to index
      %swap3A_332 = arith.constant 0 : index
      %swap3A_333 = tpu.vector_load %arg9[%swap3A, %swap3A_332] {strides = array<i32>} : memref<200x128xf32, #tpu.memory_space<vmem>>, vector<1x16xf32>,
      %swap3A_334 = vector.shape_cast %swap3A_333 : vector<1x16xf32> to vector<16xf32>
      %swap3A_335 = vector.shape_cast %get3A_331 : vector<16xf32> to vector<1x16xf32>
      tpu.vector_store %arg9[%swap3A, %swap3A_332], %swap3A_335 {add = true, strides = array<i32>} : memref<200x128xf32, #tpu.memory_space<vmem>>, vector<1x16xf32>,
      %get3A_336 = arith.index_cast %add3A_328 : i32 to index
      %get3A_337 = arith.constant 16 : index
      %get3A_338 = tpu.vector_load %arg7[%get3A_336, %get3A_337] {strides = array<i32>} : memref<200x128xf32, #tpu.memory_space<vmem>>, vector<1x16xf32>,
      %get3A_339 = vector.shape_cast %get3A_338 : vector<1x16xf32> to vector<16xf32>
      %swap3A_340 = arith.index_cast %add3A_328 : i32 to index
      %swap3A_341 = arith.constant 16 : index
      %swap3A_342 = tpu.vector_load %arg9[%swap3A_340, %swap3A_341] {strides = array<i32>} : memref<200x128xf32, #tpu.memory_space<vmem>>, vector<1x16xf32>,
      %swap3A_343 = vector.shape_cast %swap3A_342 : vector<1x16xf32> to vector<16xf32>
      %swap3A_344 = vector.shape_cast %get3A_339 : vector<16xf32> to vector<1x16xf32>
      tpu.vector_store %arg9[%swap3A_340, %swap3A_341], %swap3A_344 {add = true, strides = array<i32>} : memref<200x128xf32, #tpu.memory_space<vmem>>, vector<1x16xf32>,
      %get3A_345 = arith.index_cast %add3A_328 : i32 to index
      %get3A_346 = arith.constant 32 : index
      %get3A_347 = tpu.vector_load %arg7[%get3A_345, %get3A_346] {strides = array<i32>} : memref<200x128xf32, #tpu.memory_space<vmem>>, vector<1x16xf32>,
      %get3A_348 = vector.shape_cast %get3A_347 : vector<1x16xf32> to vector<16xf32>
      %swap3A_349 = arith.index_cast %add3A_328 : i32 to index
      %swap3A_350 = arith.constant 32 : index
      %swap3A_351 = tpu.vector_load %arg9[%swap3A_349, %swap3A_350] {strides = array<i32>} : memref<200x128xf32, #tpu.memory_space<vmem>>, vector<1x16xf32>,
      %swap3A_352 = vector.shape_cast %swap3A_351 : vector<1x16xf32> to vector<16xf32>
      %swap3A_353 = vector.shape_cast %get3A_348 : vector<16xf32> to vector<1x16xf32>
      tpu.vector_store %arg9[%swap3A_349, %swap3A_350], %swap3A_353 {add = true, strides = array<i32>} : memref<200x128xf32, #tpu.memory_space<vmem>>, vector<1x16xf32>,
      %get3A_354 = arith.index_cast %add3A_328 : i32 to index
      %get3A_355 = arith.constant 48 : index
      %get3A_356 = tpu.vector_load %arg7[%get3A_354, %get3A_355] {strides = array<i32>} : memref<200x128xf32, #tpu.memory_space<vmem>>, vector<1x16xf32>,
      %get3A_357 = vector.shape_cast %get3A_356 : vector<1x16xf32> to vector<16xf32>
      %swap3A_358 = arith.index_cast %add3A_328 : i32 to index
      %swap3A_359 = arith.constant 48 : index
      %swap3A_360 = tpu.vector_load %arg9[%swap3A_358, %swap3A_359] {strides = array<i32>} : memref<200x128xf32, #tpu.memory_space<vmem>>, vector<1x16xf32>,
      %swap3A_361 = vector.shape_cast %swap3A_360 : vector<1x16xf32> to vector<16xf32>
      %swap3A_362 = vector.shape_cast %get3A_357 : vector<16xf32> to vector<1x16xf32>
      tpu.vector_store %arg9[%swap3A_358, %swap3A_359], %swap3A_362 {add = true, strides = array<i32>} : memref<200x128xf32, #tpu.memory_space<vmem>>, vector<1x16xf32>,
      %get3A_363 = arith.index_cast %add3A_328 : i32 to index
      %get3A_364 = arith.constant 64 : index
      %get3A_365 = tpu.vector_load %arg7[%get3A_363, %get3A_364] {strides = array<i32>} : memref<200x128xf32, #tpu.memory_space<vmem>>, vector<1x16xf32>,
      %get3A_366 = vector.shape_cast %get3A_365 : vector<1x16xf32> to vector<16xf32>
      %swap3A_367 = arith.index_cast %add3A_328 : i32 to index
      %swap3A_368 = arith.constant 64 : index
      %swap3A_369 = tpu.vector_load %arg9[%swap3A_367, %swap3A_368] {strides = array<i32>} : memref<200x128xf32, #tpu.memory_space<vmem>>, vector<1x16xf32>,
      %swap3A_370 = vector.shape_cast %swap3A_369 : vector<1x16xf32> to vector<16xf32>
      %swap3A_371 = vector.shape_cast %get3A_366 : vector<16xf32> to vector<1x16xf32>
      tpu.vector_store %arg9[%swap3A_367, %swap3A_368], %swap3A_371 {add = true, strides = array<i32>} : memref<200x128xf32, #tpu.memory_space<vmem>>, vector<1x16xf32>,
      %get3A_372 = arith.index_cast %add3A_328 : i32 to index
      %get3A_373 = arith.constant 80 : index
      %get3A_374 = tpu.vector_load %arg7[%get3A_372, %get3A_373] {strides = array<i32>} : memref<200x128xf32, #tpu.memory_space<vmem>>, vector<1x16xf32>,
      %get3A_375 = vector.shape_cast %get3A_374 : vector<1x16xf32> to vector<16xf32>
      %swap3A_376 = arith.index_cast %add3A_328 : i32 to index
      %swap3A_377 = arith.constant 80 : index
      %swap3A_378 = tpu.vector_load %arg9[%swap3A_376, %swap3A_377] {strides = array<i32>} : memref<200x128xf32, #tpu.memory_space<vmem>>, vector<1x16xf32>,
      %swap3A_379 = vector.shape_cast %swap3A_378 : vector<1x16xf32> to vector<16xf32>
      %swap3A_380 = vector.shape_cast %get3A_375 : vector<16xf32> to vector<1x16xf32>
      tpu.vector_store %arg9[%swap3A_376, %swap3A_377], %swap3A_380 {add = true, strides = array<i32>} : memref<200x128xf32, #tpu.memory_space<vmem>>, vector<1x16xf32>,
      %get3A_381 = arith.index_cast %add3A_328 : i32 to index
      %get3A_382 = arith.constant 96 : index
      %get3A_383 = tpu.vector_load %arg7[%get3A_381, %get3A_382] {strides = array<i32>} : memref<200x128xf32, #tpu.memory_space<vmem>>, vector<1x16xf32>,
      %get3A_384 = vector.shape_cast %get3A_383 : vector<1x16xf32> to vector<16xf32>
      %swap3A_385 = arith.index_cast %add3A_328 : i32 to index
      %swap3A_386 = arith.constant 96 : index
      %swap3A_387 = tpu.vector_load %arg9[%swap3A_385, %swap3A_386] {strides = array<i32>} : memref<200x128xf32, #tpu.memory_space<vmem>>, vector<1x16xf32>,
      %swap3A_388 = vector.shape_cast %swap3A_387 : vector<1x16xf32> to vector<16xf32>
      %swap3A_389 = vector.shape_cast %get3A_384 : vector<16xf32> to vector<1x16xf32>
      tpu.vector_store %arg9[%swap3A_385, %swap3A_386], %swap3A_389 {add = true, strides = array<i32>} : memref<200x128xf32, #tpu.memory_space<vmem>>, vector<1x16xf32>,
      %get3A_390 = arith.index_cast %add3A_328 : i32 to index
      %get3A_391 = arith.constant 112 : index
      %get3A_392 = tpu.vector_load %arg7[%get3A_390, %get3A_391] {strides = array<i32>} : memref<200x128xf32, #tpu.memory_space<vmem>>, vector<1x16xf32>,
      %get3A_393 = vector.shape_cast %get3A_392 : vector<1x16xf32> to vector<16xf32>
      %swap3A_394 = arith.index_cast %add3A_328 : i32 to index
      %swap3A_395 = arith.constant 112 : index
      %swap3A_396 = tpu.vector_load %arg9[%swap3A_394, %swap3A_395] {strides = array<i32>} : memref<200x128xf32, #tpu.memory_space<vmem>>, vector<1x16xf32>,
      %swap3A_397 = vector.shape_cast %swap3A_396 : vector<1x16xf32> to vector<16xf32>
      %swap3A_398 = vector.shape_cast %get3A_393 : vector<16xf32> to vector<1x16xf32>
      tpu.vector_store %arg9[%swap3A_394, %swap3A_395], %swap3A_398 {add = true, strides = array<i32>} : memref<200x128xf32, #tpu.memory_space<vmem>>, vector<1x16xf32>,
    }
    %scan3A_129 = arith.constant 100 : i32
    %add3A_130 = arith.constant 200 : i32
    %add3A_131 = arith.addi %mul3A_2, %add3A_130 : i32
    %dma_start3A_132 = arith.constant 0 : i32
    %dma_start3A_133 = tpu.memref_slice %arg5[%add3A_131, %dma_start3A_132] : memref<204800x128xf32, #tpu.memory_space<hbm>> -> memref<200x128xf32, #tpu.memory_space<hbm>>
    %dma_start3A_134 = arith.constant 0 : i32
    %dma_start3A_135 = tpu.memref_slice %arg5[%add3A_131, %dma_start3A_134] : memref<204800x128xf32, #tpu.memory_space<hbm>> -> memref<200x128xf32, #tpu.memory_space<hbm>>
    tpu.enqueue_dma source(%arg9 : memref<200x128xf32, #tpu.memory_space<vmem>>) target(%dma_start3A_135 : memref<200x128xf32, #tpu.memory_space<hbm>>) target_semaphore(%arg18 : memref<!tpu.dma_semaphore, #tpu.memory_space<semaphore_mem>>)
    %add3A_136 = arith.constant 0 : i32
    %add3A_137 = arith.addi %mul3A_2, %add3A_136 : i32
    %dma_wait3A_138 = arith.constant 0 : i32
    %dma_wait3A_139 = tpu.memref_slice %arg5[%add3A_137, %dma_wait3A_138] : memref<204800x128xf32, #tpu.memory_space<hbm>> -> memref<200x128xf32, #tpu.memory_space<hbm>>
    %dma_wait3A_140 = arith.constant 0 : i32
    %dma_wait3A_141 = tpu.memref_slice %arg5[%add3A_137, %dma_wait3A_140] : memref<204800x128xf32, #tpu.memory_space<hbm>> -> memref<200x128xf32, #tpu.memory_space<hbm>>
    tpu.wait_dma2 semaphore(%arg17 : memref<!tpu.dma_semaphore, #tpu.memory_space<semaphore_mem>>) src(%arg8 : memref<200x128xf32, #tpu.memory_space<vmem>>) dst(%dma_wait3A_141 : memref<200x128xf32, #tpu.memory_space<hbm>>)
    %dma_start3A_142 = arith.constant 6 : i32
    %dma_start3A_143 = arith.constant 0 : i32
    %dma_start3A_144 = arith.constant 0 : i32
    %dma_start3A_145 = tpu.memref_slice %arg8[%dma_start3A_143, %dma_start3A_144] : memref<200x128xf32, #tpu.memory_space<vmem>> -> memref<100x128xf32, #tpu.memory_space<vmem>>
    %dma_start3A_146 = arith.constant 0 : i32
    %dma_start3A_147 = tpu.memref_slice %arg6[%dma_start3A_142, %dma_start3A_146] : memref<64x100xi32, #tpu.memory_space<vmem>> -> memref<1x100xi32, #tpu.memory_space<vmem>>
    %dma_start3A_148 = tpu.memref_squeeze %dma_start3A_147 : memref<1x100xi32, #tpu.memory_space<vmem>> -> memref<100xi32, #tpu.memory_space<vmem>>
    %dma_start3A_149 = arith.constant 0 : i32
    %dma_start3A_150 = arith.constant 0 : i32
    %dma_start3A_151 = tpu.memref_slice %arg3[%dma_start3A_149, %dma_start3A_150] : memref<100000x128xf32, #tpu.memory_space<hbm>> -> memref<100000x128xf32, #tpu.memory_space<hbm>>
    tpu.enqueue_indirect_dma source(%dma_start3A_151 : memref<100000x128xf32, #tpu.memory_space<hbm>>) target(%dma_start3A_145 : memref<100x128xf32, #tpu.memory_space<vmem>>) offsets(%dma_start3A_148 : memref<100xi32, #tpu.memory_space<vmem>>) semaphore(%arg11 : memref<!tpu.dma_semaphore, #tpu.memory_space<semaphore_mem>>)
    %dma_start3A_152 = arith.constant 7 : i32
    %dma_start3A_153 = arith.constant 100 : i32
    %dma_start3A_154 = arith.constant 0 : i32
    %dma_start3A_155 = tpu.memref_slice %arg8[%dma_start3A_153, %dma_start3A_154] : memref<200x128xf32, #tpu.memory_space<vmem>> -> memref<100x128xf32, #tpu.memory_space<vmem>>
    %dma_start3A_156 = arith.constant 0 : i32
    %dma_start3A_157 = tpu.memref_slice %arg6[%dma_start3A_152, %dma_start3A_156] : memref<64x100xi32, #tpu.memory_space<vmem>> -> memref<1x100xi32, #tpu.memory_space<vmem>>
    %dma_start3A_158 = tpu.memref_squeeze %dma_start3A_157 : memref<1x100xi32, #tpu.memory_space<vmem>> -> memref<100xi32, #tpu.memory_space<vmem>>
    %dma_start3A_159 = arith.constant 0 : i32
    %dma_start3A_160 = arith.constant 0 : i32
    %dma_start3A_161 = tpu.memref_slice %arg3[%dma_start3A_159, %dma_start3A_160] : memref<100000x128xf32, #tpu.memory_space<hbm>> -> memref<100000x128xf32, #tpu.memory_space<hbm>>
    tpu.enqueue_indirect_dma source(%dma_start3A_161 : memref<100000x128xf32, #tpu.memory_space<hbm>>) target(%dma_start3A_155 : memref<100x128xf32, #tpu.memory_space<vmem>>) offsets(%dma_start3A_158 : memref<100xi32, #tpu.memory_space<vmem>>) semaphore(%arg12 : memref<!tpu.dma_semaphore, #tpu.memory_space<semaphore_mem>>)
    %dma_wait3A_162 = arith.constant 4 : i32
    %dma_wait3A_163 = arith.constant 0 : i32
    %dma_wait3A_164 = arith.constant 0 : i32
    %dma_wait3A_165 = tpu.memref_slice %arg10[%dma_wait3A_163, %dma_wait3A_164] : memref<200x128xf32, #tpu.memory_space<vmem>> -> memref<100x128xf32, #tpu.memory_space<vmem>>
    %dma_wait3A_166 = arith.constant 0 : i32
    %dma_wait3A_167 = tpu.memref_slice %arg6[%dma_wait3A_162, %dma_wait3A_166] : memref<64x100xi32, #tpu.memory_space<vmem>> -> memref<1x100xi32, #tpu.memory_space<vmem>>
    %dma_wait3A_168 = tpu.memref_squeeze %dma_wait3A_167 : memref<1x100xi32, #tpu.memory_space<vmem>> -> memref<100xi32, #tpu.memory_space<vmem>>
    %dma_wait3A_169 = arith.constant 0 : i32
    %dma_wait3A_170 = arith.constant 0 : i32
    %dma_wait3A_171 = tpu.memref_slice %arg3[%dma_wait3A_169, %dma_wait3A_170] : memref<100000x128xf32, #tpu.memory_space<hbm>> -> memref<100000x128xf32, #tpu.memory_space<hbm>>
    tpu.wait_indirect_dma semaphore(%arg15 : memref<!tpu.dma_semaphore, #tpu.memory_space<semaphore_mem>>) src(%dma_wait3A_171 : memref<100000x128xf32, #tpu.memory_space<hbm>>) dst(%dma_wait3A_165 : memref<100x128xf32, #tpu.memory_space<vmem>>)
    %scan3A_172 = arith.constant 0 : i32
    %scan3A_173 = arith.constant 0 : i32
    %scan3A_174 = arith.constant 100 : i32
    %scan3A_175 = arith.addi %scan3A_173, %scan3A_174 : i32
    %scan3A_176 = arith.constant 1 : i32
    scf.for %scan3A_326 = %scan3A_173 to %scan3A_175 step %scan3A_176  : i32 {
      %add3A_327 = arith.constant 0 : i32
      %add3A_328 = arith.addi %add3A_327, %scan3A_326 : i32
      %get3A = arith.index_cast %add3A_328 : i32 to index
      %get3A_329 = arith.constant 0 : index
      %get3A_330 = tpu.vector_load %arg7[%get3A, %get3A_329] {strides = array<i32>} : memref<200x128xf32, #tpu.memory_space<vmem>>, vector<1x16xf32>,
      %get3A_331 = vector.shape_cast %get3A_330 : vector<1x16xf32> to vector<16xf32>
      %swap3A = arith.index_cast %add3A_328 : i32 to index
      %swap3A_332 = arith.constant 0 : index
      %swap3A_333 = tpu.vector_load %arg10[%swap3A, %swap3A_332] {strides = array<i32>} : memref<200x128xf32, #tpu.memory_space<vmem>>, vector<1x16xf32>,
      %swap3A_334 = vector.shape_cast %swap3A_333 : vector<1x16xf32> to vector<16xf32>
      %swap3A_335 = vector.shape_cast %get3A_331 : vector<16xf32> to vector<1x16xf32>
      tpu.vector_store %arg10[%swap3A, %swap3A_332], %swap3A_335 {add = true, strides = array<i32>} : memref<200x128xf32, #tpu.memory_space<vmem>>, vector<1x16xf32>,
      %get3A_336 = arith.index_cast %add3A_328 : i32 to index
      %get3A_337 = arith.constant 16 : index
      %get3A_338 = tpu.vector_load %arg7[%get3A_336, %get3A_337] {strides = array<i32>} : memref<200x128xf32, #tpu.memory_space<vmem>>, vector<1x16xf32>,
      %get3A_339 = vector.shape_cast %get3A_338 : vector<1x16xf32> to vector<16xf32>
      %swap3A_340 = arith.index_cast %add3A_328 : i32 to index
      %swap3A_341 = arith.constant 16 : index
      %swap3A_342 = tpu.vector_load %arg10[%swap3A_340, %swap3A_341] {strides = array<i32>} : memref<200x128xf32, #tpu.memory_space<vmem>>, vector<1x16xf32>,
      %swap3A_343 = vector.shape_cast %swap3A_342 : vector<1x16xf32> to vector<16xf32>
      %swap3A_344 = vector.shape_cast %get3A_339 : vector<16xf32> to vector<1x16xf32>
      tpu.vector_store %arg10[%swap3A_340, %swap3A_341], %swap3A_344 {add = true, strides = array<i32>} : memref<200x128xf32, #tpu.memory_space<vmem>>, vector<1x16xf32>,
      %get3A_345 = arith.index_cast %add3A_328 : i32 to index
      %get3A_346 = arith.constant 32 : index
      %get3A_347 = tpu.vector_load %arg7[%get3A_345, %get3A_346] {strides = array<i32>} : memref<200x128xf32, #tpu.memory_space<vmem>>, vector<1x16xf32>,
      %get3A_348 = vector.shape_cast %get3A_347 : vector<1x16xf32> to vector<16xf32>
      %swap3A_349 = arith.index_cast %add3A_328 : i32 to index
      %swap3A_350 = arith.constant 32 : index
      %swap3A_351 = tpu.vector_load %arg10[%swap3A_349, %swap3A_350] {strides = array<i32>} : memref<200x128xf32, #tpu.memory_space<vmem>>, vector<1x16xf32>,
      %swap3A_352 = vector.shape_cast %swap3A_351 : vector<1x16xf32> to vector<16xf32>
      %swap3A_353 = vector.shape_cast %get3A_348 : vector<16xf32> to vector<1x16xf32>
      tpu.vector_store %arg10[%swap3A_349, %swap3A_350], %swap3A_353 {add = true, strides = array<i32>} : memref<200x128xf32, #tpu.memory_space<vmem>>, vector<1x16xf32>,
      %get3A_354 = arith.index_cast %add3A_328 : i32 to index
      %get3A_355 = arith.constant 48 : index
      %get3A_356 = tpu.vector_load %arg7[%get3A_354, %get3A_355] {strides = array<i32>} : memref<200x128xf32, #tpu.memory_space<vmem>>, vector<1x16xf32>,
      %get3A_357 = vector.shape_cast %get3A_356 : vector<1x16xf32> to vector<16xf32>
      %swap3A_358 = arith.index_cast %add3A_328 : i32 to index
      %swap3A_359 = arith.constant 48 : index
      %swap3A_360 = tpu.vector_load %arg10[%swap3A_358, %swap3A_359] {strides = array<i32>} : memref<200x128xf32, #tpu.memory_space<vmem>>, vector<1x16xf32>,
      %swap3A_361 = vector.shape_cast %swap3A_360 : vector<1x16xf32> to vector<16xf32>
      %swap3A_362 = vector.shape_cast %get3A_357 : vector<16xf32> to vector<1x16xf32>
      tpu.vector_store %arg10[%swap3A_358, %swap3A_359], %swap3A_362 {add = true, strides = array<i32>} : memref<200x128xf32, #tpu.memory_space<vmem>>, vector<1x16xf32>,
      %get3A_363 = arith.index_cast %add3A_328 : i32 to index
      %get3A_364 = arith.constant 64 : index
      %get3A_365 = tpu.vector_load %arg7[%get3A_363, %get3A_364] {strides = array<i32>} : memref<200x128xf32, #tpu.memory_space<vmem>>, vector<1x16xf32>,
      %get3A_366 = vector.shape_cast %get3A_365 : vector<1x16xf32> to vector<16xf32>
      %swap3A_367 = arith.index_cast %add3A_328 : i32 to index
      %swap3A_368 = arith.constant 64 : index
      %swap3A_369 = tpu.vector_load %arg10[%swap3A_367, %swap3A_368] {strides = array<i32>} : memref<200x128xf32, #tpu.memory_space<vmem>>, vector<1x16xf32>,
      %swap3A_370 = vector.shape_cast %swap3A_369 : vector<1x16xf32> to vector<16xf32>
      %swap3A_371 = vector.shape_cast %get3A_366 : vector<16xf32> to vector<1x16xf32>
      tpu.vector_store %arg10[%swap3A_367, %swap3A_368], %swap3A_371 {add = true, strides = array<i32>} : memref<200x128xf32, #tpu.memory_space<vmem>>, vector<1x16xf32>,
      %get3A_372 = arith.index_cast %add3A_328 : i32 to index
      %get3A_373 = arith.constant 80 : index
      %get3A_374 = tpu.vector_load %arg7[%get3A_372, %get3A_373] {strides = array<i32>} : memref<200x128xf32, #tpu.memory_space<vmem>>, vector<1x16xf32>,
      %get3A_375 = vector.shape_cast %get3A_374 : vector<1x16xf32> to vector<16xf32>
      %swap3A_376 = arith.index_cast %add3A_328 : i32 to index
      %swap3A_377 = arith.constant 80 : index
      %swap3A_378 = tpu.vector_load %arg10[%swap3A_376, %swap3A_377] {strides = array<i32>} : memref<200x128xf32, #tpu.memory_space<vmem>>, vector<1x16xf32>,
      %swap3A_379 = vector.shape_cast %swap3A_378 : vector<1x16xf32> to vector<16xf32>
      %swap3A_380 = vector.shape_cast %get3A_375 : vector<16xf32> to vector<1x16xf32>
      tpu.vector_store %arg10[%swap3A_376, %swap3A_377], %swap3A_380 {add = true, strides = array<i32>} : memref<200x128xf32, #tpu.memory_space<vmem>>, vector<1x16xf32>,
      %get3A_381 = arith.index_cast %add3A_328 : i32 to index
      %get3A_382 = arith.constant 96 : index
      %get3A_383 = tpu.vector_load %arg7[%get3A_381, %get3A_382] {strides = array<i32>} : memref<200x128xf32, #tpu.memory_space<vmem>>, vector<1x16xf32>,
      %get3A_384 = vector.shape_cast %get3A_383 : vector<1x16xf32> to vector<16xf32>
      %swap3A_385 = arith.index_cast %add3A_328 : i32 to index
      %swap3A_386 = arith.constant 96 : index
      %swap3A_387 = tpu.vector_load %arg10[%swap3A_385, %swap3A_386] {strides = array<i32>} : memref<200x128xf32, #tpu.memory_space<vmem>>, vector<1x16xf32>,
      %swap3A_388 = vector.shape_cast %swap3A_387 : vector<1x16xf32> to vector<16xf32>
      %swap3A_389 = vector.shape_cast %get3A_384 : vector<16xf32> to vector<1x16xf32>
      tpu.vector_store %arg10[%swap3A_385, %swap3A_386], %swap3A_389 {add = true, strides = array<i32>} : memref<200x128xf32, #tpu.memory_space<vmem>>, vector<1x16xf32>,
      %get3A_390 = arith.index_cast %add3A_328 : i32 to index
      %get3A_391 = arith.constant 112 : index
      %get3A_392 = tpu.vector_load %arg7[%get3A_390, %get3A_391] {strides = array<i32>} : memref<200x128xf32, #tpu.memory_space<vmem>>, vector<1x16xf32>,
      %get3A_393 = vector.shape_cast %get3A_392 : vector<1x16xf32> to vector<16xf32>
      %swap3A_394 = arith.index_cast %add3A_328 : i32 to index
      %swap3A_395 = arith.constant 112 : index
      %swap3A_396 = tpu.vector_load %arg10[%swap3A_394, %swap3A_395] {strides = array<i32>} : memref<200x128xf32, #tpu.memory_space<vmem>>, vector<1x16xf32>,
      %swap3A_397 = vector.shape_cast %swap3A_396 : vector<1x16xf32> to vector<16xf32>
      %swap3A_398 = vector.shape_cast %get3A_393 : vector<16xf32> to vector<1x16xf32>
      tpu.vector_store %arg10[%swap3A_394, %swap3A_395], %swap3A_398 {add = true, strides = array<i32>} : memref<200x128xf32, #tpu.memory_space<vmem>>, vector<1x16xf32>,
    }
    %scan3A_177 = arith.constant 100 : i32
    %dma_wait3A_178 = arith.constant 5 : i32
    %dma_wait3A_179 = arith.constant 100 : i32
    %dma_wait3A_180 = arith.constant 0 : i32
    %dma_wait3A_181 = tpu.memref_slice %arg10[%dma_wait3A_179, %dma_wait3A_180] : memref<200x128xf32, #tpu.memory_space<vmem>> -> memref<100x128xf32, #tpu.memory_space<vmem>>
    %dma_wait3A_182 = arith.constant 0 : i32
    %dma_wait3A_183 = tpu.memref_slice %arg6[%dma_wait3A_178, %dma_wait3A_182] : memref<64x100xi32, #tpu.memory_space<vmem>> -> memref<1x100xi32, #tpu.memory_space<vmem>>
    %dma_wait3A_184 = tpu.memref_squeeze %dma_wait3A_183 : memref<1x100xi32, #tpu.memory_space<vmem>> -> memref<100xi32, #tpu.memory_space<vmem>>
    %dma_wait3A_185 = arith.constant 0 : i32
    %dma_wait3A_186 = arith.constant 0 : i32
    %dma_wait3A_187 = tpu.memref_slice %arg3[%dma_wait3A_185, %dma_wait3A_186] : memref<100000x128xf32, #tpu.memory_space<hbm>> -> memref<100000x128xf32, #tpu.memory_space<hbm>>
    tpu.wait_indirect_dma semaphore(%arg16 : memref<!tpu.dma_semaphore, #tpu.memory_space<semaphore_mem>>) src(%dma_wait3A_187 : memref<100000x128xf32, #tpu.memory_space<hbm>>) dst(%dma_wait3A_181 : memref<100x128xf32, #tpu.memory_space<vmem>>)
    %scan3A_188 = arith.constant 0 : i32
    %scan3A_189 = arith.constant 0 : i32
    %scan3A_190 = arith.constant 100 : i32
    %scan3A_191 = arith.addi %scan3A_189, %scan3A_190 : i32
    %scan3A_192 = arith.constant 1 : i32
    scf.for %scan3A_326 = %scan3A_189 to %scan3A_191 step %scan3A_192  : i32 {
      %add3A_327 = arith.constant 100 : i32
      %add3A_328 = arith.addi %add3A_327, %scan3A_326 : i32
      %get3A = arith.index_cast %add3A_328 : i32 to index
      %get3A_329 = arith.constant 0 : index
      %get3A_330 = tpu.vector_load %arg7[%get3A, %get3A_329] {strides = array<i32>} : memref<200x128xf32, #tpu.memory_space<vmem>>, vector<1x16xf32>,
      %get3A_331 = vector.shape_cast %get3A_330 : vector<1x16xf32> to vector<16xf32>
      %swap3A = arith.index_cast %add3A_328 : i32 to index
      %swap3A_332 = arith.constant 0 : index
      %swap3A_333 = tpu.vector_load %arg10[%swap3A, %swap3A_332] {strides = array<i32>} : memref<200x128xf32, #tpu.memory_space<vmem>>, vector<1x16xf32>,
      %swap3A_334 = vector.shape_cast %swap3A_333 : vector<1x16xf32> to vector<16xf32>
      %swap3A_335 = vector.shape_cast %get3A_331 : vector<16xf32> to vector<1x16xf32>
      tpu.vector_store %arg10[%swap3A, %swap3A_332], %swap3A_335 {add = true, strides = array<i32>} : memref<200x128xf32, #tpu.memory_space<vmem>>, vector<1x16xf32>,
      %get3A_336 = arith.index_cast %add3A_328 : i32 to index
      %get3A_337 = arith.constant 16 : index
      %get3A_338 = tpu.vector_load %arg7[%get3A_336, %get3A_337] {strides = array<i32>} : memref<200x128xf32, #tpu.memory_space<vmem>>, vector<1x16xf32>,
      %get3A_339 = vector.shape_cast %get3A_338 : vector<1x16xf32> to vector<16xf32>
      %swap3A_340 = arith.index_cast %add3A_328 : i32 to index
      %swap3A_341 = arith.constant 16 : index
      %swap3A_342 = tpu.vector_load %arg10[%swap3A_340, %swap3A_341] {strides = array<i32>} : memref<200x128xf32, #tpu.memory_space<vmem>>, vector<1x16xf32>,
      %swap3A_343 = vector.shape_cast %swap3A_342 : vector<1x16xf32> to vector<16xf32>
      %swap3A_344 = vector.shape_cast %get3A_339 : vector<16xf32> to vector<1x16xf32>
      tpu.vector_store %arg10[%swap3A_340, %swap3A_341], %swap3A_344 {add = true, strides = array<i32>} : memref<200x128xf32, #tpu.memory_space<vmem>>, vector<1x16xf32>,
      %get3A_345 = arith.index_cast %add3A_328 : i32 to index
      %get3A_346 = arith.constant 32 : index
      %get3A_347 = tpu.vector_load %arg7[%get3A_345, %get3A_346] {strides = array<i32>} : memref<200x128xf32, #tpu.memory_space<vmem>>, vector<1x16xf32>,
      %get3A_348 = vector.shape_cast %get3A_347 : vector<1x16xf32> to vector<16xf32>
      %swap3A_349 = arith.index_cast %add3A_328 : i32 to index
      %swap3A_350 = arith.constant 32 : index
      %swap3A_351 = tpu.vector_load %arg10[%swap3A_349, %swap3A_350] {strides = array<i32>} : memref<200x128xf32, #tpu.memory_space<vmem>>, vector<1x16xf32>,
      %swap3A_352 = vector.shape_cast %swap3A_351 : vector<1x16xf32> to vector<16xf32>
      %swap3A_353 = vector.shape_cast %get3A_348 : vector<16xf32> to vector<1x16xf32>
      tpu.vector_store %arg10[%swap3A_349, %swap3A_350], %swap3A_353 {add = true, strides = array<i32>} : memref<200x128xf32, #tpu.memory_space<vmem>>, vector<1x16xf32>,
      %get3A_354 = arith.index_cast %add3A_328 : i32 to index
      %get3A_355 = arith.constant 48 : index
      %get3A_356 = tpu.vector_load %arg7[%get3A_354, %get3A_355] {strides = array<i32>} : memref<200x128xf32, #tpu.memory_space<vmem>>, vector<1x16xf32>,
      %get3A_357 = vector.shape_cast %get3A_356 : vector<1x16xf32> to vector<16xf32>
      %swap3A_358 = arith.index_cast %add3A_328 : i32 to index
      %swap3A_359 = arith.constant 48 : index
      %swap3A_360 = tpu.vector_load %arg10[%swap3A_358, %swap3A_359] {strides = array<i32>} : memref<200x128xf32, #tpu.memory_space<vmem>>, vector<1x16xf32>,
      %swap3A_361 = vector.shape_cast %swap3A_360 : vector<1x16xf32> to vector<16xf32>
      %swap3A_362 = vector.shape_cast %get3A_357 : vector<16xf32> to vector<1x16xf32>
      tpu.vector_store %arg10[%swap3A_358, %swap3A_359], %swap3A_362 {add = true, strides = array<i32>} : memref<200x128xf32, #tpu.memory_space<vmem>>, vector<1x16xf32>,
      %get3A_363 = arith.index_cast %add3A_328 : i32 to index
      %get3A_364 = arith.constant 64 : index
      %get3A_365 = tpu.vector_load %arg7[%get3A_363, %get3A_364] {strides = array<i32>} : memref<200x128xf32, #tpu.memory_space<vmem>>, vector<1x16xf32>,
      %get3A_366 = vector.shape_cast %get3A_365 : vector<1x16xf32> to vector<16xf32>
      %swap3A_367 = arith.index_cast %add3A_328 : i32 to index
      %swap3A_368 = arith.constant 64 : index
      %swap3A_369 = tpu.vector_load %arg10[%swap3A_367, %swap3A_368] {strides = array<i32>} : memref<200x128xf32, #tpu.memory_space<vmem>>, vector<1x16xf32>,
      %swap3A_370 = vector.shape_cast %swap3A_369 : vector<1x16xf32> to vector<16xf32>
      %swap3A_371 = vector.shape_cast %get3A_366 : vector<16xf32> to vector<1x16xf32>
      tpu.vector_store %arg10[%swap3A_367, %swap3A_368], %swap3A_371 {add = true, strides = array<i32>} : memref<200x128xf32, #tpu.memory_space<vmem>>, vector<1x16xf32>,
      %get3A_372 = arith.index_cast %add3A_328 : i32 to index
      %get3A_373 = arith.constant 80 : index
      %get3A_374 = tpu.vector_load %arg7[%get3A_372, %get3A_373] {strides = array<i32>} : memref<200x128xf32, #tpu.memory_space<vmem>>, vector<1x16xf32>,
      %get3A_375 = vector.shape_cast %get3A_374 : vector<1x16xf32> to vector<16xf32>
      %swap3A_376 = arith.index_cast %add3A_328 : i32 to index
      %swap3A_377 = arith.constant 80 : index
      %swap3A_378 = tpu.vector_load %arg10[%swap3A_376, %swap3A_377] {strides = array<i32>} : memref<200x128xf32, #tpu.memory_space<vmem>>, vector<1x16xf32>,
      %swap3A_379 = vector.shape_cast %swap3A_378 : vector<1x16xf32> to vector<16xf32>
      %swap3A_380 = vector.shape_cast %get3A_375 : vector<16xf32> to vector<1x16xf32>
      tpu.vector_store %arg10[%swap3A_376, %swap3A_377], %swap3A_380 {add = true, strides = array<i32>} : memref<200x128xf32, #tpu.memory_space<vmem>>, vector<1x16xf32>,
      %get3A_381 = arith.index_cast %add3A_328 : i32 to index
      %get3A_382 = arith.constant 96 : index
      %get3A_383 = tpu.vector_load %arg7[%get3A_381, %get3A_382] {strides = array<i32>} : memref<200x128xf32, #tpu.memory_space<vmem>>, vector<1x16xf32>,
      %get3A_384 = vector.shape_cast %get3A_383 : vector<1x16xf32> to vector<16xf32>
      %swap3A_385 = arith.index_cast %add3A_328 : i32 to index
      %swap3A_386 = arith.constant 96 : index
      %swap3A_387 = tpu.vector_load %arg10[%swap3A_385, %swap3A_386] {strides = array<i32>} : memref<200x128xf32, #tpu.memory_space<vmem>>, vector<1x16xf32>,
      %swap3A_388 = vector.shape_cast %swap3A_387 : vector<1x16xf32> to vector<16xf32>
      %swap3A_389 = vector.shape_cast %get3A_384 : vector<16xf32> to vector<1x16xf32>
      tpu.vector_store %arg10[%swap3A_385, %swap3A_386], %swap3A_389 {add = true, strides = array<i32>} : memref<200x128xf32, #tpu.memory_space<vmem>>, vector<1x16xf32>,
      %get3A_390 = arith.index_cast %add3A_328 : i32 to index
      %get3A_391 = arith.constant 112 : index
      %get3A_392 = tpu.vector_load %arg7[%get3A_390, %get3A_391] {strides = array<i32>} : memref<200x128xf32, #tpu.memory_space<vmem>>, vector<1x16xf32>,
      %get3A_393 = vector.shape_cast %get3A_392 : vector<1x16xf32> to vector<16xf32>
      %swap3A_394 = arith.index_cast %add3A_328 : i32 to index
      %swap3A_395 = arith.constant 112 : index
      %swap3A_396 = tpu.vector_load %arg10[%swap3A_394, %swap3A_395] {strides = array<i32>} : memref<200x128xf32, #tpu.memory_space<vmem>>, vector<1x16xf32>,
      %swap3A_397 = vector.shape_cast %swap3A_396 : vector<1x16xf32> to vector<16xf32>
      %swap3A_398 = vector.shape_cast %get3A_393 : vector<16xf32> to vector<1x16xf32>
      tpu.vector_store %arg10[%swap3A_394, %swap3A_395], %swap3A_398 {add = true, strides = array<i32>} : memref<200x128xf32, #tpu.memory_space<vmem>>, vector<1x16xf32>,
    }
    %scan3A_193 = arith.constant 100 : i32
    %add3A_194 = arith.constant 400 : i32
    %add3A_195 = arith.addi %mul3A_2, %add3A_194 : i32
    %dma_start3A_196 = arith.constant 0 : i32
    %dma_start3A_197 = tpu.memref_slice %arg5[%add3A_195, %dma_start3A_196] : memref<204800x128xf32, #tpu.memory_space<hbm>> -> memref<200x128xf32, #tpu.memory_space<hbm>>
    %dma_start3A_198 = arith.constant 0 : i32
    %dma_start3A_199 = tpu.memref_slice %arg5[%add3A_195, %dma_start3A_198] : memref<204800x128xf32, #tpu.memory_space<hbm>> -> memref<200x128xf32, #tpu.memory_space<hbm>>
    tpu.enqueue_dma source(%arg10 : memref<200x128xf32, #tpu.memory_space<vmem>>) target(%dma_start3A_199 : memref<200x128xf32, #tpu.memory_space<hbm>>) target_semaphore(%arg19 : memref<!tpu.dma_semaphore, #tpu.memory_space<semaphore_mem>>)
    %scan3A_200 = arith.constant 0 : i32
    %scan3A_201 = arith.constant 0 : i32
    %scan3A_202 = arith.constant 9 : i32
    %scan3A_203 = arith.addi %scan3A_201, %scan3A_202 : i32
    %scan3A_204 = arith.constant 1 : i32
    scf.for %scan3A_326 = %scan3A_201 to %scan3A_203 step %scan3A_204  : i32 {
      %add3A_327 = arith.constant 1 : i32
      %add3A_328 = arith.addi %scan3A_326, %add3A_327 : i32
      %mul3A_329 = arith.constant 3 : i32
      %mul3A_330 = arith.muli %mul3A_329, %add3A_328 : i32
      %add3A_331 = arith.constant 0 : i32
      %add3A_332 = arith.addi %mul3A_330, %add3A_331 : i32
      %sub3A = arith.constant 2 : i32
      %sub3A_333 = arith.subi %add3A_332, %sub3A : i32
      %mul3A_334 = arith.constant 200 : i32
      %mul3A_335 = arith.muli %sub3A_333, %mul3A_334 : i32
      %add3A_336 = arith.addi %mul3A_2, %mul3A_335 : i32
      %dma_wait3A_337 = arith.constant 0 : i32
      %dma_wait3A_338 = tpu.memref_slice %arg5[%add3A_336, %dma_wait3A_337] : memref<204800x128xf32, #tpu.memory_space<hbm>> -> memref<200x128xf32, #tpu.memory_space<hbm>>
      %dma_wait3A_339 = arith.constant 0 : i32
      %dma_wait3A_340 = tpu.memref_slice %arg5[%add3A_336, %dma_wait3A_339] : memref<204800x128xf32, #tpu.memory_space<hbm>> -> memref<200x128xf32, #tpu.memory_space<hbm>>
      tpu.wait_dma2 semaphore(%arg18 : memref<!tpu.dma_semaphore, #tpu.memory_space<semaphore_mem>>) src(%arg9 : memref<200x128xf32, #tpu.memory_space<vmem>>) dst(%dma_wait3A_340 : memref<200x128xf32, #tpu.memory_space<hbm>>)
      %add3A_341 = arith.constant 1 : i32
      %add3A_342 = arith.addi %add3A_332, %add3A_341 : i32
      %mul3A_343 = arith.constant 2 : i32
      %mul3A_344 = arith.muli %mul3A_343, %add3A_342 : i32
      %add3A_345 = arith.constant 0 : i32
      %add3A_346 = arith.addi %mul3A_344, %add3A_345 : i32
      %dma_start3A_347 = arith.constant 0 : i32
      %dma_start3A_348 = arith.constant 0 : i32
      %dma_start3A_349 = tpu.memref_slice %arg9[%dma_start3A_347, %dma_start3A_348] : memref<200x128xf32, #tpu.memory_space<vmem>> -> memref<100x128xf32, #tpu.memory_space<vmem>>
      %dma_start3A_350 = arith.constant 0 : i32
      %dma_start3A_351 = tpu.memref_slice %arg6[%add3A_346, %dma_start3A_350] : memref<64x100xi32, #tpu.memory_space<vmem>> -> memref<1x100xi32, #tpu.memory_space<vmem>>
      %dma_start3A_352 = tpu.memref_squeeze %dma_start3A_351 : memref<1x100xi32, #tpu.memory_space<vmem>> -> memref<100xi32, #tpu.memory_space<vmem>>
      %dma_start3A_353 = arith.constant 0 : i32
      %dma_start3A_354 = arith.constant 0 : i32
      %dma_start3A_355 = tpu.memref_slice %arg3[%dma_start3A_353, %dma_start3A_354] : memref<100000x128xf32, #tpu.memory_space<hbm>> -> memref<100000x128xf32, #tpu.memory_space<hbm>>
      tpu.enqueue_indirect_dma source(%dma_start3A_355 : memref<100000x128xf32, #tpu.memory_space<hbm>>) target(%dma_start3A_349 : memref<100x128xf32, #tpu.memory_space<vmem>>) offsets(%dma_start3A_352 : memref<100xi32, #tpu.memory_space<vmem>>) semaphore(%arg13 : memref<!tpu.dma_semaphore, #tpu.memory_space<semaphore_mem>>)
      %mul3A_356 = arith.constant 2 : i32
      %mul3A_357 = arith.muli %mul3A_356, %add3A_342 : i32
      %add3A_358 = arith.constant 1 : i32
      %add3A_359 = arith.addi %mul3A_357, %add3A_358 : i32
      %dma_start3A_360 = arith.constant 100 : i32
      %dma_start3A_361 = arith.constant 0 : i32
      %dma_start3A_362 = tpu.memref_slice %arg9[%dma_start3A_360, %dma_start3A_361] : memref<200x128xf32, #tpu.memory_space<vmem>> -> memref<100x128xf32, #tpu.memory_space<vmem>>
      %dma_start3A_363 = arith.constant 0 : i32
      %dma_start3A_364 = tpu.memref_slice %arg6[%add3A_359, %dma_start3A_363] : memref<64x100xi32, #tpu.memory_space<vmem>> -> memref<1x100xi32, #tpu.memory_space<vmem>>
      %dma_start3A_365 = tpu.memref_squeeze %dma_start3A_364 : memref<1x100xi32, #tpu.memory_space<vmem>> -> memref<100xi32, #tpu.memory_space<vmem>>
      %dma_start3A_366 = arith.constant 0 : i32
      %dma_start3A_367 = arith.constant 0 : i32
      %dma_start3A_368 = tpu.memref_slice %arg3[%dma_start3A_366, %dma_start3A_367] : memref<100000x128xf32, #tpu.memory_space<hbm>> -> memref<100000x128xf32, #tpu.memory_space<hbm>>
      tpu.enqueue_indirect_dma source(%dma_start3A_368 : memref<100000x128xf32, #tpu.memory_space<hbm>>) target(%dma_start3A_362 : memref<100x128xf32, #tpu.memory_space<vmem>>) offsets(%dma_start3A_365 : memref<100xi32, #tpu.memory_space<vmem>>) semaphore(%arg14 : memref<!tpu.dma_semaphore, #tpu.memory_space<semaphore_mem>>)
      %mul3A_369 = arith.constant 2 : i32
      %mul3A_370 = arith.muli %mul3A_369, %add3A_332 : i32
      %add3A_371 = arith.constant 0 : i32
      %add3A_372 = arith.addi %mul3A_370, %add3A_371 : i32
      %dma_wait3A_373 = arith.constant 0 : i32
      %dma_wait3A_374 = arith.constant 0 : i32
      %dma_wait3A_375 = tpu.memref_slice %arg8[%dma_wait3A_373, %dma_wait3A_374] : memref<200x128xf32, #tpu.memory_space<vmem>> -> memref<100x128xf32, #tpu.memory_space<vmem>>
      %dma_wait3A_376 = arith.constant 0 : i32
      %dma_wait3A_377 = tpu.memref_slice %arg6[%add3A_372, %dma_wait3A_376] : memref<64x100xi32, #tpu.memory_space<vmem>> -> memref<1x100xi32, #tpu.memory_space<vmem>>
      %dma_wait3A_378 = tpu.memref_squeeze %dma_wait3A_377 : memref<1x100xi32, #tpu.memory_space<vmem>> -> memref<100xi32, #tpu.memory_space<vmem>>
      %dma_wait3A_379 = arith.constant 0 : i32
      %dma_wait3A_380 = arith.constant 0 : i32
      %dma_wait3A_381 = tpu.memref_slice %arg3[%dma_wait3A_379, %dma_wait3A_380] : memref<100000x128xf32, #tpu.memory_space<hbm>> -> memref<100000x128xf32, #tpu.memory_space<hbm>>
      tpu.wait_indirect_dma semaphore(%arg11 : memref<!tpu.dma_semaphore, #tpu.memory_space<semaphore_mem>>) src(%dma_wait3A_381 : memref<100000x128xf32, #tpu.memory_space<hbm>>) dst(%dma_wait3A_375 : memref<100x128xf32, #tpu.memory_space<vmem>>)
      %scan3A_382 = arith.constant 0 : i32
      %scan3A_383 = arith.constant 0 : i32
      %scan3A_384 = arith.constant 100 : i32
      %scan3A_385 = arith.addi %scan3A_383, %scan3A_384 : i32
      %scan3A_386 = arith.constant 1 : i32
      scf.for %scan3A_590 = %scan3A_383 to %scan3A_385 step %scan3A_386  : i32 {
        %add3A_591 = arith.constant 0 : i32
        %add3A_592 = arith.addi %add3A_591, %scan3A_590 : i32
        %get3A = arith.index_cast %add3A_592 : i32 to index
        %get3A_593 = arith.constant 0 : index
        %get3A_594 = tpu.vector_load %arg7[%get3A, %get3A_593] {strides = array<i32>} : memref<200x128xf32, #tpu.memory_space<vmem>>, vector<1x16xf32>,
        %get3A_595 = vector.shape_cast %get3A_594 : vector<1x16xf32> to vector<16xf32>
        %swap3A = arith.index_cast %add3A_592 : i32 to index
        %swap3A_596 = arith.constant 0 : index
        %swap3A_597 = tpu.vector_load %arg8[%swap3A, %swap3A_596] {strides = array<i32>} : memref<200x128xf32, #tpu.memory_space<vmem>>, vector<1x16xf32>,
        %swap3A_598 = vector.shape_cast %swap3A_597 : vector<1x16xf32> to vector<16xf32>
        %swap3A_599 = vector.shape_cast %get3A_595 : vector<16xf32> to vector<1x16xf32>
        tpu.vector_store %arg8[%swap3A, %swap3A_596], %swap3A_599 {add = true, strides = array<i32>} : memref<200x128xf32, #tpu.memory_space<vmem>>, vector<1x16xf32>,
        %get3A_600 = arith.index_cast %add3A_592 : i32 to index
        %get3A_601 = arith.constant 16 : index
        %get3A_602 = tpu.vector_load %arg7[%get3A_600, %get3A_601] {strides = array<i32>} : memref<200x128xf32, #tpu.memory_space<vmem>>, vector<1x16xf32>,
        %get3A_603 = vector.shape_cast %get3A_602 : vector<1x16xf32> to vector<16xf32>
        %swap3A_604 = arith.index_cast %add3A_592 : i32 to index
        %swap3A_605 = arith.constant 16 : index
        %swap3A_606 = tpu.vector_load %arg8[%swap3A_604, %swap3A_605] {strides = array<i32>} : memref<200x128xf32, #tpu.memory_space<vmem>>, vector<1x16xf32>,
        %swap3A_607 = vector.shape_cast %swap3A_606 : vector<1x16xf32> to vector<16xf32>
        %swap3A_608 = vector.shape_cast %get3A_603 : vector<16xf32> to vector<1x16xf32>
        tpu.vector_store %arg8[%swap3A_604, %swap3A_605], %swap3A_608 {add = true, strides = array<i32>} : memref<200x128xf32, #tpu.memory_space<vmem>>, vector<1x16xf32>,
        %get3A_609 = arith.index_cast %add3A_592 : i32 to index
        %get3A_610 = arith.constant 32 : index
        %get3A_611 = tpu.vector_load %arg7[%get3A_609, %get3A_610] {strides = array<i32>} : memref<200x128xf32, #tpu.memory_space<vmem>>, vector<1x16xf32>,
        %get3A_612 = vector.shape_cast %get3A_611 : vector<1x16xf32> to vector<16xf32>
        %swap3A_613 = arith.index_cast %add3A_592 : i32 to index
        %swap3A_614 = arith.constant 32 : index
        %swap3A_615 = tpu.vector_load %arg8[%swap3A_613, %swap3A_614] {strides = array<i32>} : memref<200x128xf32, #tpu.memory_space<vmem>>, vector<1x16xf32>,
        %swap3A_616 = vector.shape_cast %swap3A_615 : vector<1x16xf32> to vector<16xf32>
        %swap3A_617 = vector.shape_cast %get3A_612 : vector<16xf32> to vector<1x16xf32>
        tpu.vector_store %arg8[%swap3A_613, %swap3A_614], %swap3A_617 {add = true, strides = array<i32>} : memref<200x128xf32, #tpu.memory_space<vmem>>, vector<1x16xf32>,
        %get3A_618 = arith.index_cast %add3A_592 : i32 to index
        %get3A_619 = arith.constant 48 : index
        %get3A_620 = tpu.vector_load %arg7[%get3A_618, %get3A_619] {strides = array<i32>} : memref<200x128xf32, #tpu.memory_space<vmem>>, vector<1x16xf32>,
        %get3A_621 = vector.shape_cast %get3A_620 : vector<1x16xf32> to vector<16xf32>
        %swap3A_622 = arith.index_cast %add3A_592 : i32 to index
        %swap3A_623 = arith.constant 48 : index
        %swap3A_624 = tpu.vector_load %arg8[%swap3A_622, %swap3A_623] {strides = array<i32>} : memref<200x128xf32, #tpu.memory_space<vmem>>, vector<1x16xf32>,
        %swap3A_625 = vector.shape_cast %swap3A_624 : vector<1x16xf32> to vector<16xf32>
        %swap3A_626 = vector.shape_cast %get3A_621 : vector<16xf32> to vector<1x16xf32>
        tpu.vector_store %arg8[%swap3A_622, %swap3A_623], %swap3A_626 {add = true, strides = array<i32>} : memref<200x128xf32, #tpu.memory_space<vmem>>, vector<1x16xf32>,
        %get3A_627 = arith.index_cast %add3A_592 : i32 to index
        %get3A_628 = arith.constant 64 : index
        %get3A_629 = tpu.vector_load %arg7[%get3A_627, %get3A_628] {strides = array<i32>} : memref<200x128xf32, #tpu.memory_space<vmem>>, vector<1x16xf32>,
        %get3A_630 = vector.shape_cast %get3A_629 : vector<1x16xf32> to vector<16xf32>
        %swap3A_631 = arith.index_cast %add3A_592 : i32 to index
        %swap3A_632 = arith.constant 64 : index
        %swap3A_633 = tpu.vector_load %arg8[%swap3A_631, %swap3A_632] {strides = array<i32>} : memref<200x128xf32, #tpu.memory_space<vmem>>, vector<1x16xf32>,
        %swap3A_634 = vector.shape_cast %swap3A_633 : vector<1x16xf32> to vector<16xf32>
        %swap3A_635 = vector.shape_cast %get3A_630 : vector<16xf32> to vector<1x16xf32>
        tpu.vector_store %arg8[%swap3A_631, %swap3A_632], %swap3A_635 {add = true, strides = array<i32>} : memref<200x128xf32, #tpu.memory_space<vmem>>, vector<1x16xf32>,
        %get3A_636 = arith.index_cast %add3A_592 : i32 to index
        %get3A_637 = arith.constant 80 : index
        %get3A_638 = tpu.vector_load %arg7[%get3A_636, %get3A_637] {strides = array<i32>} : memref<200x128xf32, #tpu.memory_space<vmem>>, vector<1x16xf32>,
        %get3A_639 = vector.shape_cast %get3A_638 : vector<1x16xf32> to vector<16xf32>
        %swap3A_640 = arith.index_cast %add3A_592 : i32 to index
        %swap3A_641 = arith.constant 80 : index
        %swap3A_642 = tpu.vector_load %arg8[%swap3A_640, %swap3A_641] {strides = array<i32>} : memref<200x128xf32, #tpu.memory_space<vmem>>, vector<1x16xf32>,
        %swap3A_643 = vector.shape_cast %swap3A_642 : vector<1x16xf32> to vector<16xf32>
        %swap3A_644 = vector.shape_cast %get3A_639 : vector<16xf32> to vector<1x16xf32>
        tpu.vector_store %arg8[%swap3A_640, %swap3A_641], %swap3A_644 {add = true, strides = array<i32>} : memref<200x128xf32, #tpu.memory_space<vmem>>, vector<1x16xf32>,
        %get3A_645 = arith.index_cast %add3A_592 : i32 to index
        %get3A_646 = arith.constant 96 : index
        %get3A_647 = tpu.vector_load %arg7[%get3A_645, %get3A_646] {strides = array<i32>} : memref<200x128xf32, #tpu.memory_space<vmem>>, vector<1x16xf32>,
        %get3A_648 = vector.shape_cast %get3A_647 : vector<1x16xf32> to vector<16xf32>
        %swap3A_649 = arith.index_cast %add3A_592 : i32 to index
        %swap3A_650 = arith.constant 96 : index
        %swap3A_651 = tpu.vector_load %arg8[%swap3A_649, %swap3A_650] {strides = array<i32>} : memref<200x128xf32, #tpu.memory_space<vmem>>, vector<1x16xf32>,
        %swap3A_652 = vector.shape_cast %swap3A_651 : vector<1x16xf32> to vector<16xf32>
        %swap3A_653 = vector.shape_cast %get3A_648 : vector<16xf32> to vector<1x16xf32>
        tpu.vector_store %arg8[%swap3A_649, %swap3A_650], %swap3A_653 {add = true, strides = array<i32>} : memref<200x128xf32, #tpu.memory_space<vmem>>, vector<1x16xf32>,
        %get3A_654 = arith.index_cast %add3A_592 : i32 to index
        %get3A_655 = arith.constant 112 : index
        %get3A_656 = tpu.vector_load %arg7[%get3A_654, %get3A_655] {strides = array<i32>} : memref<200x128xf32, #tpu.memory_space<vmem>>, vector<1x16xf32>,
        %get3A_657 = vector.shape_cast %get3A_656 : vector<1x16xf32> to vector<16xf32>
        %swap3A_658 = arith.index_cast %add3A_592 : i32 to index
        %swap3A_659 = arith.constant 112 : index
        %swap3A_660 = tpu.vector_load %arg8[%swap3A_658, %swap3A_659] {strides = array<i32>} : memref<200x128xf32, #tpu.memory_space<vmem>>, vector<1x16xf32>,
        %swap3A_661 = vector.shape_cast %swap3A_660 : vector<1x16xf32> to vector<16xf32>
        %swap3A_662 = vector.shape_cast %get3A_657 : vector<16xf32> to vector<1x16xf32>
        tpu.vector_store %arg8[%swap3A_658, %swap3A_659], %swap3A_662 {add = true, strides = array<i32>} : memref<200x128xf32, #tpu.memory_space<vmem>>, vector<1x16xf32>,
      }
      %scan3A_387 = arith.constant 100 : i32
      %mul3A_388 = arith.constant 2 : i32
      %mul3A_389 = arith.muli %mul3A_388, %add3A_332 : i32
      %add3A_390 = arith.constant 1 : i32
      %add3A_391 = arith.addi %mul3A_389, %add3A_390 : i32
      %dma_wait3A_392 = arith.constant 100 : i32
      %dma_wait3A_393 = arith.constant 0 : i32
      %dma_wait3A_394 = tpu.memref_slice %arg8[%dma_wait3A_392, %dma_wait3A_393] : memref<200x128xf32, #tpu.memory_space<vmem>> -> memref<100x128xf32, #tpu.memory_space<vmem>>
      %dma_wait3A_395 = arith.constant 0 : i32
      %dma_wait3A_396 = tpu.memref_slice %arg6[%add3A_391, %dma_wait3A_395] : memref<64x100xi32, #tpu.memory_space<vmem>> -> memref<1x100xi32, #tpu.memory_space<vmem>>
      %dma_wait3A_397 = tpu.memref_squeeze %dma_wait3A_396 : memref<1x100xi32, #tpu.memory_space<vmem>> -> memref<100xi32, #tpu.memory_space<vmem>>
      %dma_wait3A_398 = arith.constant 0 : i32
      %dma_wait3A_399 = arith.constant 0 : i32
      %dma_wait3A_400 = tpu.memref_slice %arg3[%dma_wait3A_398, %dma_wait3A_399] : memref<100000x128xf32, #tpu.memory_space<hbm>> -> memref<100000x128xf32, #tpu.memory_space<hbm>>
      tpu.wait_indirect_dma semaphore(%arg12 : memref<!tpu.dma_semaphore, #tpu.memory_space<semaphore_mem>>) src(%dma_wait3A_400 : memref<100000x128xf32, #tpu.memory_space<hbm>>) dst(%dma_wait3A_394 : memref<100x128xf32, #tpu.memory_space<vmem>>)
      %scan3A_401 = arith.constant 0 : i32
      %scan3A_402 = arith.constant 0 : i32
      %scan3A_403 = arith.constant 100 : i32
      %scan3A_404 = arith.addi %scan3A_402, %scan3A_403 : i32
      %scan3A_405 = arith.constant 1 : i32
      scf.for %scan3A_590 = %scan3A_402 to %scan3A_404 step %scan3A_405  : i32 {
        %add3A_591 = arith.constant 100 : i32
        %add3A_592 = arith.addi %add3A_591, %scan3A_590 : i32
        %get3A = arith.index_cast %add3A_592 : i32 to index
        %get3A_593 = arith.constant 0 : index
        %get3A_594 = tpu.vector_load %arg7[%get3A, %get3A_593] {strides = array<i32>} : memref<200x128xf32, #tpu.memory_space<vmem>>, vector<1x16xf32>,
        %get3A_595 = vector.shape_cast %get3A_594 : vector<1x16xf32> to vector<16xf32>
        %swap3A = arith.index_cast %add3A_592 : i32 to index
        %swap3A_596 = arith.constant 0 : index
        %swap3A_597 = tpu.vector_load %arg8[%swap3A, %swap3A_596] {strides = array<i32>} : memref<200x128xf32, #tpu.memory_space<vmem>>, vector<1x16xf32>,
        %swap3A_598 = vector.shape_cast %swap3A_597 : vector<1x16xf32> to vector<16xf32>
        %swap3A_599 = vector.shape_cast %get3A_595 : vector<16xf32> to vector<1x16xf32>
        tpu.vector_store %arg8[%swap3A, %swap3A_596], %swap3A_599 {add = true, strides = array<i32>} : memref<200x128xf32, #tpu.memory_space<vmem>>, vector<1x16xf32>,
        %get3A_600 = arith.index_cast %add3A_592 : i32 to index
        %get3A_601 = arith.constant 16 : index
        %get3A_602 = tpu.vector_load %arg7[%get3A_600, %get3A_601] {strides = array<i32>} : memref<200x128xf32, #tpu.memory_space<vmem>>, vector<1x16xf32>,
        %get3A_603 = vector.shape_cast %get3A_602 : vector<1x16xf32> to vector<16xf32>
        %swap3A_604 = arith.index_cast %add3A_592 : i32 to index
        %swap3A_605 = arith.constant 16 : index
        %swap3A_606 = tpu.vector_load %arg8[%swap3A_604, %swap3A_605] {strides = array<i32>} : memref<200x128xf32, #tpu.memory_space<vmem>>, vector<1x16xf32>,
        %swap3A_607 = vector.shape_cast %swap3A_606 : vector<1x16xf32> to vector<16xf32>
        %swap3A_608 = vector.shape_cast %get3A_603 : vector<16xf32> to vector<1x16xf32>
        tpu.vector_store %arg8[%swap3A_604, %swap3A_605], %swap3A_608 {add = true, strides = array<i32>} : memref<200x128xf32, #tpu.memory_space<vmem>>, vector<1x16xf32>,
        %get3A_609 = arith.index_cast %add3A_592 : i32 to index
        %get3A_610 = arith.constant 32 : index
        %get3A_611 = tpu.vector_load %arg7[%get3A_609, %get3A_610] {strides = array<i32>} : memref<200x128xf32, #tpu.memory_space<vmem>>, vector<1x16xf32>,
        %get3A_612 = vector.shape_cast %get3A_611 : vector<1x16xf32> to vector<16xf32>
        %swap3A_613 = arith.index_cast %add3A_592 : i32 to index
        %swap3A_614 = arith.constant 32 : index
        %swap3A_615 = tpu.vector_load %arg8[%swap3A_613, %swap3A_614] {strides = array<i32>} : memref<200x128xf32, #tpu.memory_space<vmem>>, vector<1x16xf32>,
        %swap3A_616 = vector.shape_cast %swap3A_615 : vector<1x16xf32> to vector<16xf32>
        %swap3A_617 = vector.shape_cast %get3A_612 : vector<16xf32> to vector<1x16xf32>
        tpu.vector_store %arg8[%swap3A_613, %swap3A_614], %swap3A_617 {add = true, strides = array<i32>} : memref<200x128xf32, #tpu.memory_space<vmem>>, vector<1x16xf32>,
        %get3A_618 = arith.index_cast %add3A_592 : i32 to index
        %get3A_619 = arith.constant 48 : index
        %get3A_620 = tpu.vector_load %arg7[%get3A_618, %get3A_619] {strides = array<i32>} : memref<200x128xf32, #tpu.memory_space<vmem>>, vector<1x16xf32>,
        %get3A_621 = vector.shape_cast %get3A_620 : vector<1x16xf32> to vector<16xf32>
        %swap3A_622 = arith.index_cast %add3A_592 : i32 to index
        %swap3A_623 = arith.constant 48 : index
        %swap3A_624 = tpu.vector_load %arg8[%swap3A_622, %swap3A_623] {strides = array<i32>} : memref<200x128xf32, #tpu.memory_space<vmem>>, vector<1x16xf32>,
        %swap3A_625 = vector.shape_cast %swap3A_624 : vector<1x16xf32> to vector<16xf32>
        %swap3A_626 = vector.shape_cast %get3A_621 : vector<16xf32> to vector<1x16xf32>
        tpu.vector_store %arg8[%swap3A_622, %swap3A_623], %swap3A_626 {add = true, strides = array<i32>} : memref<200x128xf32, #tpu.memory_space<vmem>>, vector<1x16xf32>,
        %get3A_627 = arith.index_cast %add3A_592 : i32 to index
        %get3A_628 = arith.constant 64 : index
        %get3A_629 = tpu.vector_load %arg7[%get3A_627, %get3A_628] {strides = array<i32>} : memref<200x128xf32, #tpu.memory_space<vmem>>, vector<1x16xf32>,
        %get3A_630 = vector.shape_cast %get3A_629 : vector<1x16xf32> to vector<16xf32>
        %swap3A_631 = arith.index_cast %add3A_592 : i32 to index
        %swap3A_632 = arith.constant 64 : index
        %swap3A_633 = tpu.vector_load %arg8[%swap3A_631, %swap3A_632] {strides = array<i32>} : memref<200x128xf32, #tpu.memory_space<vmem>>, vector<1x16xf32>,
        %swap3A_634 = vector.shape_cast %swap3A_633 : vector<1x16xf32> to vector<16xf32>
        %swap3A_635 = vector.shape_cast %get3A_630 : vector<16xf32> to vector<1x16xf32>
        tpu.vector_store %arg8[%swap3A_631, %swap3A_632], %swap3A_635 {add = true, strides = array<i32>} : memref<200x128xf32, #tpu.memory_space<vmem>>, vector<1x16xf32>,
        %get3A_636 = arith.index_cast %add3A_592 : i32 to index
        %get3A_637 = arith.constant 80 : index
        %get3A_638 = tpu.vector_load %arg7[%get3A_636, %get3A_637] {strides = array<i32>} : memref<200x128xf32, #tpu.memory_space<vmem>>, vector<1x16xf32>,
        %get3A_639 = vector.shape_cast %get3A_638 : vector<1x16xf32> to vector<16xf32>
        %swap3A_640 = arith.index_cast %add3A_592 : i32 to index
        %swap3A_641 = arith.constant 80 : index
        %swap3A_642 = tpu.vector_load %arg8[%swap3A_640, %swap3A_641] {strides = array<i32>} : memref<200x128xf32, #tpu.memory_space<vmem>>, vector<1x16xf32>,
        %swap3A_643 = vector.shape_cast %swap3A_642 : vector<1x16xf32> to vector<16xf32>
        %swap3A_644 = vector.shape_cast %get3A_639 : vector<16xf32> to vector<1x16xf32>
        tpu.vector_store %arg8[%swap3A_640, %swap3A_641], %swap3A_644 {add = true, strides = array<i32>} : memref<200x128xf32, #tpu.memory_space<vmem>>, vector<1x16xf32>,
        %get3A_645 = arith.index_cast %add3A_592 : i32 to index
        %get3A_646 = arith.constant 96 : index
        %get3A_647 = tpu.vector_load %arg7[%get3A_645, %get3A_646] {strides = array<i32>} : memref<200x128xf32, #tpu.memory_space<vmem>>, vector<1x16xf32>,
        %get3A_648 = vector.shape_cast %get3A_647 : vector<1x16xf32> to vector<16xf32>
        %swap3A_649 = arith.index_cast %add3A_592 : i32 to index
        %swap3A_650 = arith.constant 96 : index
        %swap3A_651 = tpu.vector_load %arg8[%swap3A_649, %swap3A_650] {strides = array<i32>} : memref<200x128xf32, #tpu.memory_space<vmem>>, vector<1x16xf32>,
        %swap3A_652 = vector.shape_cast %swap3A_651 : vector<1x16xf32> to vector<16xf32>
        %swap3A_653 = vector.shape_cast %get3A_648 : vector<16xf32> to vector<1x16xf32>
        tpu.vector_store %arg8[%swap3A_649, %swap3A_650], %swap3A_653 {add = true, strides = array<i32>} : memref<200x128xf32, #tpu.memory_space<vmem>>, vector<1x16xf32>,
        %get3A_654 = arith.index_cast %add3A_592 : i32 to index
        %get3A_655 = arith.constant 112 : index
        %get3A_656 = tpu.vector_load %arg7[%get3A_654, %get3A_655] {strides = array<i32>} : memref<200x128xf32, #tpu.memory_space<vmem>>, vector<1x16xf32>,
        %get3A_657 = vector.shape_cast %get3A_656 : vector<1x16xf32> to vector<16xf32>
        %swap3A_658 = arith.index_cast %add3A_592 : i32 to index
        %swap3A_659 = arith.constant 112 : index
        %swap3A_660 = tpu.vector_load %arg8[%swap3A_658, %swap3A_659] {strides = array<i32>} : memref<200x128xf32, #tpu.memory_space<vmem>>, vector<1x16xf32>,
        %swap3A_661 = vector.shape_cast %swap3A_660 : vector<1x16xf32> to vector<16xf32>
        %swap3A_662 = vector.shape_cast %get3A_657 : vector<16xf32> to vector<1x16xf32>
        tpu.vector_store %arg8[%swap3A_658, %swap3A_659], %swap3A_662 {add = true, strides = array<i32>} : memref<200x128xf32, #tpu.memory_space<vmem>>, vector<1x16xf32>,
      }
      %scan3A_406 = arith.constant 100 : i32
      %mul3A_407 = arith.constant 200 : i32
      %mul3A_408 = arith.muli %add3A_332, %mul3A_407 : i32
      %add3A_409 = arith.addi %mul3A_2, %mul3A_408 : i32
      %dma_start3A_410 = arith.constant 0 : i32
      %dma_start3A_411 = tpu.memref_slice %arg5[%add3A_409, %dma_start3A_410] : memref<204800x128xf32, #tpu.memory_space<hbm>> -> memref<200x128xf32, #tpu.memory_space<hbm>>
      %dma_start3A_412 = arith.constant 0 : i32
      %dma_start3A_413 = tpu.memref_slice %arg5[%add3A_409, %dma_start3A_412] : memref<204800x128xf32, #tpu.memory_space<hbm>> -> memref<200x128xf32, #tpu.memory_space<hbm>>
      tpu.enqueue_dma source(%arg8 : memref<200x128xf32, #tpu.memory_space<vmem>>) target(%dma_start3A_413 : memref<200x128xf32, #tpu.memory_space<hbm>>) target_semaphore(%arg17 : memref<!tpu.dma_semaphore, #tpu.memory_space<semaphore_mem>>)
      %add3A_414 = arith.constant 1 : i32
      %add3A_415 = arith.addi %scan3A_326, %add3A_414 : i32
      %mul3A_416 = arith.constant 3 : i32
      %mul3A_417 = arith.muli %mul3A_416, %add3A_415 : i32
      %add3A_418 = arith.constant 1 : i32
      %add3A_419 = arith.addi %mul3A_417, %add3A_418 : i32
      %sub3A_420 = arith.constant 2 : i32
      %sub3A_421 = arith.subi %add3A_419, %sub3A_420 : i32
      %mul3A_422 = arith.constant 200 : i32
      %mul3A_423 = arith.muli %sub3A_421, %mul3A_422 : i32
      %add3A_424 = arith.addi %mul3A_2, %mul3A_423 : i32
      %dma_wait3A_425 = arith.constant 0 : i32
      %dma_wait3A_426 = tpu.memref_slice %arg5[%add3A_424, %dma_wait3A_425] : memref<204800x128xf32, #tpu.memory_space<hbm>> -> memref<200x128xf32, #tpu.memory_space<hbm>>
      %dma_wait3A_427 = arith.constant 0 : i32
      %dma_wait3A_428 = tpu.memref_slice %arg5[%add3A_424, %dma_wait3A_427] : memref<204800x128xf32, #tpu.memory_space<hbm>> -> memref<200x128xf32, #tpu.memory_space<hbm>>
      tpu.wait_dma2 semaphore(%arg19 : memref<!tpu.dma_semaphore, #tpu.memory_space<semaphore_mem>>) src(%arg10 : memref<200x128xf32, #tpu.memory_space<vmem>>) dst(%dma_wait3A_428 : memref<200x128xf32, #tpu.memory_space<hbm>>)
      %add3A_429 = arith.constant 1 : i32
      %add3A_430 = arith.addi %add3A_419, %add3A_429 : i32
      %mul3A_431 = arith.constant 2 : i32
      %mul3A_432 = arith.muli %mul3A_431, %add3A_430 : i32
      %add3A_433 = arith.constant 0 : i32
      %add3A_434 = arith.addi %mul3A_432, %add3A_433 : i32
      %dma_start3A_435 = arith.constant 0 : i32
      %dma_start3A_436 = arith.constant 0 : i32
      %dma_start3A_437 = tpu.memref_slice %arg10[%dma_start3A_435, %dma_start3A_436] : memref<200x128xf32, #tpu.memory_space<vmem>> -> memref<100x128xf32, #tpu.memory_space<vmem>>
      %dma_start3A_438 = arith.constant 0 : i32
      %dma_start3A_439 = tpu.memref_slice %arg6[%add3A_434, %dma_start3A_438] : memref<64x100xi32, #tpu.memory_space<vmem>> -> memref<1x100xi32, #tpu.memory_space<vmem>>
      %dma_start3A_440 = tpu.memref_squeeze %dma_start3A_439 : memref<1x100xi32, #tpu.memory_space<vmem>> -> memref<100xi32, #tpu.memory_space<vmem>>
      %dma_start3A_441 = arith.constant 0 : i32
      %dma_start3A_442 = arith.constant 0 : i32
      %dma_start3A_443 = tpu.memref_slice %arg3[%dma_start3A_441, %dma_start3A_442] : memref<100000x128xf32, #tpu.memory_space<hbm>> -> memref<100000x128xf32, #tpu.memory_space<hbm>>
      tpu.enqueue_indirect_dma source(%dma_start3A_443 : memref<100000x128xf32, #tpu.memory_space<hbm>>) target(%dma_start3A_437 : memref<100x128xf32, #tpu.memory_space<vmem>>) offsets(%dma_start3A_440 : memref<100xi32, #tpu.memory_space<vmem>>) semaphore(%arg15 : memref<!tpu.dma_semaphore, #tpu.memory_space<semaphore_mem>>)
      %mul3A_444 = arith.constant 2 : i32
      %mul3A_445 = arith.muli %mul3A_444, %add3A_430 : i32
      %add3A_446 = arith.constant 1 : i32
      %add3A_447 = arith.addi %mul3A_445, %add3A_446 : i32
      %dma_start3A_448 = arith.constant 100 : i32
      %dma_start3A_449 = arith.constant 0 : i32
      %dma_start3A_450 = tpu.memref_slice %arg10[%dma_start3A_448, %dma_start3A_449] : memref<200x128xf32, #tpu.memory_space<vmem>> -> memref<100x128xf32, #tpu.memory_space<vmem>>
      %dma_start3A_451 = arith.constant 0 : i32
      %dma_start3A_452 = tpu.memref_slice %arg6[%add3A_447, %dma_start3A_451] : memref<64x100xi32, #tpu.memory_space<vmem>> -> memref<1x100xi32, #tpu.memory_space<vmem>>
      %dma_start3A_453 = tpu.memref_squeeze %dma_start3A_452 : memref<1x100xi32, #tpu.memory_space<vmem>> -> memref<100xi32, #tpu.memory_space<vmem>>
      %dma_start3A_454 = arith.constant 0 : i32
      %dma_start3A_455 = arith.constant 0 : i32
      %dma_start3A_456 = tpu.memref_slice %arg3[%dma_start3A_454, %dma_start3A_455] : memref<100000x128xf32, #tpu.memory_space<hbm>> -> memref<100000x128xf32, #tpu.memory_space<hbm>>
      tpu.enqueue_indirect_dma source(%dma_start3A_456 : memref<100000x128xf32, #tpu.memory_space<hbm>>) target(%dma_start3A_450 : memref<100x128xf32, #tpu.memory_space<vmem>>) offsets(%dma_start3A_453 : memref<100xi32, #tpu.memory_space<vmem>>) semaphore(%arg16 : memref<!tpu.dma_semaphore, #tpu.memory_space<semaphore_mem>>)
      %mul3A_457 = arith.constant 2 : i32
      %mul3A_458 = arith.muli %mul3A_457, %add3A_419 : i32
      %add3A_459 = arith.constant 0 : i32
      %add3A_460 = arith.addi %mul3A_458, %add3A_459 : i32
      %dma_wait3A_461 = arith.constant 0 : i32
      %dma_wait3A_462 = arith.constant 0 : i32
      %dma_wait3A_463 = tpu.memref_slice %arg9[%dma_wait3A_461, %dma_wait3A_462] : memref<200x128xf32, #tpu.memory_space<vmem>> -> memref<100x128xf32, #tpu.memory_space<vmem>>
      %dma_wait3A_464 = arith.constant 0 : i32
      %dma_wait3A_465 = tpu.memref_slice %arg6[%add3A_460, %dma_wait3A_464] : memref<64x100xi32, #tpu.memory_space<vmem>> -> memref<1x100xi32, #tpu.memory_space<vmem>>
      %dma_wait3A_466 = tpu.memref_squeeze %dma_wait3A_465 : memref<1x100xi32, #tpu.memory_space<vmem>> -> memref<100xi32, #tpu.memory_space<vmem>>
      %dma_wait3A_467 = arith.constant 0 : i32
      %dma_wait3A_468 = arith.constant 0 : i32
      %dma_wait3A_469 = tpu.memref_slice %arg3[%dma_wait3A_467, %dma_wait3A_468] : memref<100000x128xf32, #tpu.memory_space<hbm>> -> memref<100000x128xf32, #tpu.memory_space<hbm>>
      tpu.wait_indirect_dma semaphore(%arg13 : memref<!tpu.dma_semaphore, #tpu.memory_space<semaphore_mem>>) src(%dma_wait3A_469 : memref<100000x128xf32, #tpu.memory_space<hbm>>) dst(%dma_wait3A_463 : memref<100x128xf32, #tpu.memory_space<vmem>>)
      %scan3A_470 = arith.constant 0 : i32
      %scan3A_471 = arith.constant 0 : i32
      %scan3A_472 = arith.constant 100 : i32
      %scan3A_473 = arith.addi %scan3A_471, %scan3A_472 : i32
      %scan3A_474 = arith.constant 1 : i32
      scf.for %scan3A_590 = %scan3A_471 to %scan3A_473 step %scan3A_474  : i32 {
        %add3A_591 = arith.constant 0 : i32
        %add3A_592 = arith.addi %add3A_591, %scan3A_590 : i32
        %get3A = arith.index_cast %add3A_592 : i32 to index
        %get3A_593 = arith.constant 0 : index
        %get3A_594 = tpu.vector_load %arg7[%get3A, %get3A_593] {strides = array<i32>} : memref<200x128xf32, #tpu.memory_space<vmem>>, vector<1x16xf32>,
        %get3A_595 = vector.shape_cast %get3A_594 : vector<1x16xf32> to vector<16xf32>
        %swap3A = arith.index_cast %add3A_592 : i32 to index
        %swap3A_596 = arith.constant 0 : index
        %swap3A_597 = tpu.vector_load %arg9[%swap3A, %swap3A_596] {strides = array<i32>} : memref<200x128xf32, #tpu.memory_space<vmem>>, vector<1x16xf32>,
        %swap3A_598 = vector.shape_cast %swap3A_597 : vector<1x16xf32> to vector<16xf32>
        %swap3A_599 = vector.shape_cast %get3A_595 : vector<16xf32> to vector<1x16xf32>
        tpu.vector_store %arg9[%swap3A, %swap3A_596], %swap3A_599 {add = true, strides = array<i32>} : memref<200x128xf32, #tpu.memory_space<vmem>>, vector<1x16xf32>,
        %get3A_600 = arith.index_cast %add3A_592 : i32 to index
        %get3A_601 = arith.constant 16 : index
        %get3A_602 = tpu.vector_load %arg7[%get3A_600, %get3A_601] {strides = array<i32>} : memref<200x128xf32, #tpu.memory_space<vmem>>, vector<1x16xf32>,
        %get3A_603 = vector.shape_cast %get3A_602 : vector<1x16xf32> to vector<16xf32>
        %swap3A_604 = arith.index_cast %add3A_592 : i32 to index
        %swap3A_605 = arith.constant 16 : index
        %swap3A_606 = tpu.vector_load %arg9[%swap3A_604, %swap3A_605] {strides = array<i32>} : memref<200x128xf32, #tpu.memory_space<vmem>>, vector<1x16xf32>,
        %swap3A_607 = vector.shape_cast %swap3A_606 : vector<1x16xf32> to vector<16xf32>
        %swap3A_608 = vector.shape_cast %get3A_603 : vector<16xf32> to vector<1x16xf32>
        tpu.vector_store %arg9[%swap3A_604, %swap3A_605], %swap3A_608 {add = true, strides = array<i32>} : memref<200x128xf32, #tpu.memory_space<vmem>>, vector<1x16xf32>,
        %get3A_609 = arith.index_cast %add3A_592 : i32 to index
        %get3A_610 = arith.constant 32 : index
        %get3A_611 = tpu.vector_load %arg7[%get3A_609, %get3A_610] {strides = array<i32>} : memref<200x128xf32, #tpu.memory_space<vmem>>, vector<1x16xf32>,
        %get3A_612 = vector.shape_cast %get3A_611 : vector<1x16xf32> to vector<16xf32>
        %swap3A_613 = arith.index_cast %add3A_592 : i32 to index
        %swap3A_614 = arith.constant 32 : index
        %swap3A_615 = tpu.vector_load %arg9[%swap3A_613, %swap3A_614] {strides = array<i32>} : memref<200x128xf32, #tpu.memory_space<vmem>>, vector<1x16xf32>,
        %swap3A_616 = vector.shape_cast %swap3A_615 : vector<1x16xf32> to vector<16xf32>
        %swap3A_617 = vector.shape_cast %get3A_612 : vector<16xf32> to vector<1x16xf32>
        tpu.vector_store %arg9[%swap3A_613, %swap3A_614], %swap3A_617 {add = true, strides = array<i32>} : memref<200x128xf32, #tpu.memory_space<vmem>>, vector<1x16xf32>,
        %get3A_618 = arith.index_cast %add3A_592 : i32 to index
        %get3A_619 = arith.constant 48 : index
        %get3A_620 = tpu.vector_load %arg7[%get3A_618, %get3A_619] {strides = array<i32>} : memref<200x128xf32, #tpu.memory_space<vmem>>, vector<1x16xf32>,
        %get3A_621 = vector.shape_cast %get3A_620 : vector<1x16xf32> to vector<16xf32>
        %swap3A_622 = arith.index_cast %add3A_592 : i32 to index
        %swap3A_623 = arith.constant 48 : index
        %swap3A_624 = tpu.vector_load %arg9[%swap3A_622, %swap3A_623] {strides = array<i32>} : memref<200x128xf32, #tpu.memory_space<vmem>>, vector<1x16xf32>,
        %swap3A_625 = vector.shape_cast %swap3A_624 : vector<1x16xf32> to vector<16xf32>
        %swap3A_626 = vector.shape_cast %get3A_621 : vector<16xf32> to vector<1x16xf32>
        tpu.vector_store %arg9[%swap3A_622, %swap3A_623], %swap3A_626 {add = true, strides = array<i32>} : memref<200x128xf32, #tpu.memory_space<vmem>>, vector<1x16xf32>,
        %get3A_627 = arith.index_cast %add3A_592 : i32 to index
        %get3A_628 = arith.constant 64 : index
        %get3A_629 = tpu.vector_load %arg7[%get3A_627, %get3A_628] {strides = array<i32>} : memref<200x128xf32, #tpu.memory_space<vmem>>, vector<1x16xf32>,
        %get3A_630 = vector.shape_cast %get3A_629 : vector<1x16xf32> to vector<16xf32>
        %swap3A_631 = arith.index_cast %add3A_592 : i32 to index
        %swap3A_632 = arith.constant 64 : index
        %swap3A_633 = tpu.vector_load %arg9[%swap3A_631, %swap3A_632] {strides = array<i32>} : memref<200x128xf32, #tpu.memory_space<vmem>>, vector<1x16xf32>,
        %swap3A_634 = vector.shape_cast %swap3A_633 : vector<1x16xf32> to vector<16xf32>
        %swap3A_635 = vector.shape_cast %get3A_630 : vector<16xf32> to vector<1x16xf32>
        tpu.vector_store %arg9[%swap3A_631, %swap3A_632], %swap3A_635 {add = true, strides = array<i32>} : memref<200x128xf32, #tpu.memory_space<vmem>>, vector<1x16xf32>,
        %get3A_636 = arith.index_cast %add3A_592 : i32 to index
        %get3A_637 = arith.constant 80 : index
        %get3A_638 = tpu.vector_load %arg7[%get3A_636, %get3A_637] {strides = array<i32>} : memref<200x128xf32, #tpu.memory_space<vmem>>, vector<1x16xf32>,
        %get3A_639 = vector.shape_cast %get3A_638 : vector<1x16xf32> to vector<16xf32>
        %swap3A_640 = arith.index_cast %add3A_592 : i32 to index
        %swap3A_641 = arith.constant 80 : index
        %swap3A_642 = tpu.vector_load %arg9[%swap3A_640, %swap3A_641] {strides = array<i32>} : memref<200x128xf32, #tpu.memory_space<vmem>>, vector<1x16xf32>,
        %swap3A_643 = vector.shape_cast %swap3A_642 : vector<1x16xf32> to vector<16xf32>
        %swap3A_644 = vector.shape_cast %get3A_639 : vector<16xf32> to vector<1x16xf32>
        tpu.vector_store %arg9[%swap3A_640, %swap3A_641], %swap3A_644 {add = true, strides = array<i32>} : memref<200x128xf32, #tpu.memory_space<vmem>>, vector<1x16xf32>,
        %get3A_645 = arith.index_cast %add3A_592 : i32 to index
        %get3A_646 = arith.constant 96 : index
        %get3A_647 = tpu.vector_load %arg7[%get3A_645, %get3A_646] {strides = array<i32>} : memref<200x128xf32, #tpu.memory_space<vmem>>, vector<1x16xf32>,
        %get3A_648 = vector.shape_cast %get3A_647 : vector<1x16xf32> to vector<16xf32>
        %swap3A_649 = arith.index_cast %add3A_592 : i32 to index
        %swap3A_650 = arith.constant 96 : index
        %swap3A_651 = tpu.vector_load %arg9[%swap3A_649, %swap3A_650] {strides = array<i32>} : memref<200x128xf32, #tpu.memory_space<vmem>>, vector<1x16xf32>,
        %swap3A_652 = vector.shape_cast %swap3A_651 : vector<1x16xf32> to vector<16xf32>
        %swap3A_653 = vector.shape_cast %get3A_648 : vector<16xf32> to vector<1x16xf32>
        tpu.vector_store %arg9[%swap3A_649, %swap3A_650], %swap3A_653 {add = true, strides = array<i32>} : memref<200x128xf32, #tpu.memory_space<vmem>>, vector<1x16xf32>,
        %get3A_654 = arith.index_cast %add3A_592 : i32 to index
        %get3A_655 = arith.constant 112 : index
        %get3A_656 = tpu.vector_load %arg7[%get3A_654, %get3A_655] {strides = array<i32>} : memref<200x128xf32, #tpu.memory_space<vmem>>, vector<1x16xf32>,
        %get3A_657 = vector.shape_cast %get3A_656 : vector<1x16xf32> to vector<16xf32>
        %swap3A_658 = arith.index_cast %add3A_592 : i32 to index
        %swap3A_659 = arith.constant 112 : index
        %swap3A_660 = tpu.vector_load %arg9[%swap3A_658, %swap3A_659] {strides = array<i32>} : memref<200x128xf32, #tpu.memory_space<vmem>>, vector<1x16xf32>,
        %swap3A_661 = vector.shape_cast %swap3A_660 : vector<1x16xf32> to vector<16xf32>
        %swap3A_662 = vector.shape_cast %get3A_657 : vector<16xf32> to vector<1x16xf32>
        tpu.vector_store %arg9[%swap3A_658, %swap3A_659], %swap3A_662 {add = true, strides = array<i32>} : memref<200x128xf32, #tpu.memory_space<vmem>>, vector<1x16xf32>,
      }
      %scan3A_475 = arith.constant 100 : i32
      %mul3A_476 = arith.constant 2 : i32
      %mul3A_477 = arith.muli %mul3A_476, %add3A_419 : i32
      %add3A_478 = arith.constant 1 : i32
      %add3A_479 = arith.addi %mul3A_477, %add3A_478 : i32
      %dma_wait3A_480 = arith.constant 100 : i32
      %dma_wait3A_481 = arith.constant 0 : i32
      %dma_wait3A_482 = tpu.memref_slice %arg9[%dma_wait3A_480, %dma_wait3A_481] : memref<200x128xf32, #tpu.memory_space<vmem>> -> memref<100x128xf32, #tpu.memory_space<vmem>>
      %dma_wait3A_483 = arith.constant 0 : i32
      %dma_wait3A_484 = tpu.memref_slice %arg6[%add3A_479, %dma_wait3A_483] : memref<64x100xi32, #tpu.memory_space<vmem>> -> memref<1x100xi32, #tpu.memory_space<vmem>>
      %dma_wait3A_485 = tpu.memref_squeeze %dma_wait3A_484 : memref<1x100xi32, #tpu.memory_space<vmem>> -> memref<100xi32, #tpu.memory_space<vmem>>
      %dma_wait3A_486 = arith.constant 0 : i32
      %dma_wait3A_487 = arith.constant 0 : i32
      %dma_wait3A_488 = tpu.memref_slice %arg3[%dma_wait3A_486, %dma_wait3A_487] : memref<100000x128xf32, #tpu.memory_space<hbm>> -> memref<100000x128xf32, #tpu.memory_space<hbm>>
      tpu.wait_indirect_dma semaphore(%arg14 : memref<!tpu.dma_semaphore, #tpu.memory_space<semaphore_mem>>) src(%dma_wait3A_488 : memref<100000x128xf32, #tpu.memory_space<hbm>>) dst(%dma_wait3A_482 : memref<100x128xf32, #tpu.memory_space<vmem>>)
      %scan3A_489 = arith.constant 0 : i32
      %scan3A_490 = arith.constant 0 : i32
      %scan3A_491 = arith.constant 100 : i32
      %scan3A_492 = arith.addi %scan3A_490, %scan3A_491 : i32
      %scan3A_493 = arith.constant 1 : i32
      scf.for %scan3A_590 = %scan3A_490 to %scan3A_492 step %scan3A_493  : i32 {
        %add3A_591 = arith.constant 100 : i32
        %add3A_592 = arith.addi %add3A_591, %scan3A_590 : i32
        %get3A = arith.index_cast %add3A_592 : i32 to index
        %get3A_593 = arith.constant 0 : index
        %get3A_594 = tpu.vector_load %arg7[%get3A, %get3A_593] {strides = array<i32>} : memref<200x128xf32, #tpu.memory_space<vmem>>, vector<1x16xf32>,
        %get3A_595 = vector.shape_cast %get3A_594 : vector<1x16xf32> to vector<16xf32>
        %swap3A = arith.index_cast %add3A_592 : i32 to index
        %swap3A_596 = arith.constant 0 : index
        %swap3A_597 = tpu.vector_load %arg9[%swap3A, %swap3A_596] {strides = array<i32>} : memref<200x128xf32, #tpu.memory_space<vmem>>, vector<1x16xf32>,
        %swap3A_598 = vector.shape_cast %swap3A_597 : vector<1x16xf32> to vector<16xf32>
        %swap3A_599 = vector.shape_cast %get3A_595 : vector<16xf32> to vector<1x16xf32>
        tpu.vector_store %arg9[%swap3A, %swap3A_596], %swap3A_599 {add = true, strides = array<i32>} : memref<200x128xf32, #tpu.memory_space<vmem>>, vector<1x16xf32>,
        %get3A_600 = arith.index_cast %add3A_592 : i32 to index
        %get3A_601 = arith.constant 16 : index
        %get3A_602 = tpu.vector_load %arg7[%get3A_600, %get3A_601] {strides = array<i32>} : memref<200x128xf32, #tpu.memory_space<vmem>>, vector<1x16xf32>,
        %get3A_603 = vector.shape_cast %get3A_602 : vector<1x16xf32> to vector<16xf32>
        %swap3A_604 = arith.index_cast %add3A_592 : i32 to index
        %swap3A_605 = arith.constant 16 : index
        %swap3A_606 = tpu.vector_load %arg9[%swap3A_604, %swap3A_605] {strides = array<i32>} : memref<200x128xf32, #tpu.memory_space<vmem>>, vector<1x16xf32>,
        %swap3A_607 = vector.shape_cast %swap3A_606 : vector<1x16xf32> to vector<16xf32>
        %swap3A_608 = vector.shape_cast %get3A_603 : vector<16xf32> to vector<1x16xf32>
        tpu.vector_store %arg9[%swap3A_604, %swap3A_605], %swap3A_608 {add = true, strides = array<i32>} : memref<200x128xf32, #tpu.memory_space<vmem>>, vector<1x16xf32>,
        %get3A_609 = arith.index_cast %add3A_592 : i32 to index
        %get3A_610 = arith.constant 32 : index
        %get3A_611 = tpu.vector_load %arg7[%get3A_609, %get3A_610] {strides = array<i32>} : memref<200x128xf32, #tpu.memory_space<vmem>>, vector<1x16xf32>,
        %get3A_612 = vector.shape_cast %get3A_611 : vector<1x16xf32> to vector<16xf32>
        %swap3A_613 = arith.index_cast %add3A_592 : i32 to index
        %swap3A_614 = arith.constant 32 : index
        %swap3A_615 = tpu.vector_load %arg9[%swap3A_613, %swap3A_614] {strides = array<i32>} : memref<200x128xf32, #tpu.memory_space<vmem>>, vector<1x16xf32>,
        %swap3A_616 = vector.shape_cast %swap3A_615 : vector<1x16xf32> to vector<16xf32>
        %swap3A_617 = vector.shape_cast %get3A_612 : vector<16xf32> to vector<1x16xf32>
        tpu.vector_store %arg9[%swap3A_613, %swap3A_614], %swap3A_617 {add = true, strides = array<i32>} : memref<200x128xf32, #tpu.memory_space<vmem>>, vector<1x16xf32>,
        %get3A_618 = arith.index_cast %add3A_592 : i32 to index
        %get3A_619 = arith.constant 48 : index
        %get3A_620 = tpu.vector_load %arg7[%get3A_618, %get3A_619] {strides = array<i32>} : memref<200x128xf32, #tpu.memory_space<vmem>>, vector<1x16xf32>,
        %get3A_621 = vector.shape_cast %get3A_620 : vector<1x16xf32> to vector<16xf32>
        %swap3A_622 = arith.index_cast %add3A_592 : i32 to index
        %swap3A_623 = arith.constant 48 : index
        %swap3A_624 = tpu.vector_load %arg9[%swap3A_622, %swap3A_623] {strides = array<i32>} : memref<200x128xf32, #tpu.memory_space<vmem>>, vector<1x16xf32>,
        %swap3A_625 = vector.shape_cast %swap3A_624 : vector<1x16xf32> to vector<16xf32>
        %swap3A_626 = vector.shape_cast %get3A_621 : vector<16xf32> to vector<1x16xf32>
        tpu.vector_store %arg9[%swap3A_622, %swap3A_623], %swap3A_626 {add = true, strides = array<i32>} : memref<200x128xf32, #tpu.memory_space<vmem>>, vector<1x16xf32>,
        %get3A_627 = arith.index_cast %add3A_592 : i32 to index
        %get3A_628 = arith.constant 64 : index
        %get3A_629 = tpu.vector_load %arg7[%get3A_627, %get3A_628] {strides = array<i32>} : memref<200x128xf32, #tpu.memory_space<vmem>>, vector<1x16xf32>,
        %get3A_630 = vector.shape_cast %get3A_629 : vector<1x16xf32> to vector<16xf32>
        %swap3A_631 = arith.index_cast %add3A_592 : i32 to index
        %swap3A_632 = arith.constant 64 : index
        %swap3A_633 = tpu.vector_load %arg9[%swap3A_631, %swap3A_632] {strides = array<i32>} : memref<200x128xf32, #tpu.memory_space<vmem>>, vector<1x16xf32>,
        %swap3A_634 = vector.shape_cast %swap3A_633 : vector<1x16xf32> to vector<16xf32>
        %swap3A_635 = vector.shape_cast %get3A_630 : vector<16xf32> to vector<1x16xf32>
        tpu.vector_store %arg9[%swap3A_631, %swap3A_632], %swap3A_635 {add = true, strides = array<i32>} : memref<200x128xf32, #tpu.memory_space<vmem>>, vector<1x16xf32>,
        %get3A_636 = arith.index_cast %add3A_592 : i32 to index
        %get3A_637 = arith.constant 80 : index
        %get3A_638 = tpu.vector_load %arg7[%get3A_636, %get3A_637] {strides = array<i32>} : memref<200x128xf32, #tpu.memory_space<vmem>>, vector<1x16xf32>,
        %get3A_639 = vector.shape_cast %get3A_638 : vector<1x16xf32> to vector<16xf32>
        %swap3A_640 = arith.index_cast %add3A_592 : i32 to index
        %swap3A_641 = arith.constant 80 : index
        %swap3A_642 = tpu.vector_load %arg9[%swap3A_640, %swap3A_641] {strides = array<i32>} : memref<200x128xf32, #tpu.memory_space<vmem>>, vector<1x16xf32>,
        %swap3A_643 = vector.shape_cast %swap3A_642 : vector<1x16xf32> to vector<16xf32>
        %swap3A_644 = vector.shape_cast %get3A_639 : vector<16xf32> to vector<1x16xf32>
        tpu.vector_store %arg9[%swap3A_640, %swap3A_641], %swap3A_644 {add = true, strides = array<i32>} : memref<200x128xf32, #tpu.memory_space<vmem>>, vector<1x16xf32>,
        %get3A_645 = arith.index_cast %add3A_592 : i32 to index
        %get3A_646 = arith.constant 96 : index
        %get3A_647 = tpu.vector_load %arg7[%get3A_645, %get3A_646] {strides = array<i32>} : memref<200x128xf32, #tpu.memory_space<vmem>>, vector<1x16xf32>,
        %get3A_648 = vector.shape_cast %get3A_647 : vector<1x16xf32> to vector<16xf32>
        %swap3A_649 = arith.index_cast %add3A_592 : i32 to index
        %swap3A_650 = arith.constant 96 : index
        %swap3A_651 = tpu.vector_load %arg9[%swap3A_649, %swap3A_650] {strides = array<i32>} : memref<200x128xf32, #tpu.memory_space<vmem>>, vector<1x16xf32>,
        %swap3A_652 = vector.shape_cast %swap3A_651 : vector<1x16xf32> to vector<16xf32>
        %swap3A_653 = vector.shape_cast %get3A_648 : vector<16xf32> to vector<1x16xf32>
        tpu.vector_store %arg9[%swap3A_649, %swap3A_650], %swap3A_653 {add = true, strides = array<i32>} : memref<200x128xf32, #tpu.memory_space<vmem>>, vector<1x16xf32>,
        %get3A_654 = arith.index_cast %add3A_592 : i32 to index
        %get3A_655 = arith.constant 112 : index
        %get3A_656 = tpu.vector_load %arg7[%get3A_654, %get3A_655] {strides = array<i32>} : memref<200x128xf32, #tpu.memory_space<vmem>>, vector<1x16xf32>,
        %get3A_657 = vector.shape_cast %get3A_656 : vector<1x16xf32> to vector<16xf32>
        %swap3A_658 = arith.index_cast %add3A_592 : i32 to index
        %swap3A_659 = arith.constant 112 : index
        %swap3A_660 = tpu.vector_load %arg9[%swap3A_658, %swap3A_659] {strides = array<i32>} : memref<200x128xf32, #tpu.memory_space<vmem>>, vector<1x16xf32>,
        %swap3A_661 = vector.shape_cast %swap3A_660 : vector<1x16xf32> to vector<16xf32>
        %swap3A_662 = vector.shape_cast %get3A_657 : vector<16xf32> to vector<1x16xf32>
        tpu.vector_store %arg9[%swap3A_658, %swap3A_659], %swap3A_662 {add = true, strides = array<i32>} : memref<200x128xf32, #tpu.memory_space<vmem>>, vector<1x16xf32>,
      }
      %scan3A_494 = arith.constant 100 : i32
      %mul3A_495 = arith.constant 200 : i32
      %mul3A_496 = arith.muli %add3A_419, %mul3A_495 : i32
      %add3A_497 = arith.addi %mul3A_2, %mul3A_496 : i32
      %dma_start3A_498 = arith.constant 0 : i32
      %dma_start3A_499 = tpu.memref_slice %arg5[%add3A_497, %dma_start3A_498] : memref<204800x128xf32, #tpu.memory_space<hbm>> -> memref<200x128xf32, #tpu.memory_space<hbm>>
      %dma_start3A_500 = arith.constant 0 : i32
      %dma_start3A_501 = tpu.memref_slice %arg5[%add3A_497, %dma_start3A_500] : memref<204800x128xf32, #tpu.memory_space<hbm>> -> memref<200x128xf32, #tpu.memory_space<hbm>>
      tpu.enqueue_dma source(%arg9 : memref<200x128xf32, #tpu.memory_space<vmem>>) target(%dma_start3A_501 : memref<200x128xf32, #tpu.memory_space<hbm>>) target_semaphore(%arg18 : memref<!tpu.dma_semaphore, #tpu.memory_space<semaphore_mem>>)
      %add3A_502 = arith.constant 1 : i32
      %add3A_503 = arith.addi %scan3A_326, %add3A_502 : i32
      %mul3A_504 = arith.constant 3 : i32
      %mul3A_505 = arith.muli %mul3A_504, %add3A_503 : i32
      %add3A_506 = arith.constant 2 : i32
      %add3A_507 = arith.addi %mul3A_505, %add3A_506 : i32
      %sub3A_508 = arith.constant 2 : i32
      %sub3A_509 = arith.subi %add3A_507, %sub3A_508 : i32
      %mul3A_510 = arith.constant 200 : i32
      %mul3A_511 = arith.muli %sub3A_509, %mul3A_510 : i32
      %add3A_512 = arith.addi %mul3A_2, %mul3A_511 : i32
      %dma_wait3A_513 = arith.constant 0 : i32
      %dma_wait3A_514 = tpu.memref_slice %arg5[%add3A_512, %dma_wait3A_513] : memref<204800x128xf32, #tpu.memory_space<hbm>> -> memref<200x128xf32, #tpu.memory_space<hbm>>
      %dma_wait3A_515 = arith.constant 0 : i32
      %dma_wait3A_516 = tpu.memref_slice %arg5[%add3A_512, %dma_wait3A_515] : memref<204800x128xf32, #tpu.memory_space<hbm>> -> memref<200x128xf32, #tpu.memory_space<hbm>>
      tpu.wait_dma2 semaphore(%arg17 : memref<!tpu.dma_semaphore, #tpu.memory_space<semaphore_mem>>) src(%arg8 : memref<200x128xf32, #tpu.memory_space<vmem>>) dst(%dma_wait3A_516 : memref<200x128xf32, #tpu.memory_space<hbm>>)
      %add3A_517 = arith.constant 1 : i32
      %add3A_518 = arith.addi %add3A_507, %add3A_517 : i32
      %mul3A_519 = arith.constant 2 : i32
      %mul3A_520 = arith.muli %mul3A_519, %add3A_518 : i32
      %add3A_521 = arith.constant 0 : i32
      %add3A_522 = arith.addi %mul3A_520, %add3A_521 : i32
      %dma_start3A_523 = arith.constant 0 : i32
      %dma_start3A_524 = arith.constant 0 : i32
      %dma_start3A_525 = tpu.memref_slice %arg8[%dma_start3A_523, %dma_start3A_524] : memref<200x128xf32, #tpu.memory_space<vmem>> -> memref<100x128xf32, #tpu.memory_space<vmem>>
      %dma_start3A_526 = arith.constant 0 : i32
      %dma_start3A_527 = tpu.memref_slice %arg6[%add3A_522, %dma_start3A_526] : memref<64x100xi32, #tpu.memory_space<vmem>> -> memref<1x100xi32, #tpu.memory_space<vmem>>
      %dma_start3A_528 = tpu.memref_squeeze %dma_start3A_527 : memref<1x100xi32, #tpu.memory_space<vmem>> -> memref<100xi32, #tpu.memory_space<vmem>>
      %dma_start3A_529 = arith.constant 0 : i32
      %dma_start3A_530 = arith.constant 0 : i32
      %dma_start3A_531 = tpu.memref_slice %arg3[%dma_start3A_529, %dma_start3A_530] : memref<100000x128xf32, #tpu.memory_space<hbm>> -> memref<100000x128xf32, #tpu.memory_space<hbm>>
      tpu.enqueue_indirect_dma source(%dma_start3A_531 : memref<100000x128xf32, #tpu.memory_space<hbm>>) target(%dma_start3A_525 : memref<100x128xf32, #tpu.memory_space<vmem>>) offsets(%dma_start3A_528 : memref<100xi32, #tpu.memory_space<vmem>>) semaphore(%arg11 : memref<!tpu.dma_semaphore, #tpu.memory_space<semaphore_mem>>)
      %mul3A_532 = arith.constant 2 : i32
      %mul3A_533 = arith.muli %mul3A_532, %add3A_518 : i32
      %add3A_534 = arith.constant 1 : i32
      %add3A_535 = arith.addi %mul3A_533, %add3A_534 : i32
      %dma_start3A_536 = arith.constant 100 : i32
      %dma_start3A_537 = arith.constant 0 : i32
      %dma_start3A_538 = tpu.memref_slice %arg8[%dma_start3A_536, %dma_start3A_537] : memref<200x128xf32, #tpu.memory_space<vmem>> -> memref<100x128xf32, #tpu.memory_space<vmem>>
      %dma_start3A_539 = arith.constant 0 : i32
      %dma_start3A_540 = tpu.memref_slice %arg6[%add3A_535, %dma_start3A_539] : memref<64x100xi32, #tpu.memory_space<vmem>> -> memref<1x100xi32, #tpu.memory_space<vmem>>
      %dma_start3A_541 = tpu.memref_squeeze %dma_start3A_540 : memref<1x100xi32, #tpu.memory_space<vmem>> -> memref<100xi32, #tpu.memory_space<vmem>>
      %dma_start3A_542 = arith.constant 0 : i32
      %dma_start3A_543 = arith.constant 0 : i32
      %dma_start3A_544 = tpu.memref_slice %arg3[%dma_start3A_542, %dma_start3A_543] : memref<100000x128xf32, #tpu.memory_space<hbm>> -> memref<100000x128xf32, #tpu.memory_space<hbm>>
      tpu.enqueue_indirect_dma source(%dma_start3A_544 : memref<100000x128xf32, #tpu.memory_space<hbm>>) target(%dma_start3A_538 : memref<100x128xf32, #tpu.memory_space<vmem>>) offsets(%dma_start3A_541 : memref<100xi32, #tpu.memory_space<vmem>>) semaphore(%arg12 : memref<!tpu.dma_semaphore, #tpu.memory_space<semaphore_mem>>)
      %mul3A_545 = arith.constant 2 : i32
      %mul3A_546 = arith.muli %mul3A_545, %add3A_507 : i32
      %add3A_547 = arith.constant 0 : i32
      %add3A_548 = arith.addi %mul3A_546, %add3A_547 : i32
      %dma_wait3A_549 = arith.constant 0 : i32
      %dma_wait3A_550 = arith.constant 0 : i32
      %dma_wait3A_551 = tpu.memref_slice %arg10[%dma_wait3A_549, %dma_wait3A_550] : memref<200x128xf32, #tpu.memory_space<vmem>> -> memref<100x128xf32, #tpu.memory_space<vmem>>
      %dma_wait3A_552 = arith.constant 0 : i32
      %dma_wait3A_553 = tpu.memref_slice %arg6[%add3A_548, %dma_wait3A_552] : memref<64x100xi32, #tpu.memory_space<vmem>> -> memref<1x100xi32, #tpu.memory_space<vmem>>
      %dma_wait3A_554 = tpu.memref_squeeze %dma_wait3A_553 : memref<1x100xi32, #tpu.memory_space<vmem>> -> memref<100xi32, #tpu.memory_space<vmem>>
      %dma_wait3A_555 = arith.constant 0 : i32
      %dma_wait3A_556 = arith.constant 0 : i32
      %dma_wait3A_557 = tpu.memref_slice %arg3[%dma_wait3A_555, %dma_wait3A_556] : memref<100000x128xf32, #tpu.memory_space<hbm>> -> memref<100000x128xf32, #tpu.memory_space<hbm>>
      tpu.wait_indirect_dma semaphore(%arg15 : memref<!tpu.dma_semaphore, #tpu.memory_space<semaphore_mem>>) src(%dma_wait3A_557 : memref<100000x128xf32, #tpu.memory_space<hbm>>) dst(%dma_wait3A_551 : memref<100x128xf32, #tpu.memory_space<vmem>>)
      %scan3A_558 = arith.constant 0 : i32
      %scan3A_559 = arith.constant 0 : i32
      %scan3A_560 = arith.constant 100 : i32
      %scan3A_561 = arith.addi %scan3A_559, %scan3A_560 : i32
      %scan3A_562 = arith.constant 1 : i32
      scf.for %scan3A_590 = %scan3A_559 to %scan3A_561 step %scan3A_562  : i32 {
        %add3A_591 = arith.constant 0 : i32
        %add3A_592 = arith.addi %add3A_591, %scan3A_590 : i32
        %get3A = arith.index_cast %add3A_592 : i32 to index
        %get3A_593 = arith.constant 0 : index
        %get3A_594 = tpu.vector_load %arg7[%get3A, %get3A_593] {strides = array<i32>} : memref<200x128xf32, #tpu.memory_space<vmem>>, vector<1x16xf32>,
        %get3A_595 = vector.shape_cast %get3A_594 : vector<1x16xf32> to vector<16xf32>
        %swap3A = arith.index_cast %add3A_592 : i32 to index
        %swap3A_596 = arith.constant 0 : index
        %swap3A_597 = tpu.vector_load %arg10[%swap3A, %swap3A_596] {strides = array<i32>} : memref<200x128xf32, #tpu.memory_space<vmem>>, vector<1x16xf32>,
        %swap3A_598 = vector.shape_cast %swap3A_597 : vector<1x16xf32> to vector<16xf32>
        %swap3A_599 = vector.shape_cast %get3A_595 : vector<16xf32> to vector<1x16xf32>
        tpu.vector_store %arg10[%swap3A, %swap3A_596], %swap3A_599 {add = true, strides = array<i32>} : memref<200x128xf32, #tpu.memory_space<vmem>>, vector<1x16xf32>,
        %get3A_600 = arith.index_cast %add3A_592 : i32 to index
        %get3A_601 = arith.constant 16 : index
        %get3A_602 = tpu.vector_load %arg7[%get3A_600, %get3A_601] {strides = array<i32>} : memref<200x128xf32, #tpu.memory_space<vmem>>, vector<1x16xf32>,
        %get3A_603 = vector.shape_cast %get3A_602 : vector<1x16xf32> to vector<16xf32>
        %swap3A_604 = arith.index_cast %add3A_592 : i32 to index
        %swap3A_605 = arith.constant 16 : index
        %swap3A_606 = tpu.vector_load %arg10[%swap3A_604, %swap3A_605] {strides = array<i32>} : memref<200x128xf32, #tpu.memory_space<vmem>>, vector<1x16xf32>,
        %swap3A_607 = vector.shape_cast %swap3A_606 : vector<1x16xf32> to vector<16xf32>
        %swap3A_608 = vector.shape_cast %get3A_603 : vector<16xf32> to vector<1x16xf32>
        tpu.vector_store %arg10[%swap3A_604, %swap3A_605], %swap3A_608 {add = true, strides = array<i32>} : memref<200x128xf32, #tpu.memory_space<vmem>>, vector<1x16xf32>,
        %get3A_609 = arith.index_cast %add3A_592 : i32 to index
        %get3A_610 = arith.constant 32 : index
        %get3A_611 = tpu.vector_load %arg7[%get3A_609, %get3A_610] {strides = array<i32>} : memref<200x128xf32, #tpu.memory_space<vmem>>, vector<1x16xf32>,
        %get3A_612 = vector.shape_cast %get3A_611 : vector<1x16xf32> to vector<16xf32>
        %swap3A_613 = arith.index_cast %add3A_592 : i32 to index
        %swap3A_614 = arith.constant 32 : index
        %swap3A_615 = tpu.vector_load %arg10[%swap3A_613, %swap3A_614] {strides = array<i32>} : memref<200x128xf32, #tpu.memory_space<vmem>>, vector<1x16xf32>,
        %swap3A_616 = vector.shape_cast %swap3A_615 : vector<1x16xf32> to vector<16xf32>
        %swap3A_617 = vector.shape_cast %get3A_612 : vector<16xf32> to vector<1x16xf32>
        tpu.vector_store %arg10[%swap3A_613, %swap3A_614], %swap3A_617 {add = true, strides = array<i32>} : memref<200x128xf32, #tpu.memory_space<vmem>>, vector<1x16xf32>,
        %get3A_618 = arith.index_cast %add3A_592 : i32 to index
        %get3A_619 = arith.constant 48 : index
        %get3A_620 = tpu.vector_load %arg7[%get3A_618, %get3A_619] {strides = array<i32>} : memref<200x128xf32, #tpu.memory_space<vmem>>, vector<1x16xf32>,
        %get3A_621 = vector.shape_cast %get3A_620 : vector<1x16xf32> to vector<16xf32>
        %swap3A_622 = arith.index_cast %add3A_592 : i32 to index
        %swap3A_623 = arith.constant 48 : index
        %swap3A_624 = tpu.vector_load %arg10[%swap3A_622, %swap3A_623] {strides = array<i32>} : memref<200x128xf32, #tpu.memory_space<vmem>>, vector<1x16xf32>,
        %swap3A_625 = vector.shape_cast %swap3A_624 : vector<1x16xf32> to vector<16xf32>
        %swap3A_626 = vector.shape_cast %get3A_621 : vector<16xf32> to vector<1x16xf32>
        tpu.vector_store %arg10[%swap3A_622, %swap3A_623], %swap3A_626 {add = true, strides = array<i32>} : memref<200x128xf32, #tpu.memory_space<vmem>>, vector<1x16xf32>,
        %get3A_627 = arith.index_cast %add3A_592 : i32 to index
        %get3A_628 = arith.constant 64 : index
        %get3A_629 = tpu.vector_load %arg7[%get3A_627, %get3A_628] {strides = array<i32>} : memref<200x128xf32, #tpu.memory_space<vmem>>, vector<1x16xf32>,
        %get3A_630 = vector.shape_cast %get3A_629 : vector<1x16xf32> to vector<16xf32>
        %swap3A_631 = arith.index_cast %add3A_592 : i32 to index
        %swap3A_632 = arith.constant 64 : index
        %swap3A_633 = tpu.vector_load %arg10[%swap3A_631, %swap3A_632] {strides = array<i32>} : memref<200x128xf32, #tpu.memory_space<vmem>>, vector<1x16xf32>,
        %swap3A_634 = vector.shape_cast %swap3A_633 : vector<1x16xf32> to vector<16xf32>
        %swap3A_635 = vector.shape_cast %get3A_630 : vector<16xf32> to vector<1x16xf32>
        tpu.vector_store %arg10[%swap3A_631, %swap3A_632], %swap3A_635 {add = true, strides = array<i32>} : memref<200x128xf32, #tpu.memory_space<vmem>>, vector<1x16xf32>,
        %get3A_636 = arith.index_cast %add3A_592 : i32 to index
        %get3A_637 = arith.constant 80 : index
        %get3A_638 = tpu.vector_load %arg7[%get3A_636, %get3A_637] {strides = array<i32>} : memref<200x128xf32, #tpu.memory_space<vmem>>, vector<1x16xf32>,
        %get3A_639 = vector.shape_cast %get3A_638 : vector<1x16xf32> to vector<16xf32>
        %swap3A_640 = arith.index_cast %add3A_592 : i32 to index
        %swap3A_641 = arith.constant 80 : index
        %swap3A_642 = tpu.vector_load %arg10[%swap3A_640, %swap3A_641] {strides = array<i32>} : memref<200x128xf32, #tpu.memory_space<vmem>>, vector<1x16xf32>,
        %swap3A_643 = vector.shape_cast %swap3A_642 : vector<1x16xf32> to vector<16xf32>
        %swap3A_644 = vector.shape_cast %get3A_639 : vector<16xf32> to vector<1x16xf32>
        tpu.vector_store %arg10[%swap3A_640, %swap3A_641], %swap3A_644 {add = true, strides = array<i32>} : memref<200x128xf32, #tpu.memory_space<vmem>>, vector<1x16xf32>,
        %get3A_645 = arith.index_cast %add3A_592 : i32 to index
        %get3A_646 = arith.constant 96 : index
        %get3A_647 = tpu.vector_load %arg7[%get3A_645, %get3A_646] {strides = array<i32>} : memref<200x128xf32, #tpu.memory_space<vmem>>, vector<1x16xf32>,
        %get3A_648 = vector.shape_cast %get3A_647 : vector<1x16xf32> to vector<16xf32>
        %swap3A_649 = arith.index_cast %add3A_592 : i32 to index
        %swap3A_650 = arith.constant 96 : index
        %swap3A_651 = tpu.vector_load %arg10[%swap3A_649, %swap3A_650] {strides = array<i32>} : memref<200x128xf32, #tpu.memory_space<vmem>>, vector<1x16xf32>,
        %swap3A_652 = vector.shape_cast %swap3A_651 : vector<1x16xf32> to vector<16xf32>
        %swap3A_653 = vector.shape_cast %get3A_648 : vector<16xf32> to vector<1x16xf32>
        tpu.vector_store %arg10[%swap3A_649, %swap3A_650], %swap3A_653 {add = true, strides = array<i32>} : memref<200x128xf32, #tpu.memory_space<vmem>>, vector<1x16xf32>,
        %get3A_654 = arith.index_cast %add3A_592 : i32 to index
        %get3A_655 = arith.constant 112 : index
        %get3A_656 = tpu.vector_load %arg7[%get3A_654, %get3A_655] {strides = array<i32>} : memref<200x128xf32, #tpu.memory_space<vmem>>, vector<1x16xf32>,
        %get3A_657 = vector.shape_cast %get3A_656 : vector<1x16xf32> to vector<16xf32>
        %swap3A_658 = arith.index_cast %add3A_592 : i32 to index
        %swap3A_659 = arith.constant 112 : index
        %swap3A_660 = tpu.vector_load %arg10[%swap3A_658, %swap3A_659] {strides = array<i32>} : memref<200x128xf32, #tpu.memory_space<vmem>>, vector<1x16xf32>,
        %swap3A_661 = vector.shape_cast %swap3A_660 : vector<1x16xf32> to vector<16xf32>
        %swap3A_662 = vector.shape_cast %get3A_657 : vector<16xf32> to vector<1x16xf32>
        tpu.vector_store %arg10[%swap3A_658, %swap3A_659], %swap3A_662 {add = true, strides = array<i32>} : memref<200x128xf32, #tpu.memory_space<vmem>>, vector<1x16xf32>,
      }
      %scan3A_563 = arith.constant 100 : i32
      %mul3A_564 = arith.constant 2 : i32
      %mul3A_565 = arith.muli %mul3A_564, %add3A_507 : i32
      %add3A_566 = arith.constant 1 : i32
      %add3A_567 = arith.addi %mul3A_565, %add3A_566 : i32
      %dma_wait3A_568 = arith.constant 100 : i32
      %dma_wait3A_569 = arith.constant 0 : i32
      %dma_wait3A_570 = tpu.memref_slice %arg10[%dma_wait3A_568, %dma_wait3A_569] : memref<200x128xf32, #tpu.memory_space<vmem>> -> memref<100x128xf32, #tpu.memory_space<vmem>>
      %dma_wait3A_571 = arith.constant 0 : i32
      %dma_wait3A_572 = tpu.memref_slice %arg6[%add3A_567, %dma_wait3A_571] : memref<64x100xi32, #tpu.memory_space<vmem>> -> memref<1x100xi32, #tpu.memory_space<vmem>>
      %dma_wait3A_573 = tpu.memref_squeeze %dma_wait3A_572 : memref<1x100xi32, #tpu.memory_space<vmem>> -> memref<100xi32, #tpu.memory_space<vmem>>
      %dma_wait3A_574 = arith.constant 0 : i32
      %dma_wait3A_575 = arith.constant 0 : i32
      %dma_wait3A_576 = tpu.memref_slice %arg3[%dma_wait3A_574, %dma_wait3A_575] : memref<100000x128xf32, #tpu.memory_space<hbm>> -> memref<100000x128xf32, #tpu.memory_space<hbm>>
      tpu.wait_indirect_dma semaphore(%arg16 : memref<!tpu.dma_semaphore, #tpu.memory_space<semaphore_mem>>) src(%dma_wait3A_576 : memref<100000x128xf32, #tpu.memory_space<hbm>>) dst(%dma_wait3A_570 : memref<100x128xf32, #tpu.memory_space<vmem>>)
      %scan3A_577 = arith.constant 0 : i32
      %scan3A_578 = arith.constant 0 : i32
      %scan3A_579 = arith.constant 100 : i32
      %scan3A_580 = arith.addi %scan3A_578, %scan3A_579 : i32
      %scan3A_581 = arith.constant 1 : i32
      scf.for %scan3A_590 = %scan3A_578 to %scan3A_580 step %scan3A_581  : i32 {
        %add3A_591 = arith.constant 100 : i32
        %add3A_592 = arith.addi %add3A_591, %scan3A_590 : i32
        %get3A = arith.index_cast %add3A_592 : i32 to index
        %get3A_593 = arith.constant 0 : index
        %get3A_594 = tpu.vector_load %arg7[%get3A, %get3A_593] {strides = array<i32>} : memref<200x128xf32, #tpu.memory_space<vmem>>, vector<1x16xf32>,
        %get3A_595 = vector.shape_cast %get3A_594 : vector<1x16xf32> to vector<16xf32>
        %swap3A = arith.index_cast %add3A_592 : i32 to index
        %swap3A_596 = arith.constant 0 : index
        %swap3A_597 = tpu.vector_load %arg10[%swap3A, %swap3A_596] {strides = array<i32>} : memref<200x128xf32, #tpu.memory_space<vmem>>, vector<1x16xf32>,
        %swap3A_598 = vector.shape_cast %swap3A_597 : vector<1x16xf32> to vector<16xf32>
        %swap3A_599 = vector.shape_cast %get3A_595 : vector<16xf32> to vector<1x16xf32>
        tpu.vector_store %arg10[%swap3A, %swap3A_596], %swap3A_599 {add = true, strides = array<i32>} : memref<200x128xf32, #tpu.memory_space<vmem>>, vector<1x16xf32>,
        %get3A_600 = arith.index_cast %add3A_592 : i32 to index
        %get3A_601 = arith.constant 16 : index
        %get3A_602 = tpu.vector_load %arg7[%get3A_600, %get3A_601] {strides = array<i32>} : memref<200x128xf32, #tpu.memory_space<vmem>>, vector<1x16xf32>,
        %get3A_603 = vector.shape_cast %get3A_602 : vector<1x16xf32> to vector<16xf32>
        %swap3A_604 = arith.index_cast %add3A_592 : i32 to index
        %swap3A_605 = arith.constant 16 : index
        %swap3A_606 = tpu.vector_load %arg10[%swap3A_604, %swap3A_605] {strides = array<i32>} : memref<200x128xf32, #tpu.memory_space<vmem>>, vector<1x16xf32>,
        %swap3A_607 = vector.shape_cast %swap3A_606 : vector<1x16xf32> to vector<16xf32>
        %swap3A_608 = vector.shape_cast %get3A_603 : vector<16xf32> to vector<1x16xf32>
        tpu.vector_store %arg10[%swap3A_604, %swap3A_605], %swap3A_608 {add = true, strides = array<i32>} : memref<200x128xf32, #tpu.memory_space<vmem>>, vector<1x16xf32>,
        %get3A_609 = arith.index_cast %add3A_592 : i32 to index
        %get3A_610 = arith.constant 32 : index
        %get3A_611 = tpu.vector_load %arg7[%get3A_609, %get3A_610] {strides = array<i32>} : memref<200x128xf32, #tpu.memory_space<vmem>>, vector<1x16xf32>,
        %get3A_612 = vector.shape_cast %get3A_611 : vector<1x16xf32> to vector<16xf32>
        %swap3A_613 = arith.index_cast %add3A_592 : i32 to index
        %swap3A_614 = arith.constant 32 : index
        %swap3A_615 = tpu.vector_load %arg10[%swap3A_613, %swap3A_614] {strides = array<i32>} : memref<200x128xf32, #tpu.memory_space<vmem>>, vector<1x16xf32>,
        %swap3A_616 = vector.shape_cast %swap3A_615 : vector<1x16xf32> to vector<16xf32>
        %swap3A_617 = vector.shape_cast %get3A_612 : vector<16xf32> to vector<1x16xf32>
        tpu.vector_store %arg10[%swap3A_613, %swap3A_614], %swap3A_617 {add = true, strides = array<i32>} : memref<200x128xf32, #tpu.memory_space<vmem>>, vector<1x16xf32>,
        %get3A_618 = arith.index_cast %add3A_592 : i32 to index
        %get3A_619 = arith.constant 48 : index
        %get3A_620 = tpu.vector_load %arg7[%get3A_618, %get3A_619] {strides = array<i32>} : memref<200x128xf32, #tpu.memory_space<vmem>>, vector<1x16xf32>,
        %get3A_621 = vector.shape_cast %get3A_620 : vector<1x16xf32> to vector<16xf32>
        %swap3A_622 = arith.index_cast %add3A_592 : i32 to index
        %swap3A_623 = arith.constant 48 : index
        %swap3A_624 = tpu.vector_load %arg10[%swap3A_622, %swap3A_623] {strides = array<i32>} : memref<200x128xf32, #tpu.memory_space<vmem>>, vector<1x16xf32>,
        %swap3A_625 = vector.shape_cast %swap3A_624 : vector<1x16xf32> to vector<16xf32>
        %swap3A_626 = vector.shape_cast %get3A_621 : vector<16xf32> to vector<1x16xf32>
        tpu.vector_store %arg10[%swap3A_622, %swap3A_623], %swap3A_626 {add = true, strides = array<i32>} : memref<200x128xf32, #tpu.memory_space<vmem>>, vector<1x16xf32>,
        %get3A_627 = arith.index_cast %add3A_592 : i32 to index
        %get3A_628 = arith.constant 64 : index
        %get3A_629 = tpu.vector_load %arg7[%get3A_627, %get3A_628] {strides = array<i32>} : memref<200x128xf32, #tpu.memory_space<vmem>>, vector<1x16xf32>,
        %get3A_630 = vector.shape_cast %get3A_629 : vector<1x16xf32> to vector<16xf32>
        %swap3A_631 = arith.index_cast %add3A_592 : i32 to index
        %swap3A_632 = arith.constant 64 : index
        %swap3A_633 = tpu.vector_load %arg10[%swap3A_631, %swap3A_632] {strides = array<i32>} : memref<200x128xf32, #tpu.memory_space<vmem>>, vector<1x16xf32>,
        %swap3A_634 = vector.shape_cast %swap3A_633 : vector<1x16xf32> to vector<16xf32>
        %swap3A_635 = vector.shape_cast %get3A_630 : vector<16xf32> to vector<1x16xf32>
        tpu.vector_store %arg10[%swap3A_631, %swap3A_632], %swap3A_635 {add = true, strides = array<i32>} : memref<200x128xf32, #tpu.memory_space<vmem>>, vector<1x16xf32>,
        %get3A_636 = arith.index_cast %add3A_592 : i32 to index
        %get3A_637 = arith.constant 80 : index
        %get3A_638 = tpu.vector_load %arg7[%get3A_636, %get3A_637] {strides = array<i32>} : memref<200x128xf32, #tpu.memory_space<vmem>>, vector<1x16xf32>,
        %get3A_639 = vector.shape_cast %get3A_638 : vector<1x16xf32> to vector<16xf32>
        %swap3A_640 = arith.index_cast %add3A_592 : i32 to index
        %swap3A_641 = arith.constant 80 : index
        %swap3A_642 = tpu.vector_load %arg10[%swap3A_640, %swap3A_641] {strides = array<i32>} : memref<200x128xf32, #tpu.memory_space<vmem>>, vector<1x16xf32>,
        %swap3A_643 = vector.shape_cast %swap3A_642 : vector<1x16xf32> to vector<16xf32>
        %swap3A_644 = vector.shape_cast %get3A_639 : vector<16xf32> to vector<1x16xf32>
        tpu.vector_store %arg10[%swap3A_640, %swap3A_641], %swap3A_644 {add = true, strides = array<i32>} : memref<200x128xf32, #tpu.memory_space<vmem>>, vector<1x16xf32>,
        %get3A_645 = arith.index_cast %add3A_592 : i32 to index
        %get3A_646 = arith.constant 96 : index
        %get3A_647 = tpu.vector_load %arg7[%get3A_645, %get3A_646] {strides = array<i32>} : memref<200x128xf32, #tpu.memory_space<vmem>>, vector<1x16xf32>,
        %get3A_648 = vector.shape_cast %get3A_647 : vector<1x16xf32> to vector<16xf32>
        %swap3A_649 = arith.index_cast %add3A_592 : i32 to index
        %swap3A_650 = arith.constant 96 : index
        %swap3A_651 = tpu.vector_load %arg10[%swap3A_649, %swap3A_650] {strides = array<i32>} : memref<200x128xf32, #tpu.memory_space<vmem>>, vector<1x16xf32>,
        %swap3A_652 = vector.shape_cast %swap3A_651 : vector<1x16xf32> to vector<16xf32>
        %swap3A_653 = vector.shape_cast %get3A_648 : vector<16xf32> to vector<1x16xf32>
        tpu.vector_store %arg10[%swap3A_649, %swap3A_650], %swap3A_653 {add = true, strides = array<i32>} : memref<200x128xf32, #tpu.memory_space<vmem>>, vector<1x16xf32>,
        %get3A_654 = arith.index_cast %add3A_592 : i32 to index
        %get3A_655 = arith.constant 112 : index
        %get3A_656 = tpu.vector_load %arg7[%get3A_654, %get3A_655] {strides = array<i32>} : memref<200x128xf32, #tpu.memory_space<vmem>>, vector<1x16xf32>,
        %get3A_657 = vector.shape_cast %get3A_656 : vector<1x16xf32> to vector<16xf32>
        %swap3A_658 = arith.index_cast %add3A_592 : i32 to index
        %swap3A_659 = arith.constant 112 : index
        %swap3A_660 = tpu.vector_load %arg10[%swap3A_658, %swap3A_659] {strides = array<i32>} : memref<200x128xf32, #tpu.memory_space<vmem>>, vector<1x16xf32>,
        %swap3A_661 = vector.shape_cast %swap3A_660 : vector<1x16xf32> to vector<16xf32>
        %swap3A_662 = vector.shape_cast %get3A_657 : vector<16xf32> to vector<1x16xf32>
        tpu.vector_store %arg10[%swap3A_658, %swap3A_659], %swap3A_662 {add = true, strides = array<i32>} : memref<200x128xf32, #tpu.memory_space<vmem>>, vector<1x16xf32>,
      }
      %scan3A_582 = arith.constant 100 : i32
      %mul3A_583 = arith.constant 200 : i32
      %mul3A_584 = arith.muli %add3A_507, %mul3A_583 : i32
      %add3A_585 = arith.addi %mul3A_2, %mul3A_584 : i32
      %dma_start3A_586 = arith.constant 0 : i32
      %dma_start3A_587 = tpu.memref_slice %arg5[%add3A_585, %dma_start3A_586] : memref<204800x128xf32, #tpu.memory_space<hbm>> -> memref<200x128xf32, #tpu.memory_space<hbm>>
      %dma_start3A_588 = arith.constant 0 : i32
      %dma_start3A_589 = tpu.memref_slice %arg5[%add3A_585, %dma_start3A_588] : memref<204800x128xf32, #tpu.memory_space<hbm>> -> memref<200x128xf32, #tpu.memory_space<hbm>>
      tpu.enqueue_dma source(%arg10 : memref<200x128xf32, #tpu.memory_space<vmem>>) target(%dma_start3A_589 : memref<200x128xf32, #tpu.memory_space<hbm>>) target_semaphore(%arg19 : memref<!tpu.dma_semaphore, #tpu.memory_space<semaphore_mem>>)
    }
    %scan3A_205 = arith.constant 9 : i32
    %add3A_206 = arith.constant 5600 : i32
    %add3A_207 = arith.addi %mul3A_2, %add3A_206 : i32
    %dma_wait3A_208 = arith.constant 0 : i32
    %dma_wait3A_209 = tpu.memref_slice %arg5[%add3A_207, %dma_wait3A_208] : memref<204800x128xf32, #tpu.memory_space<hbm>> -> memref<200x128xf32, #tpu.memory_space<hbm>>
    %dma_wait3A_210 = arith.constant 0 : i32
    %dma_wait3A_211 = tpu.memref_slice %arg5[%add3A_207, %dma_wait3A_210] : memref<204800x128xf32, #tpu.memory_space<hbm>> -> memref<200x128xf32, #tpu.memory_space<hbm>>
    tpu.wait_dma2 semaphore(%arg18 : memref<!tpu.dma_semaphore, #tpu.memory_space<semaphore_mem>>) src(%arg9 : memref<200x128xf32, #tpu.memory_space<vmem>>) dst(%dma_wait3A_211 : memref<200x128xf32, #tpu.memory_space<hbm>>)
    %dma_start3A_212 = arith.constant 62 : i32
    %dma_start3A_213 = arith.constant 0 : i32
    %dma_start3A_214 = arith.constant 0 : i32
    %dma_start3A_215 = tpu.memref_slice %arg9[%dma_start3A_213, %dma_start3A_214] : memref<200x128xf32, #tpu.memory_space<vmem>> -> memref<100x128xf32, #tpu.memory_space<vmem>>
    %dma_start3A_216 = arith.constant 0 : i32
    %dma_start3A_217 = tpu.memref_slice %arg6[%dma_start3A_212, %dma_start3A_216] : memref<64x100xi32, #tpu.memory_space<vmem>> -> memref<1x100xi32, #tpu.memory_space<vmem>>
    %dma_start3A_218 = tpu.memref_squeeze %dma_start3A_217 : memref<1x100xi32, #tpu.memory_space<vmem>> -> memref<100xi32, #tpu.memory_space<vmem>>
    %dma_start3A_219 = arith.constant 0 : i32
    %dma_start3A_220 = arith.constant 0 : i32
    %dma_start3A_221 = tpu.memref_slice %arg3[%dma_start3A_219, %dma_start3A_220] : memref<100000x128xf32, #tpu.memory_space<hbm>> -> memref<100000x128xf32, #tpu.memory_space<hbm>>
    tpu.enqueue_indirect_dma source(%dma_start3A_221 : memref<100000x128xf32, #tpu.memory_space<hbm>>) target(%dma_start3A_215 : memref<100x128xf32, #tpu.memory_space<vmem>>) offsets(%dma_start3A_218 : memref<100xi32, #tpu.memory_space<vmem>>) semaphore(%arg13 : memref<!tpu.dma_semaphore, #tpu.memory_space<semaphore_mem>>)
    %dma_start3A_222 = arith.constant 63 : i32
    %dma_start3A_223 = arith.constant 100 : i32
    %dma_start3A_224 = arith.constant 0 : i32
    %dma_start3A_225 = tpu.memref_slice %arg9[%dma_start3A_223, %dma_start3A_224] : memref<200x128xf32, #tpu.memory_space<vmem>> -> memref<100x128xf32, #tpu.memory_space<vmem>>
    %dma_start3A_226 = arith.constant 0 : i32
    %dma_start3A_227 = tpu.memref_slice %arg6[%dma_start3A_222, %dma_start3A_226] : memref<64x100xi32, #tpu.memory_space<vmem>> -> memref<1x100xi32, #tpu.memory_space<vmem>>
    %dma_start3A_228 = tpu.memref_squeeze %dma_start3A_227 : memref<1x100xi32, #tpu.memory_space<vmem>> -> memref<100xi32, #tpu.memory_space<vmem>>
    %dma_start3A_229 = arith.constant 0 : i32
    %dma_start3A_230 = arith.constant 0 : i32
    %dma_start3A_231 = tpu.memref_slice %arg3[%dma_start3A_229, %dma_start3A_230] : memref<100000x128xf32, #tpu.memory_space<hbm>> -> memref<100000x128xf32, #tpu.memory_space<hbm>>
    tpu.enqueue_indirect_dma source(%dma_start3A_231 : memref<100000x128xf32, #tpu.memory_space<hbm>>) target(%dma_start3A_225 : memref<100x128xf32, #tpu.memory_space<vmem>>) offsets(%dma_start3A_228 : memref<100xi32, #tpu.memory_space<vmem>>) semaphore(%arg14 : memref<!tpu.dma_semaphore, #tpu.memory_space<semaphore_mem>>)
    %dma_wait3A_232 = arith.constant 60 : i32
    %dma_wait3A_233 = arith.constant 0 : i32
    %dma_wait3A_234 = arith.constant 0 : i32
    %dma_wait3A_235 = tpu.memref_slice %arg8[%dma_wait3A_233, %dma_wait3A_234] : memref<200x128xf32, #tpu.memory_space<vmem>> -> memref<100x128xf32, #tpu.memory_space<vmem>>
    %dma_wait3A_236 = arith.constant 0 : i32
    %dma_wait3A_237 = tpu.memref_slice %arg6[%dma_wait3A_232, %dma_wait3A_236] : memref<64x100xi32, #tpu.memory_space<vmem>> -> memref<1x100xi32, #tpu.memory_space<vmem>>
    %dma_wait3A_238 = tpu.memref_squeeze %dma_wait3A_237 : memref<1x100xi32, #tpu.memory_space<vmem>> -> memref<100xi32, #tpu.memory_space<vmem>>
    %dma_wait3A_239 = arith.constant 0 : i32
    %dma_wait3A_240 = arith.constant 0 : i32
    %dma_wait3A_241 = tpu.memref_slice %arg3[%dma_wait3A_239, %dma_wait3A_240] : memref<100000x128xf32, #tpu.memory_space<hbm>> -> memref<100000x128xf32, #tpu.memory_space<hbm>>
    tpu.wait_indirect_dma semaphore(%arg11 : memref<!tpu.dma_semaphore, #tpu.memory_space<semaphore_mem>>) src(%dma_wait3A_241 : memref<100000x128xf32, #tpu.memory_space<hbm>>) dst(%dma_wait3A_235 : memref<100x128xf32, #tpu.memory_space<vmem>>)
    %scan3A_242 = arith.constant 0 : i32
    %scan3A_243 = arith.constant 0 : i32
    %scan3A_244 = arith.constant 100 : i32
    %scan3A_245 = arith.addi %scan3A_243, %scan3A_244 : i32
    %scan3A_246 = arith.constant 1 : i32
    scf.for %scan3A_326 = %scan3A_243 to %scan3A_245 step %scan3A_246  : i32 {
      %add3A_327 = arith.constant 0 : i32
      %add3A_328 = arith.addi %add3A_327, %scan3A_326 : i32
      %get3A = arith.index_cast %add3A_328 : i32 to index
      %get3A_329 = arith.constant 0 : index
      %get3A_330 = tpu.vector_load %arg7[%get3A, %get3A_329] {strides = array<i32>} : memref<200x128xf32, #tpu.memory_space<vmem>>, vector<1x16xf32>,
      %get3A_331 = vector.shape_cast %get3A_330 : vector<1x16xf32> to vector<16xf32>
      %swap3A = arith.index_cast %add3A_328 : i32 to index
      %swap3A_332 = arith.constant 0 : index
      %swap3A_333 = tpu.vector_load %arg8[%swap3A, %swap3A_332] {strides = array<i32>} : memref<200x128xf32, #tpu.memory_space<vmem>>, vector<1x16xf32>,
      %swap3A_334 = vector.shape_cast %swap3A_333 : vector<1x16xf32> to vector<16xf32>
      %swap3A_335 = vector.shape_cast %get3A_331 : vector<16xf32> to vector<1x16xf32>
      tpu.vector_store %arg8[%swap3A, %swap3A_332], %swap3A_335 {add = true, strides = array<i32>} : memref<200x128xf32, #tpu.memory_space<vmem>>, vector<1x16xf32>,
      %get3A_336 = arith.index_cast %add3A_328 : i32 to index
      %get3A_337 = arith.constant 16 : index
      %get3A_338 = tpu.vector_load %arg7[%get3A_336, %get3A_337] {strides = array<i32>} : memref<200x128xf32, #tpu.memory_space<vmem>>, vector<1x16xf32>,
      %get3A_339 = vector.shape_cast %get3A_338 : vector<1x16xf32> to vector<16xf32>
      %swap3A_340 = arith.index_cast %add3A_328 : i32 to index
      %swap3A_341 = arith.constant 16 : index
      %swap3A_342 = tpu.vector_load %arg8[%swap3A_340, %swap3A_341] {strides = array<i32>} : memref<200x128xf32, #tpu.memory_space<vmem>>, vector<1x16xf32>,
      %swap3A_343 = vector.shape_cast %swap3A_342 : vector<1x16xf32> to vector<16xf32>
      %swap3A_344 = vector.shape_cast %get3A_339 : vector<16xf32> to vector<1x16xf32>
      tpu.vector_store %arg8[%swap3A_340, %swap3A_341], %swap3A_344 {add = true, strides = array<i32>} : memref<200x128xf32, #tpu.memory_space<vmem>>, vector<1x16xf32>,
      %get3A_345 = arith.index_cast %add3A_328 : i32 to index
      %get3A_346 = arith.constant 32 : index
      %get3A_347 = tpu.vector_load %arg7[%get3A_345, %get3A_346] {strides = array<i32>} : memref<200x128xf32, #tpu.memory_space<vmem>>, vector<1x16xf32>,
      %get3A_348 = vector.shape_cast %get3A_347 : vector<1x16xf32> to vector<16xf32>
      %swap3A_349 = arith.index_cast %add3A_328 : i32 to index
      %swap3A_350 = arith.constant 32 : index
      %swap3A_351 = tpu.vector_load %arg8[%swap3A_349, %swap3A_350] {strides = array<i32>} : memref<200x128xf32, #tpu.memory_space<vmem>>, vector<1x16xf32>,
      %swap3A_352 = vector.shape_cast %swap3A_351 : vector<1x16xf32> to vector<16xf32>
      %swap3A_353 = vector.shape_cast %get3A_348 : vector<16xf32> to vector<1x16xf32>
      tpu.vector_store %arg8[%swap3A_349, %swap3A_350], %swap3A_353 {add = true, strides = array<i32>} : memref<200x128xf32, #tpu.memory_space<vmem>>, vector<1x16xf32>,
      %get3A_354 = arith.index_cast %add3A_328 : i32 to index
      %get3A_355 = arith.constant 48 : index
      %get3A_356 = tpu.vector_load %arg7[%get3A_354, %get3A_355] {strides = array<i32>} : memref<200x128xf32, #tpu.memory_space<vmem>>, vector<1x16xf32>,
      %get3A_357 = vector.shape_cast %get3A_356 : vector<1x16xf32> to vector<16xf32>
      %swap3A_358 = arith.index_cast %add3A_328 : i32 to index
      %swap3A_359 = arith.constant 48 : index
      %swap3A_360 = tpu.vector_load %arg8[%swap3A_358, %swap3A_359] {strides = array<i32>} : memref<200x128xf32, #tpu.memory_space<vmem>>, vector<1x16xf32>,
      %swap3A_361 = vector.shape_cast %swap3A_360 : vector<1x16xf32> to vector<16xf32>
      %swap3A_362 = vector.shape_cast %get3A_357 : vector<16xf32> to vector<1x16xf32>
      tpu.vector_store %arg8[%swap3A_358, %swap3A_359], %swap3A_362 {add = true, strides = array<i32>} : memref<200x128xf32, #tpu.memory_space<vmem>>, vector<1x16xf32>,
      %get3A_363 = arith.index_cast %add3A_328 : i32 to index
      %get3A_364 = arith.constant 64 : index
      %get3A_365 = tpu.vector_load %arg7[%get3A_363, %get3A_364] {strides = array<i32>} : memref<200x128xf32, #tpu.memory_space<vmem>>, vector<1x16xf32>,
      %get3A_366 = vector.shape_cast %get3A_365 : vector<1x16xf32> to vector<16xf32>
      %swap3A_367 = arith.index_cast %add3A_328 : i32 to index
      %swap3A_368 = arith.constant 64 : index
      %swap3A_369 = tpu.vector_load %arg8[%swap3A_367, %swap3A_368] {strides = array<i32>} : memref<200x128xf32, #tpu.memory_space<vmem>>, vector<1x16xf32>,
      %swap3A_370 = vector.shape_cast %swap3A_369 : vector<1x16xf32> to vector<16xf32>
      %swap3A_371 = vector.shape_cast %get3A_366 : vector<16xf32> to vector<1x16xf32>
      tpu.vector_store %arg8[%swap3A_367, %swap3A_368], %swap3A_371 {add = true, strides = array<i32>} : memref<200x128xf32, #tpu.memory_space<vmem>>, vector<1x16xf32>,
      %get3A_372 = arith.index_cast %add3A_328 : i32 to index
      %get3A_373 = arith.constant 80 : index
      %get3A_374 = tpu.vector_load %arg7[%get3A_372, %get3A_373] {strides = array<i32>} : memref<200x128xf32, #tpu.memory_space<vmem>>, vector<1x16xf32>,
      %get3A_375 = vector.shape_cast %get3A_374 : vector<1x16xf32> to vector<16xf32>
      %swap3A_376 = arith.index_cast %add3A_328 : i32 to index
      %swap3A_377 = arith.constant 80 : index
      %swap3A_378 = tpu.vector_load %arg8[%swap3A_376, %swap3A_377] {strides = array<i32>} : memref<200x128xf32, #tpu.memory_space<vmem>>, vector<1x16xf32>,
      %swap3A_379 = vector.shape_cast %swap3A_378 : vector<1x16xf32> to vector<16xf32>
      %swap3A_380 = vector.shape_cast %get3A_375 : vector<16xf32> to vector<1x16xf32>
      tpu.vector_store %arg8[%swap3A_376, %swap3A_377], %swap3A_380 {add = true, strides = array<i32>} : memref<200x128xf32, #tpu.memory_space<vmem>>, vector<1x16xf32>,
      %get3A_381 = arith.index_cast %add3A_328 : i32 to index
      %get3A_382 = arith.constant 96 : index
      %get3A_383 = tpu.vector_load %arg7[%get3A_381, %get3A_382] {strides = array<i32>} : memref<200x128xf32, #tpu.memory_space<vmem>>, vector<1x16xf32>,
      %get3A_384 = vector.shape_cast %get3A_383 : vector<1x16xf32> to vector<16xf32>
      %swap3A_385 = arith.index_cast %add3A_328 : i32 to index
      %swap3A_386 = arith.constant 96 : index
      %swap3A_387 = tpu.vector_load %arg8[%swap3A_385, %swap3A_386] {strides = array<i32>} : memref<200x128xf32, #tpu.memory_space<vmem>>, vector<1x16xf32>,
      %swap3A_388 = vector.shape_cast %swap3A_387 : vector<1x16xf32> to vector<16xf32>
      %swap3A_389 = vector.shape_cast %get3A_384 : vector<16xf32> to vector<1x16xf32>
      tpu.vector_store %arg8[%swap3A_385, %swap3A_386], %swap3A_389 {add = true, strides = array<i32>} : memref<200x128xf32, #tpu.memory_space<vmem>>, vector<1x16xf32>,
      %get3A_390 = arith.index_cast %add3A_328 : i32 to index
      %get3A_391 = arith.constant 112 : index
      %get3A_392 = tpu.vector_load %arg7[%get3A_390, %get3A_391] {strides = array<i32>} : memref<200x128xf32, #tpu.memory_space<vmem>>, vector<1x16xf32>,
      %get3A_393 = vector.shape_cast %get3A_392 : vector<1x16xf32> to vector<16xf32>
      %swap3A_394 = arith.index_cast %add3A_328 : i32 to index
      %swap3A_395 = arith.constant 112 : index
      %swap3A_396 = tpu.vector_load %arg8[%swap3A_394, %swap3A_395] {strides = array<i32>} : memref<200x128xf32, #tpu.memory_space<vmem>>, vector<1x16xf32>,
      %swap3A_397 = vector.shape_cast %swap3A_396 : vector<1x16xf32> to vector<16xf32>
      %swap3A_398 = vector.shape_cast %get3A_393 : vector<16xf32> to vector<1x16xf32>
      tpu.vector_store %arg8[%swap3A_394, %swap3A_395], %swap3A_398 {add = true, strides = array<i32>} : memref<200x128xf32, #tpu.memory_space<vmem>>, vector<1x16xf32>,
    }
    %scan3A_247 = arith.constant 100 : i32
    %dma_wait3A_248 = arith.constant 61 : i32
    %dma_wait3A_249 = arith.constant 100 : i32
    %dma_wait3A_250 = arith.constant 0 : i32
    %dma_wait3A_251 = tpu.memref_slice %arg8[%dma_wait3A_249, %dma_wait3A_250] : memref<200x128xf32, #tpu.memory_space<vmem>> -> memref<100x128xf32, #tpu.memory_space<vmem>>
    %dma_wait3A_252 = arith.constant 0 : i32
    %dma_wait3A_253 = tpu.memref_slice %arg6[%dma_wait3A_248, %dma_wait3A_252] : memref<64x100xi32, #tpu.memory_space<vmem>> -> memref<1x100xi32, #tpu.memory_space<vmem>>
    %dma_wait3A_254 = tpu.memref_squeeze %dma_wait3A_253 : memref<1x100xi32, #tpu.memory_space<vmem>> -> memref<100xi32, #tpu.memory_space<vmem>>
    %dma_wait3A_255 = arith.constant 0 : i32
    %dma_wait3A_256 = arith.constant 0 : i32
    %dma_wait3A_257 = tpu.memref_slice %arg3[%dma_wait3A_255, %dma_wait3A_256] : memref<100000x128xf32, #tpu.memory_space<hbm>> -> memref<100000x128xf32, #tpu.memory_space<hbm>>
    tpu.wait_indirect_dma semaphore(%arg12 : memref<!tpu.dma_semaphore, #tpu.memory_space<semaphore_mem>>) src(%dma_wait3A_257 : memref<100000x128xf32, #tpu.memory_space<hbm>>) dst(%dma_wait3A_251 : memref<100x128xf32, #tpu.memory_space<vmem>>)
    %scan3A_258 = arith.constant 0 : i32
    %scan3A_259 = arith.constant 0 : i32
    %scan3A_260 = arith.constant 100 : i32
    %scan3A_261 = arith.addi %scan3A_259, %scan3A_260 : i32
    %scan3A_262 = arith.constant 1 : i32
    scf.for %scan3A_326 = %scan3A_259 to %scan3A_261 step %scan3A_262  : i32 {
      %add3A_327 = arith.constant 100 : i32
      %add3A_328 = arith.addi %add3A_327, %scan3A_326 : i32
      %get3A = arith.index_cast %add3A_328 : i32 to index
      %get3A_329 = arith.constant 0 : index
      %get3A_330 = tpu.vector_load %arg7[%get3A, %get3A_329] {strides = array<i32>} : memref<200x128xf32, #tpu.memory_space<vmem>>, vector<1x16xf32>,
      %get3A_331 = vector.shape_cast %get3A_330 : vector<1x16xf32> to vector<16xf32>
      %swap3A = arith.index_cast %add3A_328 : i32 to index
      %swap3A_332 = arith.constant 0 : index
      %swap3A_333 = tpu.vector_load %arg8[%swap3A, %swap3A_332] {strides = array<i32>} : memref<200x128xf32, #tpu.memory_space<vmem>>, vector<1x16xf32>,
      %swap3A_334 = vector.shape_cast %swap3A_333 : vector<1x16xf32> to vector<16xf32>
      %swap3A_335 = vector.shape_cast %get3A_331 : vector<16xf32> to vector<1x16xf32>
      tpu.vector_store %arg8[%swap3A, %swap3A_332], %swap3A_335 {add = true, strides = array<i32>} : memref<200x128xf32, #tpu.memory_space<vmem>>, vector<1x16xf32>,
      %get3A_336 = arith.index_cast %add3A_328 : i32 to index
      %get3A_337 = arith.constant 16 : index
      %get3A_338 = tpu.vector_load %arg7[%get3A_336, %get3A_337] {strides = array<i32>} : memref<200x128xf32, #tpu.memory_space<vmem>>, vector<1x16xf32>,
      %get3A_339 = vector.shape_cast %get3A_338 : vector<1x16xf32> to vector<16xf32>
      %swap3A_340 = arith.index_cast %add3A_328 : i32 to index
      %swap3A_341 = arith.constant 16 : index
      %swap3A_342 = tpu.vector_load %arg8[%swap3A_340, %swap3A_341] {strides = array<i32>} : memref<200x128xf32, #tpu.memory_space<vmem>>, vector<1x16xf32>,
      %swap3A_343 = vector.shape_cast %swap3A_342 : vector<1x16xf32> to vector<16xf32>
      %swap3A_344 = vector.shape_cast %get3A_339 : vector<16xf32> to vector<1x16xf32>
      tpu.vector_store %arg8[%swap3A_340, %swap3A_341], %swap3A_344 {add = true, strides = array<i32>} : memref<200x128xf32, #tpu.memory_space<vmem>>, vector<1x16xf32>,
      %get3A_345 = arith.index_cast %add3A_328 : i32 to index
      %get3A_346 = arith.constant 32 : index
      %get3A_347 = tpu.vector_load %arg7[%get3A_345, %get3A_346] {strides = array<i32>} : memref<200x128xf32, #tpu.memory_space<vmem>>, vector<1x16xf32>,
      %get3A_348 = vector.shape_cast %get3A_347 : vector<1x16xf32> to vector<16xf32>
      %swap3A_349 = arith.index_cast %add3A_328 : i32 to index
      %swap3A_350 = arith.constant 32 : index
      %swap3A_351 = tpu.vector_load %arg8[%swap3A_349, %swap3A_350] {strides = array<i32>} : memref<200x128xf32, #tpu.memory_space<vmem>>, vector<1x16xf32>,
      %swap3A_352 = vector.shape_cast %swap3A_351 : vector<1x16xf32> to vector<16xf32>
      %swap3A_353 = vector.shape_cast %get3A_348 : vector<16xf32> to vector<1x16xf32>
      tpu.vector_store %arg8[%swap3A_349, %swap3A_350], %swap3A_353 {add = true, strides = array<i32>} : memref<200x128xf32, #tpu.memory_space<vmem>>, vector<1x16xf32>,
      %get3A_354 = arith.index_cast %add3A_328 : i32 to index
      %get3A_355 = arith.constant 48 : index
      %get3A_356 = tpu.vector_load %arg7[%get3A_354, %get3A_355] {strides = array<i32>} : memref<200x128xf32, #tpu.memory_space<vmem>>, vector<1x16xf32>,
      %get3A_357 = vector.shape_cast %get3A_356 : vector<1x16xf32> to vector<16xf32>
      %swap3A_358 = arith.index_cast %add3A_328 : i32 to index
      %swap3A_359 = arith.constant 48 : index
      %swap3A_360 = tpu.vector_load %arg8[%swap3A_358, %swap3A_359] {strides = array<i32>} : memref<200x128xf32, #tpu.memory_space<vmem>>, vector<1x16xf32>,
      %swap3A_361 = vector.shape_cast %swap3A_360 : vector<1x16xf32> to vector<16xf32>
      %swap3A_362 = vector.shape_cast %get3A_357 : vector<16xf32> to vector<1x16xf32>
      tpu.vector_store %arg8[%swap3A_358, %swap3A_359], %swap3A_362 {add = true, strides = array<i32>} : memref<200x128xf32, #tpu.memory_space<vmem>>, vector<1x16xf32>,
      %get3A_363 = arith.index_cast %add3A_328 : i32 to index
      %get3A_364 = arith.constant 64 : index
      %get3A_365 = tpu.vector_load %arg7[%get3A_363, %get3A_364] {strides = array<i32>} : memref<200x128xf32, #tpu.memory_space<vmem>>, vector<1x16xf32>,
      %get3A_366 = vector.shape_cast %get3A_365 : vector<1x16xf32> to vector<16xf32>
      %swap3A_367 = arith.index_cast %add3A_328 : i32 to index
      %swap3A_368 = arith.constant 64 : index
      %swap3A_369 = tpu.vector_load %arg8[%swap3A_367, %swap3A_368] {strides = array<i32>} : memref<200x128xf32, #tpu.memory_space<vmem>>, vector<1x16xf32>,
      %swap3A_370 = vector.shape_cast %swap3A_369 : vector<1x16xf32> to vector<16xf32>
      %swap3A_371 = vector.shape_cast %get3A_366 : vector<16xf32> to vector<1x16xf32>
      tpu.vector_store %arg8[%swap3A_367, %swap3A_368], %swap3A_371 {add = true, strides = array<i32>} : memref<200x128xf32, #tpu.memory_space<vmem>>, vector<1x16xf32>,
      %get3A_372 = arith.index_cast %add3A_328 : i32 to index
      %get3A_373 = arith.constant 80 : index
      %get3A_374 = tpu.vector_load %arg7[%get3A_372, %get3A_373] {strides = array<i32>} : memref<200x128xf32, #tpu.memory_space<vmem>>, vector<1x16xf32>,
      %get3A_375 = vector.shape_cast %get3A_374 : vector<1x16xf32> to vector<16xf32>
      %swap3A_376 = arith.index_cast %add3A_328 : i32 to index
      %swap3A_377 = arith.constant 80 : index
      %swap3A_378 = tpu.vector_load %arg8[%swap3A_376, %swap3A_377] {strides = array<i32>} : memref<200x128xf32, #tpu.memory_space<vmem>>, vector<1x16xf32>,
      %swap3A_379 = vector.shape_cast %swap3A_378 : vector<1x16xf32> to vector<16xf32>
      %swap3A_380 = vector.shape_cast %get3A_375 : vector<16xf32> to vector<1x16xf32>
      tpu.vector_store %arg8[%swap3A_376, %swap3A_377], %swap3A_380 {add = true, strides = array<i32>} : memref<200x128xf32, #tpu.memory_space<vmem>>, vector<1x16xf32>,
      %get3A_381 = arith.index_cast %add3A_328 : i32 to index
      %get3A_382 = arith.constant 96 : index
      %get3A_383 = tpu.vector_load %arg7[%get3A_381, %get3A_382] {strides = array<i32>} : memref<200x128xf32, #tpu.memory_space<vmem>>, vector<1x16xf32>,
      %get3A_384 = vector.shape_cast %get3A_383 : vector<1x16xf32> to vector<16xf32>
      %swap3A_385 = arith.index_cast %add3A_328 : i32 to index
      %swap3A_386 = arith.constant 96 : index
      %swap3A_387 = tpu.vector_load %arg8[%swap3A_385, %swap3A_386] {strides = array<i32>} : memref<200x128xf32, #tpu.memory_space<vmem>>, vector<1x16xf32>,
      %swap3A_388 = vector.shape_cast %swap3A_387 : vector<1x16xf32> to vector<16xf32>
      %swap3A_389 = vector.shape_cast %get3A_384 : vector<16xf32> to vector<1x16xf32>
      tpu.vector_store %arg8[%swap3A_385, %swap3A_386], %swap3A_389 {add = true, strides = array<i32>} : memref<200x128xf32, #tpu.memory_space<vmem>>, vector<1x16xf32>,
      %get3A_390 = arith.index_cast %add3A_328 : i32 to index
      %get3A_391 = arith.constant 112 : index
      %get3A_392 = tpu.vector_load %arg7[%get3A_390, %get3A_391] {strides = array<i32>} : memref<200x128xf32, #tpu.memory_space<vmem>>, vector<1x16xf32>,
      %get3A_393 = vector.shape_cast %get3A_392 : vector<1x16xf32> to vector<16xf32>
      %swap3A_394 = arith.index_cast %add3A_328 : i32 to index
      %swap3A_395 = arith.constant 112 : index
      %swap3A_396 = tpu.vector_load %arg8[%swap3A_394, %swap3A_395] {strides = array<i32>} : memref<200x128xf32, #tpu.memory_space<vmem>>, vector<1x16xf32>,
      %swap3A_397 = vector.shape_cast %swap3A_396 : vector<1x16xf32> to vector<16xf32>
      %swap3A_398 = vector.shape_cast %get3A_393 : vector<16xf32> to vector<1x16xf32>
      tpu.vector_store %arg8[%swap3A_394, %swap3A_395], %swap3A_398 {add = true, strides = array<i32>} : memref<200x128xf32, #tpu.memory_space<vmem>>, vector<1x16xf32>,
    }
    %scan3A_263 = arith.constant 100 : i32
    %add3A_264 = arith.constant 6000 : i32
    %add3A_265 = arith.addi %mul3A_2, %add3A_264 : i32
    %dma_start3A_266 = arith.constant 0 : i32
    %dma_start3A_267 = tpu.memref_slice %arg5[%add3A_265, %dma_start3A_266] : memref<204800x128xf32, #tpu.memory_space<hbm>> -> memref<200x128xf32, #tpu.memory_space<hbm>>
    %dma_start3A_268 = arith.constant 0 : i32
    %dma_start3A_269 = tpu.memref_slice %arg5[%add3A_265, %dma_start3A_268] : memref<204800x128xf32, #tpu.memory_space<hbm>> -> memref<200x128xf32, #tpu.memory_space<hbm>>
    tpu.enqueue_dma source(%arg8 : memref<200x128xf32, #tpu.memory_space<vmem>>) target(%dma_start3A_269 : memref<200x128xf32, #tpu.memory_space<hbm>>) target_semaphore(%arg17 : memref<!tpu.dma_semaphore, #tpu.memory_space<semaphore_mem>>)
    %add3A_270 = arith.constant 5800 : i32
    %add3A_271 = arith.addi %mul3A_2, %add3A_270 : i32
    %dma_wait3A_272 = arith.constant 0 : i32
    %dma_wait3A_273 = tpu.memref_slice %arg5[%add3A_271, %dma_wait3A_272] : memref<204800x128xf32, #tpu.memory_space<hbm>> -> memref<200x128xf32, #tpu.memory_space<hbm>>
    %dma_wait3A_274 = arith.constant 0 : i32
    %dma_wait3A_275 = tpu.memref_slice %arg5[%add3A_271, %dma_wait3A_274] : memref<204800x128xf32, #tpu.memory_space<hbm>> -> memref<200x128xf32, #tpu.memory_space<hbm>>
    tpu.wait_dma2 semaphore(%arg19 : memref<!tpu.dma_semaphore, #tpu.memory_space<semaphore_mem>>) src(%arg10 : memref<200x128xf32, #tpu.memory_space<vmem>>) dst(%dma_wait3A_275 : memref<200x128xf32, #tpu.memory_space<hbm>>)
    %dma_wait3A_276 = arith.constant 62 : i32
    %dma_wait3A_277 = arith.constant 0 : i32
    %dma_wait3A_278 = arith.constant 0 : i32
    %dma_wait3A_279 = tpu.memref_slice %arg9[%dma_wait3A_277, %dma_wait3A_278] : memref<200x128xf32, #tpu.memory_space<vmem>> -> memref<100x128xf32, #tpu.memory_space<vmem>>
    %dma_wait3A_280 = arith.constant 0 : i32
    %dma_wait3A_281 = tpu.memref_slice %arg6[%dma_wait3A_276, %dma_wait3A_280] : memref<64x100xi32, #tpu.memory_space<vmem>> -> memref<1x100xi32, #tpu.memory_space<vmem>>
    %dma_wait3A_282 = tpu.memref_squeeze %dma_wait3A_281 : memref<1x100xi32, #tpu.memory_space<vmem>> -> memref<100xi32, #tpu.memory_space<vmem>>
    %dma_wait3A_283 = arith.constant 0 : i32
    %dma_wait3A_284 = arith.constant 0 : i32
    %dma_wait3A_285 = tpu.memref_slice %arg3[%dma_wait3A_283, %dma_wait3A_284] : memref<100000x128xf32, #tpu.memory_space<hbm>> -> memref<100000x128xf32, #tpu.memory_space<hbm>>
    tpu.wait_indirect_dma semaphore(%arg13 : memref<!tpu.dma_semaphore, #tpu.memory_space<semaphore_mem>>) src(%dma_wait3A_285 : memref<100000x128xf32, #tpu.memory_space<hbm>>) dst(%dma_wait3A_279 : memref<100x128xf32, #tpu.memory_space<vmem>>)
    %scan3A_286 = arith.constant 0 : i32
    %scan3A_287 = arith.constant 0 : i32
    %scan3A_288 = arith.constant 100 : i32
    %scan3A_289 = arith.addi %scan3A_287, %scan3A_288 : i32
    %scan3A_290 = arith.constant 1 : i32
    scf.for %scan3A_326 = %scan3A_287 to %scan3A_289 step %scan3A_290  : i32 {
      %add3A_327 = arith.constant 0 : i32
      %add3A_328 = arith.addi %add3A_327, %scan3A_326 : i32
      %get3A = arith.index_cast %add3A_328 : i32 to index
      %get3A_329 = arith.constant 0 : index
      %get3A_330 = tpu.vector_load %arg7[%get3A, %get3A_329] {strides = array<i32>} : memref<200x128xf32, #tpu.memory_space<vmem>>, vector<1x16xf32>,
      %get3A_331 = vector.shape_cast %get3A_330 : vector<1x16xf32> to vector<16xf32>
      %swap3A = arith.index_cast %add3A_328 : i32 to index
      %swap3A_332 = arith.constant 0 : index
      %swap3A_333 = tpu.vector_load %arg9[%swap3A, %swap3A_332] {strides = array<i32>} : memref<200x128xf32, #tpu.memory_space<vmem>>, vector<1x16xf32>,
      %swap3A_334 = vector.shape_cast %swap3A_333 : vector<1x16xf32> to vector<16xf32>
      %swap3A_335 = vector.shape_cast %get3A_331 : vector<16xf32> to vector<1x16xf32>
      tpu.vector_store %arg9[%swap3A, %swap3A_332], %swap3A_335 {add = true, strides = array<i32>} : memref<200x128xf32, #tpu.memory_space<vmem>>, vector<1x16xf32>,
      %get3A_336 = arith.index_cast %add3A_328 : i32 to index
      %get3A_337 = arith.constant 16 : index
      %get3A_338 = tpu.vector_load %arg7[%get3A_336, %get3A_337] {strides = array<i32>} : memref<200x128xf32, #tpu.memory_space<vmem>>, vector<1x16xf32>,
      %get3A_339 = vector.shape_cast %get3A_338 : vector<1x16xf32> to vector<16xf32>
      %swap3A_340 = arith.index_cast %add3A_328 : i32 to index
      %swap3A_341 = arith.constant 16 : index
      %swap3A_342 = tpu.vector_load %arg9[%swap3A_340, %swap3A_341] {strides = array<i32>} : memref<200x128xf32, #tpu.memory_space<vmem>>, vector<1x16xf32>,
      %swap3A_343 = vector.shape_cast %swap3A_342 : vector<1x16xf32> to vector<16xf32>
      %swap3A_344 = vector.shape_cast %get3A_339 : vector<16xf32> to vector<1x16xf32>
      tpu.vector_store %arg9[%swap3A_340, %swap3A_341], %swap3A_344 {add = true, strides = array<i32>} : memref<200x128xf32, #tpu.memory_space<vmem>>, vector<1x16xf32>,
      %get3A_345 = arith.index_cast %add3A_328 : i32 to index
      %get3A_346 = arith.constant 32 : index
      %get3A_347 = tpu.vector_load %arg7[%get3A_345, %get3A_346] {strides = array<i32>} : memref<200x128xf32, #tpu.memory_space<vmem>>, vector<1x16xf32>,
      %get3A_348 = vector.shape_cast %get3A_347 : vector<1x16xf32> to vector<16xf32>
      %swap3A_349 = arith.index_cast %add3A_328 : i32 to index
      %swap3A_350 = arith.constant 32 : index
      %swap3A_351 = tpu.vector_load %arg9[%swap3A_349, %swap3A_350] {strides = array<i32>} : memref<200x128xf32, #tpu.memory_space<vmem>>, vector<1x16xf32>,
      %swap3A_352 = vector.shape_cast %swap3A_351 : vector<1x16xf32> to vector<16xf32>
      %swap3A_353 = vector.shape_cast %get3A_348 : vector<16xf32> to vector<1x16xf32>
      tpu.vector_store %arg9[%swap3A_349, %swap3A_350], %swap3A_353 {add = true, strides = array<i32>} : memref<200x128xf32, #tpu.memory_space<vmem>>, vector<1x16xf32>,
      %get3A_354 = arith.index_cast %add3A_328 : i32 to index
      %get3A_355 = arith.constant 48 : index
      %get3A_356 = tpu.vector_load %arg7[%get3A_354, %get3A_355] {strides = array<i32>} : memref<200x128xf32, #tpu.memory_space<vmem>>, vector<1x16xf32>,
      %get3A_357 = vector.shape_cast %get3A_356 : vector<1x16xf32> to vector<16xf32>
      %swap3A_358 = arith.index_cast %add3A_328 : i32 to index
      %swap3A_359 = arith.constant 48 : index
      %swap3A_360 = tpu.vector_load %arg9[%swap3A_358, %swap3A_359] {strides = array<i32>} : memref<200x128xf32, #tpu.memory_space<vmem>>, vector<1x16xf32>,
      %swap3A_361 = vector.shape_cast %swap3A_360 : vector<1x16xf32> to vector<16xf32>
      %swap3A_362 = vector.shape_cast %get3A_357 : vector<16xf32> to vector<1x16xf32>
      tpu.vector_store %arg9[%swap3A_358, %swap3A_359], %swap3A_362 {add = true, strides = array<i32>} : memref<200x128xf32, #tpu.memory_space<vmem>>, vector<1x16xf32>,
      %get3A_363 = arith.index_cast %add3A_328 : i32 to index
      %get3A_364 = arith.constant 64 : index
      %get3A_365 = tpu.vector_load %arg7[%get3A_363, %get3A_364] {strides = array<i32>} : memref<200x128xf32, #tpu.memory_space<vmem>>, vector<1x16xf32>,
      %get3A_366 = vector.shape_cast %get3A_365 : vector<1x16xf32> to vector<16xf32>
      %swap3A_367 = arith.index_cast %add3A_328 : i32 to index
      %swap3A_368 = arith.constant 64 : index
      %swap3A_369 = tpu.vector_load %arg9[%swap3A_367, %swap3A_368] {strides = array<i32>} : memref<200x128xf32, #tpu.memory_space<vmem>>, vector<1x16xf32>,
      %swap3A_370 = vector.shape_cast %swap3A_369 : vector<1x16xf32> to vector<16xf32>
      %swap3A_371 = vector.shape_cast %get3A_366 : vector<16xf32> to vector<1x16xf32>
      tpu.vector_store %arg9[%swap3A_367, %swap3A_368], %swap3A_371 {add = true, strides = array<i32>} : memref<200x128xf32, #tpu.memory_space<vmem>>, vector<1x16xf32>,
      %get3A_372 = arith.index_cast %add3A_328 : i32 to index
      %get3A_373 = arith.constant 80 : index
      %get3A_374 = tpu.vector_load %arg7[%get3A_372, %get3A_373] {strides = array<i32>} : memref<200x128xf32, #tpu.memory_space<vmem>>, vector<1x16xf32>,
      %get3A_375 = vector.shape_cast %get3A_374 : vector<1x16xf32> to vector<16xf32>
      %swap3A_376 = arith.index_cast %add3A_328 : i32 to index
      %swap3A_377 = arith.constant 80 : index
      %swap3A_378 = tpu.vector_load %arg9[%swap3A_376, %swap3A_377] {strides = array<i32>} : memref<200x128xf32, #tpu.memory_space<vmem>>, vector<1x16xf32>,
      %swap3A_379 = vector.shape_cast %swap3A_378 : vector<1x16xf32> to vector<16xf32>
      %swap3A_380 = vector.shape_cast %get3A_375 : vector<16xf32> to vector<1x16xf32>
      tpu.vector_store %arg9[%swap3A_376, %swap3A_377], %swap3A_380 {add = true, strides = array<i32>} : memref<200x128xf32, #tpu.memory_space<vmem>>, vector<1x16xf32>,
      %get3A_381 = arith.index_cast %add3A_328 : i32 to index
      %get3A_382 = arith.constant 96 : index
      %get3A_383 = tpu.vector_load %arg7[%get3A_381, %get3A_382] {strides = array<i32>} : memref<200x128xf32, #tpu.memory_space<vmem>>, vector<1x16xf32>,
      %get3A_384 = vector.shape_cast %get3A_383 : vector<1x16xf32> to vector<16xf32>
      %swap3A_385 = arith.index_cast %add3A_328 : i32 to index
      %swap3A_386 = arith.constant 96 : index
      %swap3A_387 = tpu.vector_load %arg9[%swap3A_385, %swap3A_386] {strides = array<i32>} : memref<200x128xf32, #tpu.memory_space<vmem>>, vector<1x16xf32>,
      %swap3A_388 = vector.shape_cast %swap3A_387 : vector<1x16xf32> to vector<16xf32>
      %swap3A_389 = vector.shape_cast %get3A_384 : vector<16xf32> to vector<1x16xf32>
      tpu.vector_store %arg9[%swap3A_385, %swap3A_386], %swap3A_389 {add = true, strides = array<i32>} : memref<200x128xf32, #tpu.memory_space<vmem>>, vector<1x16xf32>,
      %get3A_390 = arith.index_cast %add3A_328 : i32 to index
      %get3A_391 = arith.constant 112 : index
      %get3A_392 = tpu.vector_load %arg7[%get3A_390, %get3A_391] {strides = array<i32>} : memref<200x128xf32, #tpu.memory_space<vmem>>, vector<1x16xf32>,
      %get3A_393 = vector.shape_cast %get3A_392 : vector<1x16xf32> to vector<16xf32>
      %swap3A_394 = arith.index_cast %add3A_328 : i32 to index
      %swap3A_395 = arith.constant 112 : index
      %swap3A_396 = tpu.vector_load %arg9[%swap3A_394, %swap3A_395] {strides = array<i32>} : memref<200x128xf32, #tpu.memory_space<vmem>>, vector<1x16xf32>,
      %swap3A_397 = vector.shape_cast %swap3A_396 : vector<1x16xf32> to vector<16xf32>
      %swap3A_398 = vector.shape_cast %get3A_393 : vector<16xf32> to vector<1x16xf32>
      tpu.vector_store %arg9[%swap3A_394, %swap3A_395], %swap3A_398 {add = true, strides = array<i32>} : memref<200x128xf32, #tpu.memory_space<vmem>>, vector<1x16xf32>,
    }
    %scan3A_291 = arith.constant 100 : i32
    %dma_wait3A_292 = arith.constant 63 : i32
    %dma_wait3A_293 = arith.constant 100 : i32
    %dma_wait3A_294 = arith.constant 0 : i32
    %dma_wait3A_295 = tpu.memref_slice %arg9[%dma_wait3A_293, %dma_wait3A_294] : memref<200x128xf32, #tpu.memory_space<vmem>> -> memref<100x128xf32, #tpu.memory_space<vmem>>
    %dma_wait3A_296 = arith.constant 0 : i32
    %dma_wait3A_297 = tpu.memref_slice %arg6[%dma_wait3A_292, %dma_wait3A_296] : memref<64x100xi32, #tpu.memory_space<vmem>> -> memref<1x100xi32, #tpu.memory_space<vmem>>
    %dma_wait3A_298 = tpu.memref_squeeze %dma_wait3A_297 : memref<1x100xi32, #tpu.memory_space<vmem>> -> memref<100xi32, #tpu.memory_space<vmem>>
    %dma_wait3A_299 = arith.constant 0 : i32
    %dma_wait3A_300 = arith.constant 0 : i32
    %dma_wait3A_301 = tpu.memref_slice %arg3[%dma_wait3A_299, %dma_wait3A_300] : memref<100000x128xf32, #tpu.memory_space<hbm>> -> memref<100000x128xf32, #tpu.memory_space<hbm>>
    tpu.wait_indirect_dma semaphore(%arg14 : memref<!tpu.dma_semaphore, #tpu.memory_space<semaphore_mem>>) src(%dma_wait3A_301 : memref<100000x128xf32, #tpu.memory_space<hbm>>) dst(%dma_wait3A_295 : memref<100x128xf32, #tpu.memory_space<vmem>>)
    %scan3A_302 = arith.constant 0 : i32
    %scan3A_303 = arith.constant 0 : i32
    %scan3A_304 = arith.constant 100 : i32
    %scan3A_305 = arith.addi %scan3A_303, %scan3A_304 : i32
    %scan3A_306 = arith.constant 1 : i32
    scf.for %scan3A_326 = %scan3A_303 to %scan3A_305 step %scan3A_306  : i32 {
      %add3A_327 = arith.constant 100 : i32
      %add3A_328 = arith.addi %add3A_327, %scan3A_326 : i32
      %get3A = arith.index_cast %add3A_328 : i32 to index
      %get3A_329 = arith.constant 0 : index
      %get3A_330 = tpu.vector_load %arg7[%get3A, %get3A_329] {strides = array<i32>} : memref<200x128xf32, #tpu.memory_space<vmem>>, vector<1x16xf32>,
      %get3A_331 = vector.shape_cast %get3A_330 : vector<1x16xf32> to vector<16xf32>
      %swap3A = arith.index_cast %add3A_328 : i32 to index
      %swap3A_332 = arith.constant 0 : index
      %swap3A_333 = tpu.vector_load %arg9[%swap3A, %swap3A_332] {strides = array<i32>} : memref<200x128xf32, #tpu.memory_space<vmem>>, vector<1x16xf32>,
      %swap3A_334 = vector.shape_cast %swap3A_333 : vector<1x16xf32> to vector<16xf32>
      %swap3A_335 = vector.shape_cast %get3A_331 : vector<16xf32> to vector<1x16xf32>
      tpu.vector_store %arg9[%swap3A, %swap3A_332], %swap3A_335 {add = true, strides = array<i32>} : memref<200x128xf32, #tpu.memory_space<vmem>>, vector<1x16xf32>,
      %get3A_336 = arith.index_cast %add3A_328 : i32 to index
      %get3A_337 = arith.constant 16 : index
      %get3A_338 = tpu.vector_load %arg7[%get3A_336, %get3A_337] {strides = array<i32>} : memref<200x128xf32, #tpu.memory_space<vmem>>, vector<1x16xf32>,
      %get3A_339 = vector.shape_cast %get3A_338 : vector<1x16xf32> to vector<16xf32>
      %swap3A_340 = arith.index_cast %add3A_328 : i32 to index
      %swap3A_341 = arith.constant 16 : index
      %swap3A_342 = tpu.vector_load %arg9[%swap3A_340, %swap3A_341] {strides = array<i32>} : memref<200x128xf32, #tpu.memory_space<vmem>>, vector<1x16xf32>,
      %swap3A_343 = vector.shape_cast %swap3A_342 : vector<1x16xf32> to vector<16xf32>
      %swap3A_344 = vector.shape_cast %get3A_339 : vector<16xf32> to vector<1x16xf32>
      tpu.vector_store %arg9[%swap3A_340, %swap3A_341], %swap3A_344 {add = true, strides = array<i32>} : memref<200x128xf32, #tpu.memory_space<vmem>>, vector<1x16xf32>,
      %get3A_345 = arith.index_cast %add3A_328 : i32 to index
      %get3A_346 = arith.constant 32 : index
      %get3A_347 = tpu.vector_load %arg7[%get3A_345, %get3A_346] {strides = array<i32>} : memref<200x128xf32, #tpu.memory_space<vmem>>, vector<1x16xf32>,
      %get3A_348 = vector.shape_cast %get3A_347 : vector<1x16xf32> to vector<16xf32>
      %swap3A_349 = arith.index_cast %add3A_328 : i32 to index
      %swap3A_350 = arith.constant 32 : index
      %swap3A_351 = tpu.vector_load %arg9[%swap3A_349, %swap3A_350] {strides = array<i32>} : memref<200x128xf32, #tpu.memory_space<vmem>>, vector<1x16xf32>,
      %swap3A_352 = vector.shape_cast %swap3A_351 : vector<1x16xf32> to vector<16xf32>
      %swap3A_353 = vector.shape_cast %get3A_348 : vector<16xf32> to vector<1x16xf32>
      tpu.vector_store %arg9[%swap3A_349, %swap3A_350], %swap3A_353 {add = true, strides = array<i32>} : memref<200x128xf32, #tpu.memory_space<vmem>>, vector<1x16xf32>,
      %get3A_354 = arith.index_cast %add3A_328 : i32 to index
      %get3A_355 = arith.constant 48 : index
      %get3A_356 = tpu.vector_load %arg7[%get3A_354, %get3A_355] {strides = array<i32>} : memref<200x128xf32, #tpu.memory_space<vmem>>, vector<1x16xf32>,
      %get3A_357 = vector.shape_cast %get3A_356 : vector<1x16xf32> to vector<16xf32>
      %swap3A_358 = arith.index_cast %add3A_328 : i32 to index
      %swap3A_359 = arith.constant 48 : index
      %swap3A_360 = tpu.vector_load %arg9[%swap3A_358, %swap3A_359] {strides = array<i32>} : memref<200x128xf32, #tpu.memory_space<vmem>>, vector<1x16xf32>,
      %swap3A_361 = vector.shape_cast %swap3A_360 : vector<1x16xf32> to vector<16xf32>
      %swap3A_362 = vector.shape_cast %get3A_357 : vector<16xf32> to vector<1x16xf32>
      tpu.vector_store %arg9[%swap3A_358, %swap3A_359], %swap3A_362 {add = true, strides = array<i32>} : memref<200x128xf32, #tpu.memory_space<vmem>>, vector<1x16xf32>,
      %get3A_363 = arith.index_cast %add3A_328 : i32 to index
      %get3A_364 = arith.constant 64 : index
      %get3A_365 = tpu.vector_load %arg7[%get3A_363, %get3A_364] {strides = array<i32>} : memref<200x128xf32, #tpu.memory_space<vmem>>, vector<1x16xf32>,
      %get3A_366 = vector.shape_cast %get3A_365 : vector<1x16xf32> to vector<16xf32>
      %swap3A_367 = arith.index_cast %add3A_328 : i32 to index
      %swap3A_368 = arith.constant 64 : index
      %swap3A_369 = tpu.vector_load %arg9[%swap3A_367, %swap3A_368] {strides = array<i32>} : memref<200x128xf32, #tpu.memory_space<vmem>>, vector<1x16xf32>,
      %swap3A_370 = vector.shape_cast %swap3A_369 : vector<1x16xf32> to vector<16xf32>
      %swap3A_371 = vector.shape_cast %get3A_366 : vector<16xf32> to vector<1x16xf32>
      tpu.vector_store %arg9[%swap3A_367, %swap3A_368], %swap3A_371 {add = true, strides = array<i32>} : memref<200x128xf32, #tpu.memory_space<vmem>>, vector<1x16xf32>,
      %get3A_372 = arith.index_cast %add3A_328 : i32 to index
      %get3A_373 = arith.constant 80 : index
      %get3A_374 = tpu.vector_load %arg7[%get3A_372, %get3A_373] {strides = array<i32>} : memref<200x128xf32, #tpu.memory_space<vmem>>, vector<1x16xf32>,
      %get3A_375 = vector.shape_cast %get3A_374 : vector<1x16xf32> to vector<16xf32>
      %swap3A_376 = arith.index_cast %add3A_328 : i32 to index
      %swap3A_377 = arith.constant 80 : index
      %swap3A_378 = tpu.vector_load %arg9[%swap3A_376, %swap3A_377] {strides = array<i32>} : memref<200x128xf32, #tpu.memory_space<vmem>>, vector<1x16xf32>,
      %swap3A_379 = vector.shape_cast %swap3A_378 : vector<1x16xf32> to vector<16xf32>
      %swap3A_380 = vector.shape_cast %get3A_375 : vector<16xf32> to vector<1x16xf32>
      tpu.vector_store %arg9[%swap3A_376, %swap3A_377], %swap3A_380 {add = true, strides = array<i32>} : memref<200x128xf32, #tpu.memory_space<vmem>>, vector<1x16xf32>,
      %get3A_381 = arith.index_cast %add3A_328 : i32 to index
      %get3A_382 = arith.constant 96 : index
      %get3A_383 = tpu.vector_load %arg7[%get3A_381, %get3A_382] {strides = array<i32>} : memref<200x128xf32, #tpu.memory_space<vmem>>, vector<1x16xf32>,
      %get3A_384 = vector.shape_cast %get3A_383 : vector<1x16xf32> to vector<16xf32>
      %swap3A_385 = arith.index_cast %add3A_328 : i32 to index
      %swap3A_386 = arith.constant 96 : index
      %swap3A_387 = tpu.vector_load %arg9[%swap3A_385, %swap3A_386] {strides = array<i32>} : memref<200x128xf32, #tpu.memory_space<vmem>>, vector<1x16xf32>,
      %swap3A_388 = vector.shape_cast %swap3A_387 : vector<1x16xf32> to vector<16xf32>
      %swap3A_389 = vector.shape_cast %get3A_384 : vector<16xf32> to vector<1x16xf32>
      tpu.vector_store %arg9[%swap3A_385, %swap3A_386], %swap3A_389 {add = true, strides = array<i32>} : memref<200x128xf32, #tpu.memory_space<vmem>>, vector<1x16xf32>,
      %get3A_390 = arith.index_cast %add3A_328 : i32 to index
      %get3A_391 = arith.constant 112 : index
      %get3A_392 = tpu.vector_load %arg7[%get3A_390, %get3A_391] {strides = array<i32>} : memref<200x128xf32, #tpu.memory_space<vmem>>, vector<1x16xf32>,
      %get3A_393 = vector.shape_cast %get3A_392 : vector<1x16xf32> to vector<16xf32>
      %swap3A_394 = arith.index_cast %add3A_328 : i32 to index
      %swap3A_395 = arith.constant 112 : index
      %swap3A_396 = tpu.vector_load %arg9[%swap3A_394, %swap3A_395] {strides = array<i32>} : memref<200x128xf32, #tpu.memory_space<vmem>>, vector<1x16xf32>,
      %swap3A_397 = vector.shape_cast %swap3A_396 : vector<1x16xf32> to vector<16xf32>
      %swap3A_398 = vector.shape_cast %get3A_393 : vector<16xf32> to vector<1x16xf32>
      tpu.vector_store %arg9[%swap3A_394, %swap3A_395], %swap3A_398 {add = true, strides = array<i32>} : memref<200x128xf32, #tpu.memory_space<vmem>>, vector<1x16xf32>,
    }
    %scan3A_307 = arith.constant 100 : i32
    %add3A_308 = arith.constant 6200 : i32
    %add3A_309 = arith.addi %mul3A_2, %add3A_308 : i32
    %dma_start3A_310 = arith.constant 0 : i32
    %dma_start3A_311 = tpu.memref_slice %arg5[%add3A_309, %dma_start3A_310] : memref<204800x128xf32, #tpu.memory_space<hbm>> -> memref<200x128xf32, #tpu.memory_space<hbm>>
    %dma_start3A_312 = arith.constant 0 : i32
    %dma_start3A_313 = tpu.memref_slice %arg5[%add3A_309, %dma_start3A_312] : memref<204800x128xf32, #tpu.memory_space<hbm>> -> memref<200x128xf32, #tpu.memory_space<hbm>>
    tpu.enqueue_dma source(%arg9 : memref<200x128xf32, #tpu.memory_space<vmem>>) target(%dma_start3A_313 : memref<200x128xf32, #tpu.memory_space<hbm>>) target_semaphore(%arg18 : memref<!tpu.dma_semaphore, #tpu.memory_space<semaphore_mem>>)
    %add3A_314 = arith.constant 6000 : i32
    %add3A_315 = arith.addi %mul3A_2, %add3A_314 : i32
    %dma_wait3A_316 = arith.constant 0 : i32
    %dma_wait3A_317 = tpu.memref_slice %arg5[%add3A_315, %dma_wait3A_316] : memref<204800x128xf32, #tpu.memory_space<hbm>> -> memref<200x128xf32, #tpu.memory_space<hbm>>
    %dma_wait3A_318 = arith.constant 0 : i32
    %dma_wait3A_319 = tpu.memref_slice %arg5[%add3A_315, %dma_wait3A_318] : memref<204800x128xf32, #tpu.memory_space<hbm>> -> memref<200x128xf32, #tpu.memory_space<hbm>>
    tpu.wait_dma2 semaphore(%arg17 : memref<!tpu.dma_semaphore, #tpu.memory_space<semaphore_mem>>) src(%arg8 : memref<200x128xf32, #tpu.memory_space<vmem>>) dst(%dma_wait3A_319 : memref<200x128xf32, #tpu.memory_space<hbm>>)
    %add3A_320 = arith.constant 6200 : i32
    %add3A_321 = arith.addi %mul3A_2, %add3A_320 : i32
    %dma_wait3A_322 = arith.constant 0 : i32
    %dma_wait3A_323 = tpu.memref_slice %arg5[%add3A_321, %dma_wait3A_322] : memref<204800x128xf32, #tpu.memory_space<hbm>> -> memref<200x128xf32, #tpu.memory_space<hbm>>
    %dma_wait3A_324 = arith.constant 0 : i32
    %dma_wait3A_325 = tpu.memref_slice %arg5[%add3A_321, %dma_wait3A_324] : memref<204800x128xf32, #tpu.memory_space<hbm>> -> memref<200x128xf32, #tpu.memory_space<hbm>>
    tpu.wait_dma2 semaphore(%arg18 : memref<!tpu.dma_semaphore, #tpu.memory_space<semaphore_mem>>) src(%arg9 : memref<200x128xf32, #tpu.memory_space<vmem>>) dst(%dma_wait3A_325 : memref<200x128xf32, #tpu.memory_space<hbm>>)
    return
  }
}

</mosaic_0001>

<sc_bundles>
// kernel: kernel.3.cloned.1.call-start
scs
__scs_entry_jumppad:
0x0: {  	(pc) =	sbr.rel $0x88, $3  }
0x1: {  	(tag) =	ssettag $0x0;
	lr =	simm.s32 $0x1  }
0x2: {  	[smem:$0x3F9E] =	sst lr;
	_ =	strace $0xD0000000  }
0x3: {  	_ = 	snop  }
0x4: {  	_ = 	snop  }
0x5: {  	_ = 	snop  }
0x6: {  	_ = 	snop  }
0x7: {  	_ = 	snop  }
__scs_overlays_trampoline_lowered:
0x8: {  	[smem:$0x3FAD] =	sst s0  }
0x9: {  	[smem:$0x3FAE] =	sst s1  }
0xa: {  	[smem:$0x3FAF] =	sst s2  }
0xb: {  	[smem:$0x3FB0] =	sst s3  }
0xc: {  	[smem:$0x3FB1] =	sst s4  }
0xd: {  	[smem:$0x3FB2] =	sst s5  }
0xe: {  	[smem:$0x3FB3] =	sst s6  }
0xf: {  	[smem:$0x3FB4] =	sst s7  }
0x10: {  	[smem:$0x3FB5] =	sst s8  }
0x11: {  	[smem:$0x3FB6] =	sst s9;
	s0 =	simm.s32 @!p0 $0x0  }
0x12: {  	s1 =	sld [smem:$0x3F9C];
	s0 =	simm.s32 @p0 $0x1  }
0x13: {  	[smem:$0x3FB7] =	sst s0;
	s0 =	simm.s32 @!p1 $0x0  }
0x14: {  	s2 =	sld [smem:$0x3F9B];
	s0 =	simm.s32 @p1 $0x1  }
0x15: {  	[smem:$0x3FB8] =	sst s0;
	s0 =	simm.s32 @!p2 $0x0  }
0x16: {  	s3 =	sld [smem:$0x3FDB];
	s0 =	simm.s32 @p2 $0x1  }
0x17: {  	s4 =	simm.s32 $0x1BF5;
	[smem:$0x3FBA] =	sst s0  }
0x18: {  	s0 =	sld [smem:$0x3F9D];
	_ =	swait.ge [sflag:s4], $0x0  }
0x19: {  	s7 =	sld [smem:$0x3F9E]  }
0x1a: {  	s8 =	sadd.s32 $0xFFFFE003, lr  }
0x1b: {  	s9 =	sadd.s32 $0xFFFFFEF7, lr;
	s5 =	simm.s32 $0xFFFFFFFF;
	p2 =	slt.u32 s8, $0xFFFFF086  }
0x1c: {  	p1 =	slt.u32 s9, $0xF7A;
	s5 =	simm.s32 @!p2 $0x0  }
0x1d: {  	s5 =	simm.s32 @p1 $0x1;
	p0 =	seq.s32 s7, s2  }
0x1e: {  	s7 =	smul.u32 @!p0 $0xF7A, s2;
	p2 =	seq.s32 @!p0 s5, $0x0  }
0x1f: {  	s9 =	smul.u32 $0xF7A, s1;
	s8 =	simm.s32 @!p0 $0x1BF5;
	p2 =	por !p2, p0  }
0x20: {  	[sflag:s8] =	ssyncset.s32 @!p0 $0xFFFFF086;
	s6 =	sadd.s32 @!p0 s3, s7;
	s7 =	simm.s32 @!p0 $0x108  }
0x21: {  	s3 =	sadd.s32 s3, s9;
	s6 =	sadd.s32 @!p0 $0x88, s6;
	s7 =	simm.s32 @p2 $0x1082  }
0x22: {  	[simem:s7], [sflag:s8] =	dma.local @!p0 [hbm:s6], $0xF7A  }
0x23: {  	s9 =	sor.u32 $0xD0000000, s2;
	s6 =	simm.s32 $0x108;
	_ =	swait.ge @!p0 [sflag:s8], $0x0  }
0x24: {  	s3 =	sadd.s32 $0x88, s3;
	s6 =	simm.s32 @!p1 $0x1082;
	[sflag:s4] =	ssyncset.s32 $0xFFFFF086  }
0x25: {  	[simem:s6], [sflag:s4] =	dma.local [hbm:s3], $0xF7A  }
0x26: {  	[smem:$0x3F9E] =	sst s1;
	(tag) =	ssettag s2;
	_ =	strace s9  }
0x27: {  	s1 =	sld [smem:$0x3FAE]  }
0x28: {  	s2 =	sld [smem:$0x3FAF]  }
0x29: {  	s4 =	sld [smem:$0x3FB1]  }
0x2a: {  	p0 =	seq.s32 s5, $0x0;
	s5 =	sld [smem:$0x3FB2]  }
0x2b: {  	s6 =	sld [smem:$0x3FB3]  }
0x2c: {  	s7 =	sld [smem:$0x3FB4]  }
0x2d: {  	s3 =	simm.s32 $0x108;
	s8 =	sld [smem:$0x3FB5]  }
0x2e: {  	s3 =	simm.s32 @!p0 $0x1082;
	s9 =	sld [smem:$0x3FB6]  }
0x2f: {  	lr =	sadd.s32 s0, s3;
	s0 =	sld [smem:$0x3FAD]  }
0x30: {  	s3 =	sld [smem:$0x3FB0]  }
0x31: {  	[smem:$0x3FB9] =	sst s10  }
0x32: {  	s10 =	sld [smem:$0x3FB7];
	_ =	sdelay $0x3  }
0x33: {  	p0 =	seq.s32 s10, $0x1;
	s10 =	sld [smem:$0x3FB9];
	_ =	sdelay $0x3  }
0x34: {  	[smem:$0x3FB9] =	sst s10  }
0x35: {  	s10 =	sld [smem:$0x3FB8];
	_ =	sdelay $0x3  }
0x36: {  	p1 =	seq.s32 s10, $0x1;
	s10 =	sld [smem:$0x3FB9];
	_ =	sdelay $0x3  }
0x37: {  	[smem:$0x3FB9] =	sst s10  }
0x38: {  	s10 =	sld [smem:$0x3FBA]  }
0x39: {  	_ = 	snop;
	(pc) =	sbr.ind lr, $3  }
0x3a: {  	_ = 	snop  }
0x3b: {  	_ = 	snop  }
0x3c: {  	p2 =	seq.s32 s10, $0x1;
	s10 =	sld [smem:$0x3FB9]  }
0x3d: {  	_ =	shalt  }
0x3e: {  	_ =	shalt  }
0x3f: {  	_ =	shalt  }
0x40: {  	_ =	shalt  }
0x41: {  	_ =	shalt  }
0x42: {  	_ =	shalt  }
0x43: {  	_ =	shalt  }
0x44: {  	_ =	shalt  }
0x45: {  	_ =	shalt  }
0x46: {  	_ =	shalt  }
0x47: {  	_ =	shalt  }
0x48: {  	_ =	shalt  }
0x49: {  	_ =	shalt  }
0x4a: {  	_ =	shalt  }
0x4b: {  	_ =	shalt  }
0x4c: {  	_ =	shalt  }
0x4d: {  	_ =	shalt  }
0x4e: {  	_ =	shalt  }
0x4f: {  	_ =	shalt  }
0x50: {  	_ =	shalt  }
0x51: {  	_ =	shalt  }
0x52: {  	_ =	shalt  }
0x53: {  	_ =	shalt  }
0x54: {  	_ =	shalt  }
0x55: {  	_ =	shalt  }
0x56: {  	_ =	shalt  }
0x57: {  	_ =	shalt  }
0x58: {  	_ =	shalt  }
0x59: {  	_ =	shalt  }
0x5a: {  	_ =	shalt  }
0x5b: {  	_ =	shalt  }
0x5c: {  	_ =	shalt  }
0x5d: {  	_ =	shalt  }
0x5e: {  	_ =	shalt  }
0x5f: {  	_ =	shalt  }
0x60: {  	_ =	shalt  }
0x61: {  	_ =	shalt  }
0x62: {  	_ =	shalt  }
0x63: {  	_ =	shalt  }
0x64: {  	_ =	shalt  }
0x65: {  	_ =	shalt  }
0x66: {  	_ =	shalt  }
0x67: {  	_ =	shalt  }
0x68: {  	_ =	shalt  }
0x69: {  	_ =	shalt  }
0x6a: {  	_ =	shalt  }
0x6b: {  	_ =	shalt  }
0x6c: {  	_ =	shalt  }
0x6d: {  	_ =	shalt  }
0x6e: {  	_ =	shalt  }
0x6f: {  	_ =	shalt  }
0x70: {  	_ =	shalt  }
0x71: {  	_ =	shalt  }
0x72: {  	_ =	shalt  }
0x73: {  	_ =	shalt  }
0x74: {  	_ =	shalt  }
0x75: {  	_ =	shalt  }
0x76: {  	_ =	shalt  }
0x77: {  	_ =	shalt  }
0x78: {  	_ =	shalt  }
0x79: {  	_ =	shalt  }
0x7a: {  	_ =	shalt  }
0x7b: {  	_ =	shalt  }
0x7c: {  	_ =	shalt  }
0x7d: {  	_ =	shalt  }
0x7e: {  	_ =	shalt  }
0x7f: {  	_ =	shalt  }
0x80: {  	_ =	shalt  }
0x81: {  	_ =	shalt  }
0x82: {  	_ =	shalt  }
0x83: {  	_ =	shalt  }
0x84: {  	_ =	shalt  }
0x85: {  	_ =	shalt  }
0x86: {  	_ =	shalt  }
0x87: {  	_ =	shalt  }
.Lfunc_end0:
.L_simem_size_0:
called_computation_lowered:
.L_overlay_start_0:
0x88: {  	s2 =	sld [smem:$0x3FD9]  }
0x89: {  	s3 =	sld [smem:$0x3FFE];
	_ =	sdelay $0x1  }
0x8a: {  	s1 =	srdreg.scid  }
0x8b: {  	s0 =	sand.u32 $0x1, s1  }
0x8c: {  	s17 =	sshll.u32 s0, $0xA;
	s2 =	sadd.s32 s3, s2  }
0x8d: {  	s2 =	sadd.s32 s2, s17  }
0x8e: {  	[smem:$0x3FC5] =	sst s2  }
0x8f: {  	_ = 	snop  }
0x90: {  	s2 =	sld [smem:$0x3FC8]  }
0x91: {  	s18 =	sld [smem:$0x3FC7]  }
0x92: {  	s4 =	sld [smem:$0x3FD0];
	(tm) =	ssettm $0x1  }
0x93: {  	s5 =	sld [smem:$0x3FFB];
	_ =	sdelay $0x3  }
0x94: {  	_ =	strace s5  }
0x95: {  	s5 =	sld [smem:$0x3FFC];
	_ =	sdelay $0x3  }
0x96: {  	_ =	strace s5  }
0x97: {  	s5 =	sld [smem:$0x3FFD];
	_ =	sdelay $0x3  }
0x98: {  	_ =	strace s5  }
0x99: {  	_ =	strace $0x8FFFFFFF  }
0x9a: {  	s19 =	sld [smem:$0x3FDB];
	_ =	sdelay $0x1  }
0x9b: {  	s6 =	simm.s32 $_scs_section_size  }
0x9c: {  	s7 =	simm.s32 $_size__tile_overlayer_lowered;
	s8 =	simm.s32 $_tile_overlayer_lowered  }
0x9d: {  	s22 =	simm.s32 $0x1BFF;
	s21 =	sshll.u32 s8, $0x1;
	s5 =	sadd.s32 s6, s19  }
0x9e: {  	s9 =	simm.s32 $0x0;
	s20 =	sshll.u32 s7, $0x1;
	s7 =	sadd.s32 s21, s5  }
0x9f: {  	[timem:s9], [sflag:s22] =	dma.local [hbm:s7], s20  }
0xa0: {  	_ =	swait.ge [sflag:s22], s20  }
0xa1: {  	s6 =	ssub.s32 $0x0, s20;
	[sflag:s22] =	ssyncset.done $0x0  }
0xa2: {  	[sflag:s22] =	ssyncadd.s32 s6;
	_ =	sdelay $0x1  }
0xa3: {  	s23 =	simm.s32 $0x1B8B  }
0xa4: {  	_ =	swait.ge [sflag:s23], $0x1  }
0xa5: {  	[sflag:s23] =	ssyncset.done $0x0  }
0xa6: {  	s25 =	simm.s32 $0x1B8E;
	s24 =	sld [smem:$0x3FFE];
	[sflag:s23] =	ssyncadd.s32 $0xFFFFFFFF  }
0xa7: {  	s26 =	simm.s32 $execute0_lowered;
	[smem:$0x3FD2] =	sst s25  }
0xa8: {  	s7 =	sshll.u32 s26, $0x1;
	_ =	strace $0x80000046;
	[dreg:$0x1] =	wrdreg $0xFFFFFFFF  }
0xa9: {  	s28 =	simm.s32 $_size_execute0_lowered;
	s5 =	sadd.s32 s5, s7;
	[dreg:$0x0] =	wrdreg $0x0  }
0xaa: {  	s7 =	sshll.u32 s28, $0x1;
	[dreg:$0x2] =	wrdreg s5  }
0xab: {  	[dreg:$0x3] =	wrdreg s7  }
0xac: {  	[dreg:$0x4] =	wrdreg $0xC0  }
0xad: {  	_ =	task [dreg:s9], $0x5FFFF  }
0xae: {  	[dreg:$0x1] =	wrdreg $0xFFFFFFFF  }
0xaf: {  	[dreg:$0x0] =	wrdreg $0x60  }
0xb0: {  	[dreg:$0x2] =	wrdreg s24  }
0xb1: {  	[dreg:$0x3] =	wrdreg s2  }
0xb2: {  	[dreg:$0x4] =	wrdreg s18  }
0xb3: {  	[dreg:$0x5] =	wrdreg s4  }
0xb4: {  	[dreg:$0x6] =	wrdreg $0x9  }
0xb5: {  	_ =	task.clear_ibuf [dreg:s9], $0x7FFFF;
	_ =	strace $0x90000046  }
0xb6: {  	s29 =	simm.s32 $0x9;
	_ =	strace $0x80000048  }
0xb7: {  	_ =	swait.ge [sflag:s29], $0x1  }
0xb8: {  	[sflag:s29] =	ssyncadd.s32 $0xFFFFFFFF  }
0xb9: {  	_ =	strace $0x90000048  }
0xba: {  	_ =	sfence  }
0xbb: {  	s30 =	sld [smem:$0x0];
	_ =	sdelay $0x2  }
0xbc: {  	s31 =	sshll.u32 s1, $0xD;
	s1 =	sshrl.u32 s1, $0x2  }
0xbd: {  	s3 =	sand.u32 $0x4000, s31;
	s1 =	sadd.s32 s1, s30  }
0xbe: {  	s0 =	sor.u32 s3, s0;
	s1 =	sshll.u32 s1, $0x11  }
0xbf: {  	s0 =	sor.u32 s1, s0  }
0xc0: {  	s0 =	sadd.s32 $0x8F2B, s0  }
0xc1: {  	[sflag:s0] =	ssyncadd.remote.s32 $0x1  }
0xc2: {  	_ =	sfence.sel $0xFFFF  }
0xc3: {  	[dreg:$0x0] =	wrdreg $0xFFFFFFFF;
	(pc) =	sbr.abs _section_cstart, $3  }
0xc4: {  	[dreg:$0x1] =	wrdreg $0xFFFFFFFF  }
0xc5: {  	_ =	task.clear_ibuf [dreg:s9], $0x2FFFF;
	_ =	strace $0x9FFFFFFF  }
0xc6: {  	(tm) =	ssettm $0x7FFFFFFF  }
0xc7: {  	_ =	shalt  }
tec
execute0_lowered:
.L_overlay_start_1:
0x0: {  	(tag) =	ssettag $0x1  }
0x1: {  	s0 =	rddreg [dreg:$0x0]  }
0x2: {  	s1 =	rddreg [dreg:$0x1]  }
0x3: {  	s4 =	rddreg [dreg:$0x3];
	s5 =	simm.s32 $0x0  }
0x4: {  	s2 =	srdreg.scid;
	s3 =	stileid.u32;
	s14 =	simm.s32 $0xA  }
0x5: {  	s15 =	simm.s32 $0x64;
	s16 =	simm.s32 $0x8400;
	s18 =	simm.s32 $0xB600  }
0x6: {  	s20 =	simm.s32 $0xE800;
	s22 =	simm.s32 $0x11A00;
	s29 =	simm.s32 $0x1  }
0x7: {  	s30 =	simm.s32 $0x2;
	s31 =	simm.s32 $0x3;
	s19 =	simm.s32 $0x5  }
0x8: {  	s21 =	simm.s32 $0x6;
	s2 =	sand.u32 $0x1, s2;
	s3 =	sshll.u32 s3, $0x1  }
0x9: {  	s17 =	simm.s32 $0x0;
	[smem:$0x7FF] =	sst s5;
	s3 =	sor.u32 s2, s3  }
0xa: {  	_ =	strace $0x80000047;
	s2 =	ssub.s32 $0x2, s2;
	s7 =	smul.u32 $0xC8000, s3  }
0xb: {  	s6 =	sshll.u32 s3, $0xA;
	s23 =	sshrl.u32 s2, $0x1;
	s8 =	smul.u32 $0x19000, s3  }
0xc: {  	s0 =	sadd.s32 s6, s0;
	s2 =	ssub.s32 s2, s23;
	s6 =	smul.u32 $0x1900, s3  }
0xd: {  	s3 =	simm.s32 $0x7;
	s23 =	simm.s32 $0x8;
	s24 =	sshrl.u32 s7, $0x3  }
0xe: {  	s0 =	sadd.s32 $0x400, s0;
	s8 =	sadd.s32 s4, s8;
	s13 =	smax.u32 s2, $0x1  }
0xf: {  	[dreg:$0x5] =	wrdreg s0;
	s25 =	sadd.s32 s4, s24;
	s26 =	sadd.s32 $0xC80, s8  }
0x10: {  	s24 =	simm.s32 $0x14C00;
	s0 =	simm.s32 $0x4;
	[dreg:$0x6] =	wrdreg s26  }
0x11: {  	s28 =	sadd.s32 $0x1900, s25;
	s11 =	sadd.s32 $0x17700, s25;
	s12 =	sadd.s32 $0x18380, s25  }
0x12: {  	s26 =	simm.s32 $0x17E00;
	s25 =	simm.s32 $0x9;
	[dreg:$0x7] =	wrdreg s28  }
.LBB2_1:
0x13: {  	s2 =	rddreg [dreg:$0x5]  }
0x14: {  	[tilespmem:s5], [sflag:$0xA] =	stream.linear.gather [hbm4b:s2+s5], $0x2000, $0x38;
	[tilespmem:$0x1B000] =	vst v63  }
0x15: {  	_ =	swait.ge [sflag:s14], $0x2000  }
0x16: {  	[sflag:s14] =	ssyncset.done $0x0  }
0x17: {  	[sflag:s14] =	ssyncadd.s32 $0xFFFFE000  }
0x18: {  	[tilespmem:s16], [sflag:$0x1] =	stream.indirect.gather [hbm4b:s1+s15], $0x80, s5, s15, $0xb8;
	[tilespmem:$0x1B000] =	vst v63  }
0x19: {  	s10 =	simm.s32 $0x80  }
0x1a: {  	[tilespmem:s18], [sflag:$0x2] =	stream.indirect.gather [hbm4b:s1+s15], $0x80, s10, s15, $0xb8;
	[tilespmem:$0x1B000] =	vst v63  }
0x1b: {  	s28 =	simm.s32 $0x100  }
0x1c: {  	[tilespmem:s20], [sflag:$0x3] =	stream.indirect.gather [hbm4b:s1+s15], $0x80, s28, s15, $0xb8;
	[tilespmem:$0x1B000] =	vst v63  }
0x1d: {  	s7 =	simm.s32 $0x180  }
0x1e: {  	[tilespmem:s22], [sflag:$0x4] =	stream.indirect.gather [hbm4b:s1+s15], $0x80, s7, s15, $0xb8;
	[tilespmem:$0x1B000] =	vst v63  }
0x1f: {  	s9 =	simm.s32 $0x200  }
0x20: {  	[tilespmem:s24], [sflag:$0x5] =	stream.indirect.gather [hbm4b:s1+s15], $0x80, s9, s15, $0xb8;
	[tilespmem:$0x1B000] =	vst v63  }
0x21: {  	s10 =	simm.s32 $0x280  }
0x22: {  	[tilespmem:s26], [sflag:$0x6] =	stream.indirect.gather [hbm4b:s1+s15], $0x80, s10, s15, $0xb8;
	[tilespmem:$0x1B000] =	vst v63  }
0x23: {  	s28 =	rddreg [dreg:$0x2];
	s7 =	simm.s32 $0x2000  }
0x24: {  	[tilespmem:s7], [sflag:$0xA] =	stream.linear.gather [hbm4b:s28+s5], $0x6400, $0x38;
	[tilespmem:$0x1B000] =	vst v63  }
0x25: {  	_ =	swait.ge [sflag:s14], $0x6400  }
0x26: {  	[sflag:s14] =	ssyncset.done $0x0  }
0x27: {  	[sflag:s14] =	ssyncadd.s32 $0xFFFF9C00  }
0x28: {  	_ =	swait.ge [sflag:s29], $0x3200  }
0x29: {  	[sflag:s29] =	ssyncset.done $0x0  }
0x2a: {  	s2 =	simm.s32 $0x0;
	s7 =	simm.s32 $0x200;
	[sflag:s29] =	ssyncadd.s32 $0xFFFFCE00  }
.LBB2_2:
0x2b: {  	p0 =	sne.s32 s7, $0xC600;
	v0 =	vld [tilespmem:s2+$0x2070]  }
0x2c: {  	v1 =	vld [tilespmem:s2+$0x2000]  }
0x2d: {  	v2 =	vld [tilespmem:s2+$0x2010]  }
0x2e: {  	v3 =	vld [tilespmem:s2+$0x2020]  }
0x2f: {  	v4 =	vld [tilespmem:s2+$0x2030]  }
0x30: {  	[tilespmem:s2+$0x8470] =	vst.add.f32.msk $0xffff, v0  }
0x31: {  	v0 =	vld [tilespmem:s2+$0x2040]  }
0x32: {  	v5 =	vld [tilespmem:s2+$0x2050]  }
0x33: {  	v6 =	vld [tilespmem:s2+$0x2060]  }
0x34: {  	[tilespmem:s2+$0x8400] =	vst.add.f32.msk $0xffff, v1  }
0x35: {  	[tilespmem:s2+$0x8410] =	vst.add.f32.msk $0xffff, v2  }
.Ltmp0:
0x36: {  	[tilespmem:s2+$0x8420] =	vst.add.f32.msk $0xffff, v3;
	(pc) =	sbr.rel @p0 .LBB2_2-.Ltmp0, $4  }
0x37: {  	[tilespmem:s2+$0x8430] =	vst.add.f32.msk $0xffff, v4  }
0x38: {  	[tilespmem:s2+$0x8440] =	vst.add.f32.msk $0xffff, v0  }
0x39: {  	[tilespmem:s2+$0x8450] =	vst.add.f32.msk $0xffff, v5  }
0x3a: {  	[tilespmem:s2+$0x8460] =	vst.add.f32.msk $0xffff, v6;
	s2 =	sshra.s32 s7, $0x2;
	s7 =	sadd.s32 $0x200, s7  }
0x3b: {  	v0 =	vld [tilespmem:s2+$0x2070]  }
0x3c: {  	v1 =	vld [tilespmem:s2+$0x2000]  }
0x3d: {  	v2 =	vld [tilespmem:s2+$0x2010]  }
0x3e: {  	v3 =	vld [tilespmem:s2+$0x2020]  }
0x3f: {  	v4 =	vld [tilespmem:s2+$0x2030]  }
0x40: {  	v63 =	vld [tilespmem:s2+$0x2040]  }
0x41: {  	v5 =	vld [tilespmem:s2+$0x2050]  }
0x42: {  	v6 =	vld [tilespmem:s2+$0x2060]  }
0x43: {  	[tilespmem:s2+$0x8470] =	vst.add.f32.msk $0xffff, v0  }
0x44: {  	[tilespmem:s2+$0x8400] =	vst.add.f32.msk $0xffff, v1  }
0x45: {  	[tilespmem:s2+$0x8410] =	vst.add.f32.msk $0xffff, v2  }
0x46: {  	[tilespmem:s2+$0x8420] =	vst.add.f32.msk $0xffff, v3  }
0x47: {  	[tilespmem:s2+$0x8430] =	vst.add.f32.msk $0xffff, v4  }
0x48: {  	[tilespmem:s2+$0x8440] =	vst.add.f32.msk $0xffff, v63  }
0x49: {  	[tilespmem:s2+$0x8450] =	vst.add.f32.msk $0xffff, v5  }
0x4a: {  	[tilespmem:s2+$0x8460] =	vst.add.f32.msk $0xffff, v6  }
0x4b: {  	_ =	swait.ge [sflag:s30], $0x3200  }
0x4c: {  	[sflag:s30] =	ssyncset.done $0x0  }
0x4d: {  	s7 =	simm.s32 $0x200;
	s2 =	simm.s32 $0x0;
	[sflag:s30] =	ssyncadd.s32 $0xFFFFCE00  }
.LBB2_4:
0x4e: {  	p0 =	sne.s32 s7, $0xC600;
	v0 =	vld [tilespmem:s2+$0x5270]  }
0x4f: {  	v1 =	vld [tilespmem:s2+$0x5200]  }
0x50: {  	v2 =	vld [tilespmem:s2+$0x5210]  }
0x51: {  	v3 =	vld [tilespmem:s2+$0x5220]  }
0x52: {  	v4 =	vld [tilespmem:s2+$0x5230]  }
0x53: {  	[tilespmem:s2+$0xB670] =	vst.add.f32.msk $0xffff, v0  }
0x54: {  	v0 =	vld [tilespmem:s2+$0x5240]  }
0x55: {  	v5 =	vld [tilespmem:s2+$0x5250]  }
0x56: {  	v6 =	vld [tilespmem:s2+$0x5260]  }
0x57: {  	[tilespmem:s2+$0xB600] =	vst.add.f32.msk $0xffff, v1  }
0x58: {  	[tilespmem:s2+$0xB610] =	vst.add.f32.msk $0xffff, v2  }
.Ltmp1:
0x59: {  	[tilespmem:s2+$0xB620] =	vst.add.f32.msk $0xffff, v3;
	(pc) =	sbr.rel @p0 .LBB2_4-.Ltmp1, $4  }
0x5a: {  	[tilespmem:s2+$0xB630] =	vst.add.f32.msk $0xffff, v4  }
0x5b: {  	[tilespmem:s2+$0xB640] =	vst.add.f32.msk $0xffff, v0  }
0x5c: {  	[tilespmem:s2+$0xB650] =	vst.add.f32.msk $0xffff, v5  }
0x5d: {  	[tilespmem:s2+$0xB660] =	vst.add.f32.msk $0xffff, v6;
	s2 =	sshra.s32 s7, $0x2;
	s7 =	sadd.s32 $0x200, s7  }
0x5e: {  	v0 =	vld [tilespmem:s2+$0x5270]  }
0x5f: {  	v1 =	vld [tilespmem:s2+$0x5200]  }
0x60: {  	v2 =	vld [tilespmem:s2+$0x5210]  }
0x61: {  	v3 =	vld [tilespmem:s2+$0x5220]  }
0x62: {  	v4 =	vld [tilespmem:s2+$0x5230]  }
0x63: {  	v63 =	vld [tilespmem:s2+$0x5240]  }
0x64: {  	v5 =	vld [tilespmem:s2+$0x5250]  }
0x65: {  	v6 =	vld [tilespmem:s2+$0x5260]  }
0x66: {  	[tilespmem:s2+$0xB670] =	vst.add.f32.msk $0xffff, v0  }
0x67: {  	[tilespmem:s2+$0xB600] =	vst.add.f32.msk $0xffff, v1  }
0x68: {  	[tilespmem:s2+$0xB610] =	vst.add.f32.msk $0xffff, v2  }
0x69: {  	[tilespmem:s2+$0xB620] =	vst.add.f32.msk $0xffff, v3  }
0x6a: {  	[tilespmem:s2+$0xB630] =	vst.add.f32.msk $0xffff, v4  }
0x6b: {  	[tilespmem:s2+$0xB640] =	vst.add.f32.msk $0xffff, v63  }
0x6c: {  	[tilespmem:s2+$0xB650] =	vst.add.f32.msk $0xffff, v5  }
0x6d: {  	s28 =	simm.s32 $0x0;
	[tilespmem:s2+$0xB660] =	vst.add.f32.msk $0xffff, v6  }
0x6e: {  	[hbm4b:s8+s28] =	stream.linear.scatter [tilespmem:s16], [sflag:$0x7], $0x6400, $0x38;
	[tilespmem:$0x1B000] =	vst v63  }
0x6f: {  	_ =	swait.ge [sflag:s31], $0x3200  }
0x70: {  	[sflag:s31] =	ssyncset.done $0x0  }
0x71: {  	s7 =	simm.s32 $0x200;
	s2 =	simm.s32 $0x0;
	[sflag:s31] =	ssyncadd.s32 $0xFFFFCE00  }
.LBB2_6:
0x72: {  	p0 =	sne.s32 s7, $0xC600;
	v0 =	vld [tilespmem:s2+$0x2070]  }
0x73: {  	v1 =	vld [tilespmem:s2+$0x2000]  }
0x74: {  	v2 =	vld [tilespmem:s2+$0x2010]  }
0x75: {  	v3 =	vld [tilespmem:s2+$0x2020]  }
0x76: {  	v4 =	vld [tilespmem:s2+$0x2030]  }
0x77: {  	[tilespmem:s2+$0xE870] =	vst.add.f32.msk $0xffff, v0  }
0x78: {  	v0 =	vld [tilespmem:s2+$0x2040]  }
0x79: {  	v5 =	vld [tilespmem:s2+$0x2050]  }
0x7a: {  	v6 =	vld [tilespmem:s2+$0x2060]  }
0x7b: {  	[tilespmem:s2+$0xE800] =	vst.add.f32.msk $0xffff, v1  }
0x7c: {  	[tilespmem:s2+$0xE810] =	vst.add.f32.msk $0xffff, v2  }
.Ltmp2:
0x7d: {  	[tilespmem:s2+$0xE820] =	vst.add.f32.msk $0xffff, v3;
	(pc) =	sbr.rel @p0 .LBB2_6-.Ltmp2, $4  }
0x7e: {  	[tilespmem:s2+$0xE830] =	vst.add.f32.msk $0xffff, v4  }
0x7f: {  	[tilespmem:s2+$0xE840] =	vst.add.f32.msk $0xffff, v0  }
0x80: {  	[tilespmem:s2+$0xE850] =	vst.add.f32.msk $0xffff, v5  }
0x81: {  	[tilespmem:s2+$0xE860] =	vst.add.f32.msk $0xffff, v6;
	s2 =	sshra.s32 s7, $0x2;
	s7 =	sadd.s32 $0x200, s7  }
0x82: {  	v0 =	vld [tilespmem:s2+$0x2070]  }
0x83: {  	v1 =	vld [tilespmem:s2+$0x2000]  }
0x84: {  	v2 =	vld [tilespmem:s2+$0x2010]  }
0x85: {  	v3 =	vld [tilespmem:s2+$0x2020]  }
0x86: {  	v4 =	vld [tilespmem:s2+$0x2030]  }
0x87: {  	v63 =	vld [tilespmem:s2+$0x2040]  }
0x88: {  	v5 =	vld [tilespmem:s2+$0x2050]  }
0x89: {  	v6 =	vld [tilespmem:s2+$0x2060]  }
0x8a: {  	[tilespmem:s2+$0xE870] =	vst.add.f32.msk $0xffff, v0  }
0x8b: {  	[tilespmem:s2+$0xE800] =	vst.add.f32.msk $0xffff, v1  }
0x8c: {  	[tilespmem:s2+$0xE810] =	vst.add.f32.msk $0xffff, v2  }
0x8d: {  	[tilespmem:s2+$0xE820] =	vst.add.f32.msk $0xffff, v3  }
0x8e: {  	[tilespmem:s2+$0xE830] =	vst.add.f32.msk $0xffff, v4  }
0x8f: {  	[tilespmem:s2+$0xE840] =	vst.add.f32.msk $0xffff, v63  }
0x90: {  	[tilespmem:s2+$0xE850] =	vst.add.f32.msk $0xffff, v5  }
0x91: {  	[tilespmem:s2+$0xE860] =	vst.add.f32.msk $0xffff, v6  }
0x92: {  	_ =	swait.ge [sflag:s0], $0x3200  }
0x93: {  	[sflag:s0] =	ssyncset.done $0x0  }
0x94: {  	s7 =	simm.s32 $0x200;
	s2 =	simm.s32 $0x0;
	[sflag:s0] =	ssyncadd.s32 $0xFFFFCE00  }
.LBB2_8:
0x95: {  	p0 =	sne.s32 s7, $0xC600;
	v0 =	vld [tilespmem:s2+$0x5270]  }
0x96: {  	v1 =	vld [tilespmem:s2+$0x5200]  }
0x97: {  	v2 =	vld [tilespmem:s2+$0x5210]  }
0x98: {  	v3 =	vld [tilespmem:s2+$0x5220]  }
0x99: {  	v4 =	vld [tilespmem:s2+$0x5230]  }
0x9a: {  	[tilespmem:s2+$0x11A70] =	vst.add.f32.msk $0xffff, v0  }
0x9b: {  	v0 =	vld [tilespmem:s2+$0x5240]  }
0x9c: {  	v5 =	vld [tilespmem:s2+$0x5250]  }
0x9d: {  	v6 =	vld [tilespmem:s2+$0x5260]  }
0x9e: {  	[tilespmem:s2+$0x11A00] =	vst.add.f32.msk $0xffff, v1  }
0x9f: {  	[tilespmem:s2+$0x11A10] =	vst.add.f32.msk $0xffff, v2  }
.Ltmp3:
0xa0: {  	[tilespmem:s2+$0x11A20] =	vst.add.f32.msk $0xffff, v3;
	(pc) =	sbr.rel @p0 .LBB2_8-.Ltmp3, $4  }
0xa1: {  	[tilespmem:s2+$0x11A30] =	vst.add.f32.msk $0xffff, v4  }
0xa2: {  	[tilespmem:s2+$0x11A40] =	vst.add.f32.msk $0xffff, v0  }
0xa3: {  	[tilespmem:s2+$0x11A50] =	vst.add.f32.msk $0xffff, v5  }
0xa4: {  	[tilespmem:s2+$0x11A60] =	vst.add.f32.msk $0xffff, v6;
	s2 =	sshra.s32 s7, $0x2;
	s7 =	sadd.s32 $0x200, s7  }
0xa5: {  	v0 =	vld [tilespmem:s2+$0x5270]  }
0xa6: {  	v1 =	vld [tilespmem:s2+$0x5200]  }
0xa7: {  	v2 =	vld [tilespmem:s2+$0x5210]  }
0xa8: {  	v3 =	vld [tilespmem:s2+$0x5220]  }
0xa9: {  	v4 =	vld [tilespmem:s2+$0x5230]  }
0xaa: {  	v63 =	vld [tilespmem:s2+$0x5240]  }
0xab: {  	v5 =	vld [tilespmem:s2+$0x5250]  }
0xac: {  	v6 =	vld [tilespmem:s2+$0x5260]  }
0xad: {  	[tilespmem:s2+$0x11A70] =	vst.add.f32.msk $0xffff, v0  }
0xae: {  	[tilespmem:s2+$0x11A00] =	vst.add.f32.msk $0xffff, v1  }
0xaf: {  	[tilespmem:s2+$0x11A10] =	vst.add.f32.msk $0xffff, v2  }
0xb0: {  	[tilespmem:s2+$0x11A20] =	vst.add.f32.msk $0xffff, v3  }
0xb1: {  	[tilespmem:s2+$0x11A30] =	vst.add.f32.msk $0xffff, v4  }
0xb2: {  	[tilespmem:s2+$0x11A40] =	vst.add.f32.msk $0xffff, v63  }
0xb3: {  	[tilespmem:s2+$0x11A50] =	vst.add.f32.msk $0xffff, v5  }
0xb4: {  	s9 =	simm.s32 $0x0;
	s7 =	rddreg [dreg:$0x6];
	[tilespmem:s2+$0x11A60] =	vst.add.f32.msk $0xffff, v6  }
0xb5: {  	[hbm4b:s7+s9] =	stream.linear.scatter [tilespmem:s20], [sflag:$0x8], $0x6400, $0x38;
	[tilespmem:$0x1B000] =	vst v63  }
0xb6: {  	_ =	swait.ge [sflag:s3], $0x6400  }
0xb7: {  	[sflag:s3] =	ssyncset.done $0x0  }
0xb8: {  	s10 =	simm.s32 $0x300;
	[sflag:s3] =	ssyncadd.s32 $0xFFFF9C00  }
0xb9: {  	[tilespmem:s16], [sflag:$0x1] =	stream.indirect.gather [hbm4b:s1+s15], $0x80, s10, s15, $0xb8;
	[tilespmem:$0x1B000] =	vst v63  }
0xba: {  	s28 =	simm.s32 $0x380  }
0xbb: {  	[tilespmem:s18], [sflag:$0x2] =	stream.indirect.gather [hbm4b:s1+s15], $0x80, s28, s15, $0xb8;
	[tilespmem:$0x1B000] =	vst v63  }
0xbc: {  	_ =	swait.ge [sflag:s19], $0x3200  }
0xbd: {  	[sflag:s19] =	ssyncset.done $0x0  }
0xbe: {  	s2 =	simm.s32 $0x0;
	s7 =	simm.s32 $0x200;
	[sflag:s19] =	ssyncadd.s32 $0xFFFFCE00  }
.LBB2_10:
0xbf: {  	p0 =	sne.s32 s7, $0xC600;
	v0 =	vld [tilespmem:s2+$0x2070]  }
0xc0: {  	v1 =	vld [tilespmem:s2+$0x2000]  }
0xc1: {  	v2 =	vld [tilespmem:s2+$0x2010]  }
0xc2: {  	v3 =	vld [tilespmem:s2+$0x2020]  }
0xc3: {  	v4 =	vld [tilespmem:s2+$0x2030]  }
0xc4: {  	[tilespmem:s2+$0x14C70] =	vst.add.f32.msk $0xffff, v0  }
0xc5: {  	v0 =	vld [tilespmem:s2+$0x2040]  }
0xc6: {  	v5 =	vld [tilespmem:s2+$0x2050]  }
0xc7: {  	v6 =	vld [tilespmem:s2+$0x2060]  }
0xc8: {  	[tilespmem:s2+$0x14C00] =	vst.add.f32.msk $0xffff, v1  }
0xc9: {  	[tilespmem:s2+$0x14C10] =	vst.add.f32.msk $0xffff, v2  }
.Ltmp4:
0xca: {  	[tilespmem:s2+$0x14C20] =	vst.add.f32.msk $0xffff, v3;
	(pc) =	sbr.rel @p0 .LBB2_10-.Ltmp4, $4  }
0xcb: {  	[tilespmem:s2+$0x14C30] =	vst.add.f32.msk $0xffff, v4  }
0xcc: {  	[tilespmem:s2+$0x14C40] =	vst.add.f32.msk $0xffff, v0  }
0xcd: {  	[tilespmem:s2+$0x14C50] =	vst.add.f32.msk $0xffff, v5  }
0xce: {  	[tilespmem:s2+$0x14C60] =	vst.add.f32.msk $0xffff, v6;
	s2 =	sshra.s32 s7, $0x2;
	s7 =	sadd.s32 $0x200, s7  }
0xcf: {  	v0 =	vld [tilespmem:s2+$0x2070]  }
0xd0: {  	v1 =	vld [tilespmem:s2+$0x2000]  }
0xd1: {  	v2 =	vld [tilespmem:s2+$0x2010]  }
0xd2: {  	v3 =	vld [tilespmem:s2+$0x2020]  }
0xd3: {  	v4 =	vld [tilespmem:s2+$0x2030]  }
0xd4: {  	v63 =	vld [tilespmem:s2+$0x2040]  }
0xd5: {  	v5 =	vld [tilespmem:s2+$0x2050]  }
0xd6: {  	v6 =	vld [tilespmem:s2+$0x2060]  }
0xd7: {  	[tilespmem:s2+$0x14C70] =	vst.add.f32.msk $0xffff, v0  }
0xd8: {  	[tilespmem:s2+$0x14C00] =	vst.add.f32.msk $0xffff, v1  }
0xd9: {  	[tilespmem:s2+$0x14C10] =	vst.add.f32.msk $0xffff, v2  }
0xda: {  	[tilespmem:s2+$0x14C20] =	vst.add.f32.msk $0xffff, v3  }
0xdb: {  	[tilespmem:s2+$0x14C30] =	vst.add.f32.msk $0xffff, v4  }
0xdc: {  	[tilespmem:s2+$0x14C40] =	vst.add.f32.msk $0xffff, v63  }
0xdd: {  	[tilespmem:s2+$0x14C50] =	vst.add.f32.msk $0xffff, v5  }
0xde: {  	[tilespmem:s2+$0x14C60] =	vst.add.f32.msk $0xffff, v6  }
0xdf: {  	_ =	swait.ge [sflag:s21], $0x3200  }
0xe0: {  	[sflag:s21] =	ssyncset.done $0x0  }
0xe1: {  	s7 =	simm.s32 $0x200;
	s2 =	simm.s32 $0x0;
	[sflag:s21] =	ssyncadd.s32 $0xFFFFCE00  }
.LBB2_12:
0xe2: {  	p0 =	sne.s32 s7, $0xC600;
	v0 =	vld [tilespmem:s2+$0x5270]  }
0xe3: {  	v1 =	vld [tilespmem:s2+$0x5200]  }
0xe4: {  	v2 =	vld [tilespmem:s2+$0x5210]  }
0xe5: {  	v3 =	vld [tilespmem:s2+$0x5220]  }
0xe6: {  	v4 =	vld [tilespmem:s2+$0x5230]  }
0xe7: {  	[tilespmem:s2+$0x17E70] =	vst.add.f32.msk $0xffff, v0  }
0xe8: {  	v0 =	vld [tilespmem:s2+$0x5240]  }
0xe9: {  	v5 =	vld [tilespmem:s2+$0x5250]  }
0xea: {  	v6 =	vld [tilespmem:s2+$0x5260]  }
0xeb: {  	[tilespmem:s2+$0x17E00] =	vst.add.f32.msk $0xffff, v1  }
0xec: {  	[tilespmem:s2+$0x17E10] =	vst.add.f32.msk $0xffff, v2  }
.Ltmp5:
0xed: {  	[tilespmem:s2+$0x17E20] =	vst.add.f32.msk $0xffff, v3;
	(pc) =	sbr.rel @p0 .LBB2_12-.Ltmp5, $4  }
0xee: {  	[tilespmem:s2+$0x17E30] =	vst.add.f32.msk $0xffff, v4  }
0xef: {  	[tilespmem:s2+$0x17E40] =	vst.add.f32.msk $0xffff, v0  }
0xf0: {  	[tilespmem:s2+$0x17E50] =	vst.add.f32.msk $0xffff, v5  }
0xf1: {  	[tilespmem:s2+$0x17E60] =	vst.add.f32.msk $0xffff, v6;
	s2 =	sshra.s32 s7, $0x2;
	s7 =	sadd.s32 $0x200, s7  }
0xf2: {  	v0 =	vld [tilespmem:s2+$0x5270]  }
0xf3: {  	v1 =	vld [tilespmem:s2+$0x5200]  }
0xf4: {  	v2 =	vld [tilespmem:s2+$0x5210]  }
0xf5: {  	v3 =	vld [tilespmem:s2+$0x5220]  }
0xf6: {  	v4 =	vld [tilespmem:s2+$0x5230]  }
0xf7: {  	v63 =	vld [tilespmem:s2+$0x5240]  }
0xf8: {  	v5 =	vld [tilespmem:s2+$0x5250]  }
0xf9: {  	v6 =	vld [tilespmem:s2+$0x5260]  }
0xfa: {  	[tilespmem:s2+$0x17E70] =	vst.add.f32.msk $0xffff, v0  }
0xfb: {  	[tilespmem:s2+$0x17E00] =	vst.add.f32.msk $0xffff, v1  }
0xfc: {  	[tilespmem:s2+$0x17E10] =	vst.add.f32.msk $0xffff, v2  }
0xfd: {  	[tilespmem:s2+$0x17E20] =	vst.add.f32.msk $0xffff, v3  }
0xfe: {  	[tilespmem:s2+$0x17E30] =	vst.add.f32.msk $0xffff, v4  }
0xff: {  	[tilespmem:s2+$0x17E40] =	vst.add.f32.msk $0xffff, v63  }
0x100: {  	[tilespmem:s2+$0x17E50] =	vst.add.f32.msk $0xffff, v5  }
0x101: {  	s28 =	simm.s32 $0x0;
	s10 =	rddreg [dreg:$0x7];
	[tilespmem:s2+$0x17E60] =	vst.add.f32.msk $0xffff, v6  }
0x102: {  	[hbm4b:s10+s28] =	stream.linear.scatter [tilespmem:s24], [sflag:$0x9], $0x6400, $0x38;
	[tilespmem:$0x1B000] =	vst v63  }
.LBB2_14:
0x103: {  	s28 =	sadd.s32 $0x1, s28  }
0x104: {  	s7 =	smul.u32 $0x3, s28;
	_ =	sdelay $0x1  }
0x105: {  	_ =	swait.ge [sflag:s23], $0x6400;
	s2 =	sadd.s32 $0x1, s7  }
0x106: {  	[sflag:s23] =	ssyncset.done $0x0;
	s9 =	sshll.u32 s2, $0x8  }
0x107: {  	[sflag:s23] =	ssyncadd.s32 $0xFFFF9C00;
	s9 =	sand.u32 $0x3FFFFF00, s9  }
0x108: {  	[tilespmem:s20], [sflag:$0x3] =	stream.indirect.gather [hbm4b:s1+s15], $0x80, s9, s15, $0xb8;
	[tilespmem:$0x1B000] =	vst v63  }
0x109: {  	s9 =	sor.u32 $0x80, s9  }
0x10a: {  	[tilespmem:s22], [sflag:$0x4] =	stream.indirect.gather [hbm4b:s1+s15], $0x80, s9, s15, $0xb8;
	[tilespmem:$0x1B000] =	vst v63  }
0x10b: {  	_ =	swait.ge [sflag:s29], $0x3200  }
0x10c: {  	[sflag:s29] =	ssyncset.done $0x0  }
0x10d: {  	s10 =	simm.s32 $0x200;
	s9 =	simm.s32 $0x0;
	[sflag:s29] =	ssyncadd.s32 $0xFFFFCE00  }
.LBB2_15:
0x10e: {  	p0 =	sne.s32 s10, $0xC600;
	v0 =	vld [tilespmem:s9+$0x2070]  }
0x10f: {  	v1 =	vld [tilespmem:s9+$0x2000]  }
0x110: {  	v2 =	vld [tilespmem:s9+$0x2010]  }
0x111: {  	v3 =	vld [tilespmem:s9+$0x2020]  }
0x112: {  	v4 =	vld [tilespmem:s9+$0x2030]  }
0x113: {  	[tilespmem:s9+$0x8470] =	vst.add.f32.msk $0xffff, v0  }
0x114: {  	v0 =	vld [tilespmem:s9+$0x2040]  }
0x115: {  	v5 =	vld [tilespmem:s9+$0x2050]  }
0x116: {  	v6 =	vld [tilespmem:s9+$0x2060]  }
0x117: {  	[tilespmem:s9+$0x8400] =	vst.add.f32.msk $0xffff, v1  }
0x118: {  	[tilespmem:s9+$0x8410] =	vst.add.f32.msk $0xffff, v2  }
.Ltmp6:
0x119: {  	[tilespmem:s9+$0x8420] =	vst.add.f32.msk $0xffff, v3;
	(pc) =	sbr.rel @p0 .LBB2_15-.Ltmp6, $4  }
0x11a: {  	[tilespmem:s9+$0x8430] =	vst.add.f32.msk $0xffff, v4  }
0x11b: {  	[tilespmem:s9+$0x8440] =	vst.add.f32.msk $0xffff, v0  }
0x11c: {  	[tilespmem:s9+$0x8450] =	vst.add.f32.msk $0xffff, v5  }
0x11d: {  	[tilespmem:s9+$0x8460] =	vst.add.f32.msk $0xffff, v6;
	s9 =	sshra.s32 s10, $0x2;
	s10 =	sadd.s32 $0x200, s10  }
0x11e: {  	v0 =	vld [tilespmem:s9+$0x2070]  }
0x11f: {  	v1 =	vld [tilespmem:s9+$0x2000]  }
0x120: {  	v2 =	vld [tilespmem:s9+$0x2010]  }
0x121: {  	v3 =	vld [tilespmem:s9+$0x2020]  }
0x122: {  	v4 =	vld [tilespmem:s9+$0x2030]  }
0x123: {  	v63 =	vld [tilespmem:s9+$0x2040]  }
0x124: {  	v5 =	vld [tilespmem:s9+$0x2050]  }
0x125: {  	v6 =	vld [tilespmem:s9+$0x2060]  }
0x126: {  	[tilespmem:s9+$0x8470] =	vst.add.f32.msk $0xffff, v0  }
0x127: {  	[tilespmem:s9+$0x8400] =	vst.add.f32.msk $0xffff, v1  }
0x128: {  	[tilespmem:s9+$0x8410] =	vst.add.f32.msk $0xffff, v2  }
0x129: {  	[tilespmem:s9+$0x8420] =	vst.add.f32.msk $0xffff, v3  }
0x12a: {  	[tilespmem:s9+$0x8430] =	vst.add.f32.msk $0xffff, v4  }
0x12b: {  	[tilespmem:s9+$0x8440] =	vst.add.f32.msk $0xffff, v63  }
0x12c: {  	[tilespmem:s9+$0x8450] =	vst.add.f32.msk $0xffff, v5  }
0x12d: {  	[tilespmem:s9+$0x8460] =	vst.add.f32.msk $0xffff, v6  }
0x12e: {  	_ =	swait.ge [sflag:s30], $0x3200  }
0x12f: {  	[sflag:s30] =	ssyncset.done $0x0  }
0x130: {  	s10 =	simm.s32 $0x200;
	s9 =	simm.s32 $0x0;
	[sflag:s30] =	ssyncadd.s32 $0xFFFFCE00  }
.LBB2_17:
0x131: {  	p0 =	sne.s32 s10, $0xC600;
	v0 =	vld [tilespmem:s9+$0x5270]  }
0x132: {  	v1 =	vld [tilespmem:s9+$0x5200]  }
0x133: {  	v2 =	vld [tilespmem:s9+$0x5210]  }
0x134: {  	v3 =	vld [tilespmem:s9+$0x5220]  }
0x135: {  	v4 =	vld [tilespmem:s9+$0x5230]  }
0x136: {  	[tilespmem:s9+$0xB670] =	vst.add.f32.msk $0xffff, v0  }
0x137: {  	v0 =	vld [tilespmem:s9+$0x5240]  }
0x138: {  	v5 =	vld [tilespmem:s9+$0x5250]  }
0x139: {  	v6 =	vld [tilespmem:s9+$0x5260]  }
0x13a: {  	[tilespmem:s9+$0xB600] =	vst.add.f32.msk $0xffff, v1  }
0x13b: {  	[tilespmem:s9+$0xB610] =	vst.add.f32.msk $0xffff, v2  }
.Ltmp7:
0x13c: {  	[tilespmem:s9+$0xB620] =	vst.add.f32.msk $0xffff, v3;
	(pc) =	sbr.rel @p0 .LBB2_17-.Ltmp7, $4  }
0x13d: {  	[tilespmem:s9+$0xB630] =	vst.add.f32.msk $0xffff, v4  }
0x13e: {  	[tilespmem:s9+$0xB640] =	vst.add.f32.msk $0xffff, v0  }
0x13f: {  	[tilespmem:s9+$0xB650] =	vst.add.f32.msk $0xffff, v5  }
0x140: {  	[tilespmem:s9+$0xB660] =	vst.add.f32.msk $0xffff, v6;
	s9 =	sshra.s32 s10, $0x2;
	s10 =	sadd.s32 $0x200, s10  }
0x141: {  	v0 =	vld [tilespmem:s9+$0x5270]  }
0x142: {  	v1 =	vld [tilespmem:s9+$0x5200]  }
0x143: {  	v2 =	vld [tilespmem:s9+$0x5210]  }
0x144: {  	v3 =	vld [tilespmem:s9+$0x5220]  }
0x145: {  	v4 =	vld [tilespmem:s9+$0x5230]  }
0x146: {  	v63 =	vld [tilespmem:s9+$0x5240]  }
0x147: {  	v5 =	vld [tilespmem:s9+$0x5250]  }
0x148: {  	v6 =	vld [tilespmem:s9+$0x5260]  }
0x149: {  	[tilespmem:s9+$0xB670] =	vst.add.f32.msk $0xffff, v0  }
0x14a: {  	[tilespmem:s9+$0xB600] =	vst.add.f32.msk $0xffff, v1  }
0x14b: {  	[tilespmem:s9+$0xB610] =	vst.add.f32.msk $0xffff, v2  }
0x14c: {  	s10 =	smul.u32 $0x258, s28;
	[tilespmem:s9+$0xB620] =	vst.add.f32.msk $0xffff, v3  }
0x14d: {  	[tilespmem:s9+$0xB630] =	vst.add.f32.msk $0xffff, v4  }
0x14e: {  	s10 =	sadd.s32 s6, s10;
	[tilespmem:s9+$0xB640] =	vst.add.f32.msk $0xffff, v63  }
0x14f: {  	s10 =	sshll.u32 s10, $0x4;
	[tilespmem:s9+$0xB650] =	vst.add.f32.msk $0xffff, v5  }
0x150: {  	[tilespmem:s9+$0xB660] =	vst.add.f32.msk $0xffff, v6;
	s9 =	sadd.s32 s4, s10;
	s10 =	simm.s32 $0x0  }
0x151: {  	[hbm4b:s9+s10] =	stream.linear.scatter [tilespmem:s16], [sflag:$0x7], $0x6400, $0x38;
	[tilespmem:$0x1B000] =	vst v63  }
0x152: {  	s7 =	sadd.s32 $0x2, s7;
	_ =	swait.ge [sflag:s25], $0x6400  }
0x153: {  	s10 =	sshll.u32 s7, $0x8;
	[sflag:s25] =	ssyncset.done $0x0  }
0x154: {  	s9 =	sand.u32 $0x3FFFFF00, s10;
	[sflag:s25] =	ssyncadd.s32 $0xFFFF9C00  }
0x155: {  	[tilespmem:s24], [sflag:$0x5] =	stream.indirect.gather [hbm4b:s1+s15], $0x80, s9, s15, $0xb8;
	[tilespmem:$0x1B000] =	vst v63  }
0x156: {  	s9 =	sor.u32 $0x80, s9  }
0x157: {  	[tilespmem:s26], [sflag:$0x6] =	stream.indirect.gather [hbm4b:s1+s15], $0x80, s9, s15, $0xb8;
	[tilespmem:$0x1B000] =	vst v63  }
0x158: {  	_ =	swait.ge [sflag:s31], $0x3200  }
0x159: {  	[sflag:s31] =	ssyncset.done $0x0  }
0x15a: {  	s10 =	simm.s32 $0x200;
	s9 =	simm.s32 $0x0;
	[sflag:s31] =	ssyncadd.s32 $0xFFFFCE00  }
.LBB2_19:
0x15b: {  	p0 =	sne.s32 s10, $0xC600;
	v0 =	vld [tilespmem:s9+$0x2070]  }
0x15c: {  	v1 =	vld [tilespmem:s9+$0x2000]  }
0x15d: {  	v2 =	vld [tilespmem:s9+$0x2010]  }
0x15e: {  	v3 =	vld [tilespmem:s9+$0x2020]  }
0x15f: {  	v4 =	vld [tilespmem:s9+$0x2030]  }
0x160: {  	[tilespmem:s9+$0xE870] =	vst.add.f32.msk $0xffff, v0  }
0x161: {  	v0 =	vld [tilespmem:s9+$0x2040]  }
0x162: {  	v5 =	vld [tilespmem:s9+$0x2050]  }
0x163: {  	v6 =	vld [tilespmem:s9+$0x2060]  }
0x164: {  	[tilespmem:s9+$0xE800] =	vst.add.f32.msk $0xffff, v1  }
0x165: {  	[tilespmem:s9+$0xE810] =	vst.add.f32.msk $0xffff, v2  }
.Ltmp8:
0x166: {  	[tilespmem:s9+$0xE820] =	vst.add.f32.msk $0xffff, v3;
	(pc) =	sbr.rel @p0 .LBB2_19-.Ltmp8, $4  }
0x167: {  	[tilespmem:s9+$0xE830] =	vst.add.f32.msk $0xffff, v4  }
0x168: {  	[tilespmem:s9+$0xE840] =	vst.add.f32.msk $0xffff, v0  }
0x169: {  	[tilespmem:s9+$0xE850] =	vst.add.f32.msk $0xffff, v5  }
0x16a: {  	[tilespmem:s9+$0xE860] =	vst.add.f32.msk $0xffff, v6;
	s9 =	sshra.s32 s10, $0x2;
	s10 =	sadd.s32 $0x200, s10  }
0x16b: {  	v0 =	vld [tilespmem:s9+$0x2070]  }
0x16c: {  	v1 =	vld [tilespmem:s9+$0x2000]  }
0x16d: {  	v2 =	vld [tilespmem:s9+$0x2010]  }
0x16e: {  	v3 =	vld [tilespmem:s9+$0x2020]  }
0x16f: {  	v4 =	vld [tilespmem:s9+$0x2030]  }
0x170: {  	v63 =	vld [tilespmem:s9+$0x2040]  }
0x171: {  	v5 =	vld [tilespmem:s9+$0x2050]  }
0x172: {  	v6 =	vld [tilespmem:s9+$0x2060]  }
0x173: {  	[tilespmem:s9+$0xE870] =	vst.add.f32.msk $0xffff, v0  }
0x174: {  	[tilespmem:s9+$0xE800] =	vst.add.f32.msk $0xffff, v1  }
0x175: {  	[tilespmem:s9+$0xE810] =	vst.add.f32.msk $0xffff, v2  }
0x176: {  	[tilespmem:s9+$0xE820] =	vst.add.f32.msk $0xffff, v3  }
0x177: {  	[tilespmem:s9+$0xE830] =	vst.add.f32.msk $0xffff, v4  }
0x178: {  	[tilespmem:s9+$0xE840] =	vst.add.f32.msk $0xffff, v63  }
0x179: {  	[tilespmem:s9+$0xE850] =	vst.add.f32.msk $0xffff, v5  }
0x17a: {  	[tilespmem:s9+$0xE860] =	vst.add.f32.msk $0xffff, v6  }
0x17b: {  	_ =	swait.ge [sflag:s0], $0x3200  }
0x17c: {  	[sflag:s0] =	ssyncset.done $0x0  }
0x17d: {  	s10 =	simm.s32 $0x200;
	s9 =	simm.s32 $0x0;
	[sflag:s0] =	ssyncadd.s32 $0xFFFFCE00  }
.LBB2_21:
0x17e: {  	p0 =	sne.s32 s10, $0xC600;
	v0 =	vld [tilespmem:s9+$0x5270]  }
0x17f: {  	v1 =	vld [tilespmem:s9+$0x5200]  }
0x180: {  	v2 =	vld [tilespmem:s9+$0x5210]  }
0x181: {  	v3 =	vld [tilespmem:s9+$0x5220]  }
0x182: {  	v4 =	vld [tilespmem:s9+$0x5230]  }
0x183: {  	[tilespmem:s9+$0x11A70] =	vst.add.f32.msk $0xffff, v0  }
0x184: {  	v0 =	vld [tilespmem:s9+$0x5240]  }
0x185: {  	v5 =	vld [tilespmem:s9+$0x5250]  }
0x186: {  	v6 =	vld [tilespmem:s9+$0x5260]  }
0x187: {  	[tilespmem:s9+$0x11A00] =	vst.add.f32.msk $0xffff, v1  }
0x188: {  	[tilespmem:s9+$0x11A10] =	vst.add.f32.msk $0xffff, v2  }
.Ltmp9:
0x189: {  	[tilespmem:s9+$0x11A20] =	vst.add.f32.msk $0xffff, v3;
	(pc) =	sbr.rel @p0 .LBB2_21-.Ltmp9, $4  }
0x18a: {  	[tilespmem:s9+$0x11A30] =	vst.add.f32.msk $0xffff, v4  }
0x18b: {  	[tilespmem:s9+$0x11A40] =	vst.add.f32.msk $0xffff, v0  }
0x18c: {  	[tilespmem:s9+$0x11A50] =	vst.add.f32.msk $0xffff, v5  }
0x18d: {  	[tilespmem:s9+$0x11A60] =	vst.add.f32.msk $0xffff, v6;
	s9 =	sshra.s32 s10, $0x2;
	s10 =	sadd.s32 $0x200, s10  }
0x18e: {  	v0 =	vld [tilespmem:s9+$0x5270]  }
0x18f: {  	v1 =	vld [tilespmem:s9+$0x5200]  }
0x190: {  	v2 =	vld [tilespmem:s9+$0x5210]  }
0x191: {  	v3 =	vld [tilespmem:s9+$0x5220]  }
0x192: {  	v4 =	vld [tilespmem:s9+$0x5230]  }
0x193: {  	v63 =	vld [tilespmem:s9+$0x5240]  }
0x194: {  	v5 =	vld [tilespmem:s9+$0x5250]  }
0x195: {  	v6 =	vld [tilespmem:s9+$0x5260]  }
0x196: {  	[tilespmem:s9+$0x11A70] =	vst.add.f32.msk $0xffff, v0  }
0x197: {  	[tilespmem:s9+$0x11A00] =	vst.add.f32.msk $0xffff, v1  }
0x198: {  	[tilespmem:s9+$0x11A10] =	vst.add.f32.msk $0xffff, v2  }
0x199: {  	s2 =	smul.u32 $0xC8, s2;
	[tilespmem:s9+$0x11A20] =	vst.add.f32.msk $0xffff, v3  }
0x19a: {  	[tilespmem:s9+$0x11A30] =	vst.add.f32.msk $0xffff, v4  }
0x19b: {  	s2 =	sadd.s32 s6, s2;
	[tilespmem:s9+$0x11A40] =	vst.add.f32.msk $0xffff, v63  }
0x19c: {  	s2 =	sshll.u32 s2, $0x4;
	[tilespmem:s9+$0x11A50] =	vst.add.f32.msk $0xffff, v5  }
0x19d: {  	s10 =	simm.s32 $0x0;
	s2 =	sadd.s32 s4, s2;
	[tilespmem:s9+$0x11A60] =	vst.add.f32.msk $0xffff, v6;
	s9 =	smul.u32 $0xC00, s28  }
0x19e: {  	[hbm4b:s2+s10] =	stream.linear.scatter [tilespmem:s20], [sflag:$0x8], $0x6400, $0x38;
	[tilespmem:$0x1B000] =	vst v63  }
0x19f: {  	_ =	swait.ge [sflag:s3], $0x6400  }
0x1a0: {  	s2 =	sshra.s32 s9, $0x2;
	[sflag:s3] =	ssyncset.done $0x0  }
0x1a1: {  	s10 =	sadd.s32 $0x300, s2;
	[sflag:s3] =	ssyncadd.s32 $0xFFFF9C00  }
0x1a2: {  	[tilespmem:s16], [sflag:$0x1] =	stream.indirect.gather [hbm4b:s1+s15], $0x80, s10, s15, $0xb8;
	[tilespmem:$0x1B000] =	vst v63  }
0x1a3: {  	s2 =	sadd.s32 $0x380, s2  }
0x1a4: {  	[tilespmem:s18], [sflag:$0x2] =	stream.indirect.gather [hbm4b:s1+s15], $0x80, s2, s15, $0xb8;
	[tilespmem:$0x1B000] =	vst v63  }
0x1a5: {  	_ =	swait.ge [sflag:s19], $0x3200  }
0x1a6: {  	[sflag:s19] =	ssyncset.done $0x0  }
0x1a7: {  	s9 =	simm.s32 $0x200;
	s2 =	simm.s32 $0x0;
	[sflag:s19] =	ssyncadd.s32 $0xFFFFCE00  }
.LBB2_23:
0x1a8: {  	p0 =	sne.s32 s9, $0xC600;
	v0 =	vld [tilespmem:s2+$0x2070]  }
0x1a9: {  	v1 =	vld [tilespmem:s2+$0x2000]  }
0x1aa: {  	v2 =	vld [tilespmem:s2+$0x2010]  }
0x1ab: {  	v3 =	vld [tilespmem:s2+$0x2020]  }
0x1ac: {  	v4 =	vld [tilespmem:s2+$0x2030]  }
0x1ad: {  	[tilespmem:s2+$0x14C70] =	vst.add.f32.msk $0xffff, v0  }
0x1ae: {  	v0 =	vld [tilespmem:s2+$0x2040]  }
0x1af: {  	v5 =	vld [tilespmem:s2+$0x2050]  }
0x1b0: {  	v6 =	vld [tilespmem:s2+$0x2060]  }
0x1b1: {  	[tilespmem:s2+$0x14C00] =	vst.add.f32.msk $0xffff, v1  }
0x1b2: {  	[tilespmem:s2+$0x14C10] =	vst.add.f32.msk $0xffff, v2  }
.Ltmp10:
0x1b3: {  	[tilespmem:s2+$0x14C20] =	vst.add.f32.msk $0xffff, v3;
	(pc) =	sbr.rel @p0 .LBB2_23-.Ltmp10, $4  }
0x1b4: {  	[tilespmem:s2+$0x14C30] =	vst.add.f32.msk $0xffff, v4  }
0x1b5: {  	[tilespmem:s2+$0x14C40] =	vst.add.f32.msk $0xffff, v0  }
0x1b6: {  	[tilespmem:s2+$0x14C50] =	vst.add.f32.msk $0xffff, v5  }
0x1b7: {  	[tilespmem:s2+$0x14C60] =	vst.add.f32.msk $0xffff, v6;
	s2 =	sshra.s32 s9, $0x2;
	s9 =	sadd.s32 $0x200, s9  }
0x1b8: {  	v0 =	vld [tilespmem:s2+$0x2070]  }
0x1b9: {  	v1 =	vld [tilespmem:s2+$0x2000]  }
0x1ba: {  	v2 =	vld [tilespmem:s2+$0x2010]  }
0x1bb: {  	v3 =	vld [tilespmem:s2+$0x2020]  }
0x1bc: {  	v4 =	vld [tilespmem:s2+$0x2030]  }
0x1bd: {  	v63 =	vld [tilespmem:s2+$0x2040]  }
0x1be: {  	v5 =	vld [tilespmem:s2+$0x2050]  }
0x1bf: {  	v6 =	vld [tilespmem:s2+$0x2060]  }
0x1c0: {  	[tilespmem:s2+$0x14C70] =	vst.add.f32.msk $0xffff, v0  }
0x1c1: {  	[tilespmem:s2+$0x14C00] =	vst.add.f32.msk $0xffff, v1  }
0x1c2: {  	[tilespmem:s2+$0x14C10] =	vst.add.f32.msk $0xffff, v2  }
0x1c3: {  	[tilespmem:s2+$0x14C20] =	vst.add.f32.msk $0xffff, v3  }
0x1c4: {  	[tilespmem:s2+$0x14C30] =	vst.add.f32.msk $0xffff, v4  }
0x1c5: {  	[tilespmem:s2+$0x14C40] =	vst.add.f32.msk $0xffff, v63  }
0x1c6: {  	[tilespmem:s2+$0x14C50] =	vst.add.f32.msk $0xffff, v5  }
0x1c7: {  	[tilespmem:s2+$0x14C60] =	vst.add.f32.msk $0xffff, v6  }
0x1c8: {  	_ =	swait.ge [sflag:s21], $0x3200  }
0x1c9: {  	[sflag:s21] =	ssyncset.done $0x0  }
0x1ca: {  	s9 =	simm.s32 $0x200;
	s2 =	simm.s32 $0x0;
	[sflag:s21] =	ssyncadd.s32 $0xFFFFCE00  }
.LBB2_25:
0x1cb: {  	p0 =	sne.s32 s9, $0xC600;
	v0 =	vld [tilespmem:s2+$0x5270]  }
0x1cc: {  	v1 =	vld [tilespmem:s2+$0x5200]  }
0x1cd: {  	v2 =	vld [tilespmem:s2+$0x5210]  }
0x1ce: {  	v3 =	vld [tilespmem:s2+$0x5220]  }
0x1cf: {  	v4 =	vld [tilespmem:s2+$0x5230]  }
0x1d0: {  	[tilespmem:s2+$0x17E70] =	vst.add.f32.msk $0xffff, v0  }
0x1d1: {  	v0 =	vld [tilespmem:s2+$0x5240]  }
0x1d2: {  	v5 =	vld [tilespmem:s2+$0x5250]  }
0x1d3: {  	v6 =	vld [tilespmem:s2+$0x5260]  }
0x1d4: {  	[tilespmem:s2+$0x17E00] =	vst.add.f32.msk $0xffff, v1  }
0x1d5: {  	[tilespmem:s2+$0x17E10] =	vst.add.f32.msk $0xffff, v2  }
.Ltmp11:
0x1d6: {  	[tilespmem:s2+$0x17E20] =	vst.add.f32.msk $0xffff, v3;
	(pc) =	sbr.rel @p0 .LBB2_25-.Ltmp11, $4  }
0x1d7: {  	[tilespmem:s2+$0x17E30] =	vst.add.f32.msk $0xffff, v4  }
0x1d8: {  	[tilespmem:s2+$0x17E40] =	vst.add.f32.msk $0xffff, v0  }
0x1d9: {  	[tilespmem:s2+$0x17E50] =	vst.add.f32.msk $0xffff, v5  }
0x1da: {  	[tilespmem:s2+$0x17E60] =	vst.add.f32.msk $0xffff, v6;
	s2 =	sshra.s32 s9, $0x2;
	s9 =	sadd.s32 $0x200, s9  }
0x1db: {  	v0 =	vld [tilespmem:s2+$0x5270]  }
0x1dc: {  	v1 =	vld [tilespmem:s2+$0x5200]  }
0x1dd: {  	v2 =	vld [tilespmem:s2+$0x5210]  }
0x1de: {  	v3 =	vld [tilespmem:s2+$0x5220]  }
0x1df: {  	v4 =	vld [tilespmem:s2+$0x5230]  }
0x1e0: {  	v63 =	vld [tilespmem:s2+$0x5240]  }
0x1e1: {  	v5 =	vld [tilespmem:s2+$0x5250]  }
0x1e2: {  	v6 =	vld [tilespmem:s2+$0x5260]  }
0x1e3: {  	[tilespmem:s2+$0x17E70] =	vst.add.f32.msk $0xffff, v0  }
0x1e4: {  	[tilespmem:s2+$0x17E00] =	vst.add.f32.msk $0xffff, v1  }
0x1e5: {  	[tilespmem:s2+$0x17E10] =	vst.add.f32.msk $0xffff, v2  }
0x1e6: {  	s7 =	smul.u32 $0xC8, s7;
	p0 =	sne.s32 s28, $0x9;
	[tilespmem:s2+$0x17E20] =	vst.add.f32.msk $0xffff, v3  }
.Ltmp12:
0x1e7: {  	[tilespmem:s2+$0x17E30] =	vst.add.f32.msk $0xffff, v4;
	(pc) =	sbr.rel @p0 .LBB2_14-.Ltmp12, $4  }
0x1e8: {  	s7 =	sadd.s32 s6, s7;
	[tilespmem:s2+$0x17E40] =	vst.add.f32.msk $0xffff, v63  }
0x1e9: {  	s7 =	sshll.u32 s7, $0x4;
	[tilespmem:s2+$0x17E50] =	vst.add.f32.msk $0xffff, v5  }
0x1ea: {  	s10 =	sadd.s32 s4, s7;
	[tilespmem:s2+$0x17E60] =	vst.add.f32.msk $0xffff, v6  }
0x1eb: {  	[hbm4b:s10+s5] =	stream.linear.scatter [tilespmem:s24], [sflag:$0x9], $0x6400, $0x38;
	[tilespmem:$0x1B000] =	vst v63  }
0x1ec: {  	_ =	swait.ge [sflag:s23], $0x6400  }
0x1ed: {  	[sflag:s23] =	ssyncset.done $0x0  }
0x1ee: {  	s2 =	simm.s32 $0x1F00;
	[sflag:s23] =	ssyncadd.s32 $0xFFFF9C00  }
0x1ef: {  	[tilespmem:s20], [sflag:$0x3] =	stream.indirect.gather [hbm4b:s1+s15], $0x80, s2, s15, $0xb8;
	[tilespmem:$0x1B000] =	vst v63  }
0x1f0: {  	s28 =	simm.s32 $0x1F80  }
0x1f1: {  	[tilespmem:s22], [sflag:$0x4] =	stream.indirect.gather [hbm4b:s1+s15], $0x80, s28, s15, $0xb8;
	[tilespmem:$0x1B000] =	vst v63  }
0x1f2: {  	_ =	swait.ge [sflag:s29], $0x3200  }
0x1f3: {  	[sflag:s29] =	ssyncset.done $0x0  }
0x1f4: {  	s7 =	simm.s32 $0x200;
	s2 =	simm.s32 $0x0;
	[sflag:s29] =	ssyncadd.s32 $0xFFFFCE00  }
.LBB2_28:
0x1f5: {  	p0 =	sne.s32 s7, $0xC600;
	v0 =	vld [tilespmem:s2+$0x2070]  }
0x1f6: {  	v1 =	vld [tilespmem:s2+$0x2000]  }
0x1f7: {  	v2 =	vld [tilespmem:s2+$0x2010]  }
0x1f8: {  	v3 =	vld [tilespmem:s2+$0x2020]  }
0x1f9: {  	v4 =	vld [tilespmem:s2+$0x2030]  }
0x1fa: {  	[tilespmem:s2+$0x8470] =	vst.add.f32.msk $0xffff, v0  }
0x1fb: {  	v0 =	vld [tilespmem:s2+$0x2040]  }
0x1fc: {  	v5 =	vld [tilespmem:s2+$0x2050]  }
0x1fd: {  	v6 =	vld [tilespmem:s2+$0x2060]  }
0x1fe: {  	[tilespmem:s2+$0x8400] =	vst.add.f32.msk $0xffff, v1  }
0x1ff: {  	[tilespmem:s2+$0x8410] =	vst.add.f32.msk $0xffff, v2  }
.Ltmp13:
0x200: {  	[tilespmem:s2+$0x8420] =	vst.add.f32.msk $0xffff, v3;
	(pc) =	sbr.rel @p0 .LBB2_28-.Ltmp13, $4  }
0x201: {  	[tilespmem:s2+$0x8430] =	vst.add.f32.msk $0xffff, v4  }
0x202: {  	[tilespmem:s2+$0x8440] =	vst.add.f32.msk $0xffff, v0  }
0x203: {  	[tilespmem:s2+$0x8450] =	vst.add.f32.msk $0xffff, v5  }
0x204: {  	[tilespmem:s2+$0x8460] =	vst.add.f32.msk $0xffff, v6;
	s2 =	sshra.s32 s7, $0x2;
	s7 =	sadd.s32 $0x200, s7  }
0x205: {  	v0 =	vld [tilespmem:s2+$0x2070]  }
0x206: {  	v1 =	vld [tilespmem:s2+$0x2000]  }
0x207: {  	v2 =	vld [tilespmem:s2+$0x2010]  }
0x208: {  	v3 =	vld [tilespmem:s2+$0x2020]  }
0x209: {  	v4 =	vld [tilespmem:s2+$0x2030]  }
0x20a: {  	v63 =	vld [tilespmem:s2+$0x2040]  }
0x20b: {  	v5 =	vld [tilespmem:s2+$0x2050]  }
0x20c: {  	v6 =	vld [tilespmem:s2+$0x2060]  }
0x20d: {  	[tilespmem:s2+$0x8470] =	vst.add.f32.msk $0xffff, v0  }
0x20e: {  	[tilespmem:s2+$0x8400] =	vst.add.f32.msk $0xffff, v1  }
0x20f: {  	[tilespmem:s2+$0x8410] =	vst.add.f32.msk $0xffff, v2  }
0x210: {  	[tilespmem:s2+$0x8420] =	vst.add.f32.msk $0xffff, v3  }
0x211: {  	[tilespmem:s2+$0x8430] =	vst.add.f32.msk $0xffff, v4  }
0x212: {  	[tilespmem:s2+$0x8440] =	vst.add.f32.msk $0xffff, v63  }
0x213: {  	[tilespmem:s2+$0x8450] =	vst.add.f32.msk $0xffff, v5  }
0x214: {  	[tilespmem:s2+$0x8460] =	vst.add.f32.msk $0xffff, v6  }
0x215: {  	_ =	swait.ge [sflag:s30], $0x3200  }
0x216: {  	[sflag:s30] =	ssyncset.done $0x0  }
0x217: {  	s7 =	simm.s32 $0x200;
	s2 =	simm.s32 $0x0;
	[sflag:s30] =	ssyncadd.s32 $0xFFFFCE00  }
.LBB2_30:
0x218: {  	p0 =	sne.s32 s7, $0xC600;
	v0 =	vld [tilespmem:s2+$0x5270]  }
0x219: {  	v1 =	vld [tilespmem:s2+$0x5200]  }
0x21a: {  	v2 =	vld [tilespmem:s2+$0x5210]  }
0x21b: {  	v3 =	vld [tilespmem:s2+$0x5220]  }
0x21c: {  	v4 =	vld [tilespmem:s2+$0x5230]  }
0x21d: {  	[tilespmem:s2+$0xB670] =	vst.add.f32.msk $0xffff, v0  }
0x21e: {  	v0 =	vld [tilespmem:s2+$0x5240]  }
0x21f: {  	v5 =	vld [tilespmem:s2+$0x5250]  }
0x220: {  	v6 =	vld [tilespmem:s2+$0x5260]  }
0x221: {  	[tilespmem:s2+$0xB600] =	vst.add.f32.msk $0xffff, v1  }
0x222: {  	[tilespmem:s2+$0xB610] =	vst.add.f32.msk $0xffff, v2  }
.Ltmp14:
0x223: {  	[tilespmem:s2+$0xB620] =	vst.add.f32.msk $0xffff, v3;
	(pc) =	sbr.rel @p0 .LBB2_30-.Ltmp14, $4  }
0x224: {  	[tilespmem:s2+$0xB630] =	vst.add.f32.msk $0xffff, v4  }
0x225: {  	[tilespmem:s2+$0xB640] =	vst.add.f32.msk $0xffff, v0  }
0x226: {  	[tilespmem:s2+$0xB650] =	vst.add.f32.msk $0xffff, v5  }
0x227: {  	[tilespmem:s2+$0xB660] =	vst.add.f32.msk $0xffff, v6;
	s2 =	sshra.s32 s7, $0x2;
	s7 =	sadd.s32 $0x200, s7  }
0x228: {  	v0 =	vld [tilespmem:s2+$0x5270]  }
0x229: {  	v1 =	vld [tilespmem:s2+$0x5200]  }
0x22a: {  	v2 =	vld [tilespmem:s2+$0x5210]  }
0x22b: {  	v3 =	vld [tilespmem:s2+$0x5220]  }
0x22c: {  	v4 =	vld [tilespmem:s2+$0x5230]  }
0x22d: {  	v63 =	vld [tilespmem:s2+$0x5240]  }
0x22e: {  	v5 =	vld [tilespmem:s2+$0x5250]  }
0x22f: {  	v6 =	vld [tilespmem:s2+$0x5260]  }
0x230: {  	[tilespmem:s2+$0xB670] =	vst.add.f32.msk $0xffff, v0  }
0x231: {  	[tilespmem:s2+$0xB600] =	vst.add.f32.msk $0xffff, v1  }
0x232: {  	[tilespmem:s2+$0xB610] =	vst.add.f32.msk $0xffff, v2  }
0x233: {  	[tilespmem:s2+$0xB620] =	vst.add.f32.msk $0xffff, v3  }
0x234: {  	[tilespmem:s2+$0xB630] =	vst.add.f32.msk $0xffff, v4  }
0x235: {  	[tilespmem:s2+$0xB640] =	vst.add.f32.msk $0xffff, v63  }
0x236: {  	[tilespmem:s2+$0xB650] =	vst.add.f32.msk $0xffff, v5  }
0x237: {  	s28 =	simm.s32 $0x0;
	[tilespmem:s2+$0xB660] =	vst.add.f32.msk $0xffff, v6  }
0x238: {  	[hbm4b:s11+s28] =	stream.linear.scatter [tilespmem:s16], [sflag:$0x7], $0x6400, $0x38;
	[tilespmem:$0x1B000] =	vst v63  }
0x239: {  	_ =	swait.ge [sflag:s25], $0x6400  }
0x23a: {  	[sflag:s25] =	ssyncset.done $0x0  }
0x23b: {  	[sflag:s25] =	ssyncadd.s32 $0xFFFF9C00  }
0x23c: {  	_ =	swait.ge [sflag:s31], $0x3200  }
0x23d: {  	[sflag:s31] =	ssyncset.done $0x0  }
0x23e: {  	s7 =	simm.s32 $0x200;
	s2 =	simm.s32 $0x0;
	[sflag:s31] =	ssyncadd.s32 $0xFFFFCE00  }
.LBB2_32:
0x23f: {  	p0 =	sne.s32 s7, $0xC600;
	v0 =	vld [tilespmem:s2+$0x2070]  }
0x240: {  	v1 =	vld [tilespmem:s2+$0x2000]  }
0x241: {  	v2 =	vld [tilespmem:s2+$0x2010]  }
0x242: {  	v3 =	vld [tilespmem:s2+$0x2020]  }
0x243: {  	v4 =	vld [tilespmem:s2+$0x2030]  }
0x244: {  	[tilespmem:s2+$0xE870] =	vst.add.f32.msk $0xffff, v0  }
0x245: {  	v0 =	vld [tilespmem:s2+$0x2040]  }
0x246: {  	v5 =	vld [tilespmem:s2+$0x2050]  }
0x247: {  	v6 =	vld [tilespmem:s2+$0x2060]  }
0x248: {  	[tilespmem:s2+$0xE800] =	vst.add.f32.msk $0xffff, v1  }
0x249: {  	[tilespmem:s2+$0xE810] =	vst.add.f32.msk $0xffff, v2  }
.Ltmp15:
0x24a: {  	[tilespmem:s2+$0xE820] =	vst.add.f32.msk $0xffff, v3;
	(pc) =	sbr.rel @p0 .LBB2_32-.Ltmp15, $4  }
0x24b: {  	[tilespmem:s2+$0xE830] =	vst.add.f32.msk $0xffff, v4  }
0x24c: {  	[tilespmem:s2+$0xE840] =	vst.add.f32.msk $0xffff, v0  }
0x24d: {  	[tilespmem:s2+$0xE850] =	vst.add.f32.msk $0xffff, v5  }
0x24e: {  	[tilespmem:s2+$0xE860] =	vst.add.f32.msk $0xffff, v6;
	s2 =	sshra.s32 s7, $0x2;
	s7 =	sadd.s32 $0x200, s7  }
0x24f: {  	v0 =	vld [tilespmem:s2+$0x2070]  }
0x250: {  	v1 =	vld [tilespmem:s2+$0x2000]  }
0x251: {  	v2 =	vld [tilespmem:s2+$0x2010]  }
0x252: {  	v3 =	vld [tilespmem:s2+$0x2020]  }
0x253: {  	v4 =	vld [tilespmem:s2+$0x2030]  }
0x254: {  	v63 =	vld [tilespmem:s2+$0x2040]  }
0x255: {  	v5 =	vld [tilespmem:s2+$0x2050]  }
0x256: {  	v6 =	vld [tilespmem:s2+$0x2060]  }
0x257: {  	[tilespmem:s2+$0xE870] =	vst.add.f32.msk $0xffff, v0  }
0x258: {  	[tilespmem:s2+$0xE800] =	vst.add.f32.msk $0xffff, v1  }
0x259: {  	[tilespmem:s2+$0xE810] =	vst.add.f32.msk $0xffff, v2  }
0x25a: {  	[tilespmem:s2+$0xE820] =	vst.add.f32.msk $0xffff, v3  }
0x25b: {  	[tilespmem:s2+$0xE830] =	vst.add.f32.msk $0xffff, v4  }
0x25c: {  	[tilespmem:s2+$0xE840] =	vst.add.f32.msk $0xffff, v63  }
0x25d: {  	[tilespmem:s2+$0xE850] =	vst.add.f32.msk $0xffff, v5  }
0x25e: {  	[tilespmem:s2+$0xE860] =	vst.add.f32.msk $0xffff, v6  }
0x25f: {  	_ =	swait.ge [sflag:s0], $0x3200  }
0x260: {  	[sflag:s0] =	ssyncset.done $0x0  }
0x261: {  	s7 =	simm.s32 $0x200;
	s2 =	simm.s32 $0x0;
	[sflag:s0] =	ssyncadd.s32 $0xFFFFCE00  }
.LBB2_34:
0x262: {  	p0 =	sne.s32 s7, $0xC600;
	v0 =	vld [tilespmem:s2+$0x5270]  }
0x263: {  	v1 =	vld [tilespmem:s2+$0x5200]  }
0x264: {  	v2 =	vld [tilespmem:s2+$0x5210]  }
0x265: {  	v3 =	vld [tilespmem:s2+$0x5220]  }
0x266: {  	v4 =	vld [tilespmem:s2+$0x5230]  }
0x267: {  	[tilespmem:s2+$0x11A70] =	vst.add.f32.msk $0xffff, v0  }
0x268: {  	v0 =	vld [tilespmem:s2+$0x5240]  }
0x269: {  	v5 =	vld [tilespmem:s2+$0x5250]  }
0x26a: {  	v6 =	vld [tilespmem:s2+$0x5260]  }
0x26b: {  	[tilespmem:s2+$0x11A00] =	vst.add.f32.msk $0xffff, v1  }
0x26c: {  	[tilespmem:s2+$0x11A10] =	vst.add.f32.msk $0xffff, v2  }
.Ltmp16:
0x26d: {  	[tilespmem:s2+$0x11A20] =	vst.add.f32.msk $0xffff, v3;
	(pc) =	sbr.rel @p0 .LBB2_34-.Ltmp16, $4  }
0x26e: {  	[tilespmem:s2+$0x11A30] =	vst.add.f32.msk $0xffff, v4  }
0x26f: {  	[tilespmem:s2+$0x11A40] =	vst.add.f32.msk $0xffff, v0  }
0x270: {  	[tilespmem:s2+$0x11A50] =	vst.add.f32.msk $0xffff, v5  }
0x271: {  	[tilespmem:s2+$0x11A60] =	vst.add.f32.msk $0xffff, v6;
	s2 =	sshra.s32 s7, $0x2;
	s7 =	sadd.s32 $0x200, s7  }
0x272: {  	v0 =	vld [tilespmem:s2+$0x5270]  }
0x273: {  	v1 =	vld [tilespmem:s2+$0x5200]  }
0x274: {  	v2 =	vld [tilespmem:s2+$0x5210]  }
0x275: {  	v3 =	vld [tilespmem:s2+$0x5220]  }
0x276: {  	v4 =	vld [tilespmem:s2+$0x5230]  }
0x277: {  	v63 =	vld [tilespmem:s2+$0x5240]  }
0x278: {  	v5 =	vld [tilespmem:s2+$0x5250]  }
0x279: {  	v6 =	vld [tilespmem:s2+$0x5260]  }
0x27a: {  	[tilespmem:s2+$0x11A70] =	vst.add.f32.msk $0xffff, v0  }
0x27b: {  	[tilespmem:s2+$0x11A00] =	vst.add.f32.msk $0xffff, v1  }
0x27c: {  	[tilespmem:s2+$0x11A10] =	vst.add.f32.msk $0xffff, v2  }
0x27d: {  	[tilespmem:s2+$0x11A20] =	vst.add.f32.msk $0xffff, v3  }
0x27e: {  	[tilespmem:s2+$0x11A30] =	vst.add.f32.msk $0xffff, v4  }
0x27f: {  	[tilespmem:s2+$0x11A40] =	vst.add.f32.msk $0xffff, v63  }
0x280: {  	[tilespmem:s2+$0x11A50] =	vst.add.f32.msk $0xffff, v5  }
0x281: {  	s17 =	sadd.s32 $0x1, s17;
	[tilespmem:s2+$0x11A60] =	vst.add.f32.msk $0xffff, v6  }
0x282: {  	[hbm4b:s12+s5] =	stream.linear.scatter [tilespmem:s20], [sflag:$0x8], $0x6400, $0x38;
	[tilespmem:$0x1B000] =	vst v63  }
0x283: {  	p0 =	sne.s32 s17, s13;
	_ =	swait.ge [sflag:s3], $0x6400  }
.Ltmp17:
0x284: {  	[sflag:s3] =	ssyncset.done $0x0;
	(pc) =	sbr.rel @p0 .LBB2_1-.Ltmp17, $4  }
0x285: {  	[sflag:s3] =	ssyncadd.s32 $0xFFFF9C00  }
0x286: {  	_ =	swait.ge [sflag:s23], $0x6400  }
0x287: {  	[sflag:s23] =	ssyncset.done $0x0  }
0x288: {  	[sflag:s23] =	ssyncadd.s32 $0xFFFF9C00  }
0x289: {  	_ =	sfence.sel $0x180000  }
0x28a: {  	[bflag:$0x0] =	sbarrier.arrive $0xFFFF  }
0x28b: {  	_ =	strace $0x90000047  }
0x28c: {  	s0 =	stileid.u32;
	[bflag:$0x2] =	sbarrier.arrive $0xFFFF  }
0x28d: {  	p0 =	sne.s32 s0, $0x0;
	s0 =	rddreg [dreg:$0x4]  }
0x28e: {  	s0 =	sadd.s32 @!p0 $0x100000, s0  }
0x28f: {  	[sflag:s0] =	ssyncadd.tile.s32 @!p0 $0x1;
	_ =	shalt  }
.Lfunc_end2:
_tile_overlayer_lowered:
.L_overlay_start_2:
0x290: {  	(tag) =	ssettag $0x2  }
0x291: {  	s0 =	rddreg [dreg:$0x0];
	s2 =	stileid.u32  }
0x292: {  	s1 =	rddreg [dreg:$0x1];
	p0 =	sne.s32 s2, $0x0  }
0x293: {  	s3 =	rddreg [dreg:$0x2];
	[bflag:$0x3] =	sbarrier.arrive $0xFFFF;
	s2 =	simm.s32 @!p0 $0x1C0A  }
0x294: {  	[timem:s3], [sflag:s2] =	dma.local @!p0 [hbm:s0], s1  }
0x295: {  	s0 =	simm.s32 @!p0 $0xA  }
0x296: {  	_ =	swait.ge @!p0 [sflag:s0], s1  }
0x297: {  	s1 =	ssub.s32 @!p0 $0x0, s1;
	[sflag:s0] =	ssyncset.done @!p0 $0x0  }
0x298: {  	[sflag:s0] =	ssyncadd.s32 @!p0 s1  }
0x299: {  	[bflag:$0x3] =	sbarrier.arrive $0xFFFF  }
0x29a: {  	_ =	shalt  }

</sc_bundles>
